<compile_context>
chip_gen: v7x
topology: tpu7x:2x2x1
jax: 0.10.2.dev20260603
libtpu: 0.0.44.dev20260713+nightly
codegen_flags: <defaults>
</compile_context>

<pallas_src>
import functools

import jax
import jax.numpy as jnp
from jax import lax
from jax.experimental import pallas as pl
from jax.experimental.pallas import tpu as pltpu
from jax.experimental.pallas import tpu_sc as plsc

NC = 2
NS = 16
NW = NC * NS
CHUNK = 128
NBUF = 4
GLAG = 2
LANES = 128


def _gather_kernel(table128, idx_flat, out_type, emb_dim):
    total = idx_flat.shape[0]
    per_w = total // NW
    steps = per_w // CHUNK
    gpr = LANES // emb_dim
    rpc = CHUNK // gpr
    assert steps >= NBUF and rpc * gpr == CHUNK
    mesh = plsc.VectorSubcoreMesh(core_axis_name="c", subcore_axis_name="s")

    scratch = (
        [pltpu.VMEM((CHUNK,), jnp.int32) for _ in range(NBUF)]
        + [pltpu.VMEM((CHUNK,), jnp.int32) for _ in range(NBUF)]
        + [pltpu.VMEM((CHUNK, LANES), jnp.float32) for _ in range(NBUF)]
        + [pltpu.VMEM((rpc, LANES), jnp.float32) for _ in range(NBUF)]
        + [pltpu.SemaphoreType.DMA] * (3 * NBUF)
    )

    @functools.partial(
        pl.kernel,
        mesh=mesh,
        out_type=out_type,
        scratch_types=scratch,
    )
    def k(table_hbm, idx_hbm, out_hbm, *scr):
        idx_v = scr[:NBUF]
        idx8_v = scr[NBUF:2 * NBUF]
        rows_v = scr[2 * NBUF:3 * NBUF]
        pack_v = scr[3 * NBUF:4 * NBUF]
        sem_i = scr[4 * NBUF:5 * NBUF]
        sem_g = scr[5 * NBUF:6 * NBUF]
        sem_o = scr[6 * NBUF:7 * NBUF]
        wid = lax.axis_index("s") * NC + lax.axis_index("c")
        base0 = wid * per_w
        obase0 = wid * (per_w // gpr)

        def idx_load(chunk, b):
            pltpu.async_copy(idx_hbm.at[pl.ds(base0 + chunk * CHUNK, CHUNK)],
                             idx_v[b], sem_i[b])

        def idx_wait(b):
            pltpu.make_async_copy(idx_hbm.at[pl.ds(0, CHUNK)], idx_v[b],
                                  sem_i[b]).wait()

        def shift_idx(b):
            for v in range(CHUNK // 16):
                idx8_v[b][pl.ds(v * 16, 16)] = (
                    idx_v[b][pl.ds(v * 16, 16)] >> 3)

        def gather_fire(b):
            pltpu.async_copy(table_hbm.at[idx8_v[b]], rows_v[b], sem_g[b])

        def gather_wait(b):
            pltpu.make_async_copy(table_hbm.at[idx8_v[b]], rows_v[b],
                                  sem_g[b]).wait()

        def extract(b):
            @pl.loop(0, CHUNK // 16)
            def _(m):
                offv = (idx_v[b][pl.ds(m * 16, 16)] & 7) * emb_dim
                for t in range(16):
                    r = m * 16 + t
                    p = 2 * m + t // gpr
                    pack_v[b][p, pl.ds((t % gpr) * emb_dim, emb_dim)] = (
                        rows_v[b][r, pl.ds(offv[t], emb_dim)])

        def store_fire(chunk, b):
            pltpu.async_copy(pack_v[b],
                             out_hbm.at[pl.ds(obase0 + chunk * rpc, rpc)],
                             sem_o[b])

        def store_wait(b):
            pltpu.make_async_copy(pack_v[b], out_hbm.at[pl.ds(0, rpc)],
                                  sem_o[b]).wait()

        for c in range(NBUF):
            idx_load(c, c)

        @pl.loop(0, steps)
        def _(g):
            b = lax.rem(g, NBUF)

            def on_buf(bg):
                bl = (bg - GLAG) % NBUF

                @pl.when(g >= NBUF)
                def _():
                    store_wait(bg)

                idx_wait(bg)
                shift_idx(bg)
                gather_fire(bg)

                @pl.when(g >= GLAG)
                def _():
                    gather_wait(bl)
                    extract(bl)
                    store_fire(g - GLAG, bl)

                    @pl.when(g + (NBUF - GLAG) < steps)
                    def _():
                        idx_load(g + (NBUF - GLAG), bl)

            for r in range(NBUF):
                @pl.when(b == r)
                def _(r=r):
                    on_buf(r)

        for j in range(steps - GLAG, steps):
            bj = j % NBUF
            gather_wait(bj)
            extract(bj)
            store_fire(j, bj)
        for b in range(NBUF):
            store_wait(b)

    return k(table128, idx_flat)


def kernel(indices, table):
    n_rows, n_cols = indices.shape
    emb_dim = table.shape[1]
    total = n_rows * n_cols
    idx_flat = indices.astype(jnp.int32).reshape(total)
    table128 = table.reshape(table.shape[0] * emb_dim // LANES, LANES)
    out128 = jax.ShapeDtypeStruct((total * emb_dim // LANES, LANES),
                                  jnp.float32)
    out = _gather_kernel(table128, idx_flat, out128, emb_dim)
    return out.reshape(n_rows, n_cols, emb_dim)

# --- scband reference (transcript-rebuilt; emitter-appended) ---
"""Pipeline reference for scband-autoencoder-86105504350857 (READ-ONLY COPY).

The authoritative reference and input builder live on the scoring server;
editing this copy changes nothing except your own understanding.
"""

import jax, jax.numpy as jnp
import numpy as np

NUM_EMBEDDINGS = 1000000
EMBEDDING_DIM = 16


def setup_inputs(seed: int = 0) -> dict:
    key = jax.random.key(seed)
    k_idx, k_tab = jax.random.split(key)
    indices = jax.random.randint(k_idx, (16384, 200), 0, NUM_EMBEDDINGS, dtype=jnp.int64 if jax.config.jax_enable_x64 else jnp.int32)
    table = jax.random.normal(k_tab, (NUM_EMBEDDINGS, EMBEDDING_DIM), dtype=jnp.float32)
    # nn.Embedding with padding_idx=-1 -> row at index num_embeddings-1 is zeros
    table = table.at[NUM_EMBEDDINGS - 1].set(0.0)
    return {"indices": indices, "table": table}


def reference(indices, table):
    # Faithful translation of nn.Embedding forward: gather rows of the table.
    return jnp.take(table, indices, axis=0)

if __name__ == "__main__":
    import jax
    _d = setup_inputs()
    print(jax.jit(kernel)(*tuple(_d.values())))

</pallas_src>

<mosaic_0001>
#map = affine_map<(d0, d1) -> (0, 0)>
#map1 = affine_map<(d0, d1) -> (0)>
module attributes {stable_mosaic.version = 14 : i64} {
  func.func @k(%arg0: i32, %arg1: i32, %arg2: memref<125000x128xf32, #tpu.memory_space<hbm>>, %arg3: memref<3276800xi32, #tpu.memory_space<hbm>>, %arg4: memref<409600x128xf32, #tpu.memory_space<hbm>>, %arg5: memref<128xi32, #tpu.memory_space<vmem>>, %arg6: memref<128xi32, #tpu.memory_space<vmem>>, %arg7: memref<128xi32, #tpu.memory_space<vmem>>, %arg8: memref<128xi32, #tpu.memory_space<vmem>>, %arg9: memref<128xi32, #tpu.memory_space<vmem>>, %arg10: memref<128xi32, #tpu.memory_space<vmem>>, %arg11: memref<128xi32, #tpu.memory_space<vmem>>, %arg12: memref<128xi32, #tpu.memory_space<vmem>>, %arg13: memref<128x128xf32, #tpu.memory_space<vmem>>, %arg14: memref<128x128xf32, #tpu.memory_space<vmem>>, %arg15: memref<128x128xf32, #tpu.memory_space<vmem>>, %arg16: memref<128x128xf32, #tpu.memory_space<vmem>>, %arg17: memref<16x128xf32, #tpu.memory_space<vmem>>, %arg18: memref<16x128xf32, #tpu.memory_space<vmem>>, %arg19: memref<16x128xf32, #tpu.memory_space<vmem>>, %arg20: memref<16x128xf32, #tpu.memory_space<vmem>>, %arg21: memref<!tpu.dma_semaphore, #tpu.memory_space<semaphore_mem>>, %arg22: memref<!tpu.dma_semaphore, #tpu.memory_space<semaphore_mem>>, %arg23: memref<!tpu.dma_semaphore, #tpu.memory_space<semaphore_mem>>, %arg24: memref<!tpu.dma_semaphore, #tpu.memory_space<semaphore_mem>>, %arg25: memref<!tpu.dma_semaphore, #tpu.memory_space<semaphore_mem>>, %arg26: memref<!tpu.dma_semaphore, #tpu.memory_space<semaphore_mem>>, %arg27: memref<!tpu.dma_semaphore, #tpu.memory_space<semaphore_mem>>, %arg28: memref<!tpu.dma_semaphore, #tpu.memory_space<semaphore_mem>>, %arg29: memref<!tpu.dma_semaphore, #tpu.memory_space<semaphore_mem>>, %arg30: memref<!tpu.dma_semaphore, #tpu.memory_space<semaphore_mem>>, %arg31: memref<!tpu.dma_semaphore, #tpu.memory_space<semaphore_mem>>, %arg32: memref<!tpu.dma_semaphore, #tpu.memory_space<semaphore_mem>>) attributes {dimension_semantics = [#tpu.dimension_semantics<core_parallel>, #tpu.dimension_semantics<subcore_parallel>], iteration_bounds = array<i64: 2, 16>, scalar_prefetch = 0 : i64, scratch_operands = 28 : i64, tpu.core_type = #tpu.core_type<sc_vector_subcore>, window_params = [{transform_indices = #map}, {transform_indices = #map1}, {transform_indices = #map}]} {
    %mul3A = arith.constant 2 : i32
    %mul3A_0 = arith.muli %arg1, %mul3A : i32
    %add3A = arith.addi %mul3A_0, %arg0 : i32
    %mul3A_1 = arith.constant 102400 : i32
    %mul3A_2 = arith.muli %add3A, %mul3A_1 : i32
    %mul3A_3 = arith.constant 12800 : i32
    %mul3A_4 = arith.muli %add3A, %mul3A_3 : i32
    %add3A_5 = arith.constant 0 : i32
    %add3A_6 = arith.addi %mul3A_2, %add3A_5 : i32
    %dma_start3A = tpu.memref_slice %arg3[%add3A_6] : memref<3276800xi32, #tpu.memory_space<hbm>> -> memref<128xi32, #tpu.memory_space<hbm>>
    %dma_start3A_7 = tpu.memref_slice %arg3[%add3A_6] : memref<3276800xi32, #tpu.memory_space<hbm>> -> memref<128xi32, #tpu.memory_space<hbm>>
    tpu.enqueue_dma source(%dma_start3A_7 : memref<128xi32, #tpu.memory_space<hbm>>) target(%arg5 : memref<128xi32, #tpu.memory_space<vmem>>) target_semaphore(%arg21 : memref<!tpu.dma_semaphore, #tpu.memory_space<semaphore_mem>>)
    %add3A_8 = arith.constant 128 : i32
    %add3A_9 = arith.addi %mul3A_2, %add3A_8 : i32
    %dma_start3A_10 = tpu.memref_slice %arg3[%add3A_9] : memref<3276800xi32, #tpu.memory_space<hbm>> -> memref<128xi32, #tpu.memory_space<hbm>>
    %dma_start3A_11 = tpu.memref_slice %arg3[%add3A_9] : memref<3276800xi32, #tpu.memory_space<hbm>> -> memref<128xi32, #tpu.memory_space<hbm>>
    tpu.enqueue_dma source(%dma_start3A_11 : memref<128xi32, #tpu.memory_space<hbm>>) target(%arg6 : memref<128xi32, #tpu.memory_space<vmem>>) target_semaphore(%arg22 : memref<!tpu.dma_semaphore, #tpu.memory_space<semaphore_mem>>)
    %add3A_12 = arith.constant 256 : i32
    %add3A_13 = arith.addi %mul3A_2, %add3A_12 : i32
    %dma_start3A_14 = tpu.memref_slice %arg3[%add3A_13] : memref<3276800xi32, #tpu.memory_space<hbm>> -> memref<128xi32, #tpu.memory_space<hbm>>
    %dma_start3A_15 = tpu.memref_slice %arg3[%add3A_13] : memref<3276800xi32, #tpu.memory_space<hbm>> -> memref<128xi32, #tpu.memory_space<hbm>>
    tpu.enqueue_dma source(%dma_start3A_15 : memref<128xi32, #tpu.memory_space<hbm>>) target(%arg7 : memref<128xi32, #tpu.memory_space<vmem>>) target_semaphore(%arg23 : memref<!tpu.dma_semaphore, #tpu.memory_space<semaphore_mem>>)
    %add3A_16 = arith.constant 384 : i32
    %add3A_17 = arith.addi %mul3A_2, %add3A_16 : i32
    %dma_start3A_18 = tpu.memref_slice %arg3[%add3A_17] : memref<3276800xi32, #tpu.memory_space<hbm>> -> memref<128xi32, #tpu.memory_space<hbm>>
    %dma_start3A_19 = tpu.memref_slice %arg3[%add3A_17] : memref<3276800xi32, #tpu.memory_space<hbm>> -> memref<128xi32, #tpu.memory_space<hbm>>
    tpu.enqueue_dma source(%dma_start3A_19 : memref<128xi32, #tpu.memory_space<hbm>>) target(%arg8 : memref<128xi32, #tpu.memory_space<vmem>>) target_semaphore(%arg24 : memref<!tpu.dma_semaphore, #tpu.memory_space<semaphore_mem>>)
    %scan3A = arith.constant 0 : i32
    %scan3A_20 = arith.constant 800 : i32
    %scan3A_21 = arith.addi %scan3A, %scan3A_20 : i32
    %scan3A_22 = arith.constant 1 : i32
    scf.for %scan3A_75 = %scan3A to %scan3A_21 step %scan3A_22  : i32 {
      %mul3A_76 = arith.constant 1 : i32
      %mul3A_77 = arith.muli %scan3A_75, %mul3A_76 : i32
      %add3A_78 = arith.constant 0 : i32
      %add3A_79 = arith.addi %add3A_78, %mul3A_77 : i32
      %rem3A = arith.constant 4 : i32
      %rem3A_80 = arith.remsi %add3A_79, %rem3A : i32
      %eq3A = arith.constant 0 : i32
      %eq3A_81 = arith.cmpi eq, %rem3A_80, %eq3A : i32
      %convert_element_type3A = arith.extui %eq3A_81 : i1 to i32
      %cond3A = arith.constant 0 : i32
      %cond3A_82 = arith.cmpi ne, %convert_element_type3A, %cond3A : i32
      scf.if %cond3A_82 {
        %ge3A = arith.constant 4 : i32
        %ge3A_98 = arith.cmpi sge, %add3A_79, %ge3A : i32
        %convert_element_type3A_99 = arith.extui %ge3A_98 : i1 to i32
        %cond3A_100 = arith.constant 0 : i32
        %cond3A_101 = arith.cmpi ne, %convert_element_type3A_99, %cond3A_100 : i32
        scf.if %cond3A_101 {
          %dma_wait3A_191 = arith.constant 0 : i32
          %dma_wait3A_192 = arith.constant 0 : i32
          %dma_wait3A_193 = tpu.memref_slice %arg4[%dma_wait3A_191, %dma_wait3A_192] : memref<409600x128xf32, #tpu.memory_space<hbm>> -> memref<16x128xf32, #tpu.memory_space<hbm>>
          %dma_wait3A_194 = arith.constant 0 : i32
          %dma_wait3A_195 = arith.constant 0 : i32
          %dma_wait3A_196 = tpu.memref_slice %arg4[%dma_wait3A_194, %dma_wait3A_195] : memref<409600x128xf32, #tpu.memory_space<hbm>> -> memref<16x128xf32, #tpu.memory_space<hbm>>
          tpu.wait_dma2 semaphore(%arg29 : memref<!tpu.dma_semaphore, #tpu.memory_space<semaphore_mem>>) src(%arg17 : memref<16x128xf32, #tpu.memory_space<vmem>>) dst(%dma_wait3A_196 : memref<16x128xf32, #tpu.memory_space<hbm>>)
        } else {
        }
        %dma_wait3A_102 = arith.constant 0 : i32
        %dma_wait3A_103 = tpu.memref_slice %arg3[%dma_wait3A_102] : memref<3276800xi32, #tpu.memory_space<hbm>> -> memref<128xi32, #tpu.memory_space<hbm>>
        %dma_wait3A_104 = arith.constant 0 : i32
        %dma_wait3A_105 = tpu.memref_slice %arg3[%dma_wait3A_104] : memref<3276800xi32, #tpu.memory_space<hbm>> -> memref<128xi32, #tpu.memory_space<hbm>>
        tpu.wait_dma2 semaphore(%arg21 : memref<!tpu.dma_semaphore, #tpu.memory_space<semaphore_mem>>) src(%dma_wait3A_105 : memref<128xi32, #tpu.memory_space<hbm>>) dst(%arg5 : memref<128xi32, #tpu.memory_space<vmem>>)
        %get3A = arith.constant 0 : index
        %get3A_106 = tpu.vector_load %arg5[%get3A] {strides = array<i32>} : memref<128xi32, #tpu.memory_space<vmem>>, vector<16xi32>,
        %get3A_107 = vector.shape_cast %get3A_106 : vector<16xi32> to vector<16xi32>
        %shift_right_arithmetic3A = arith.constant 3 : i32
        %shift_right_arithmetic3A_108 = vector.broadcast %shift_right_arithmetic3A : i32 to vector<16xi32>
        %shift_right_arithmetic3A_109 = arith.shrsi %get3A_107, %shift_right_arithmetic3A_108 : vector<16xi32>
        %swap3A = arith.constant 0 : index
        %swap3A_110 = tpu.vector_load %arg9[%swap3A] {strides = array<i32>} : memref<128xi32, #tpu.memory_space<vmem>>, vector<16xi32>,
        %swap3A_111 = vector.shape_cast %swap3A_110 : vector<16xi32> to vector<16xi32>
        %swap3A_112 = vector.shape_cast %shift_right_arithmetic3A_109 : vector<16xi32> to vector<16xi32>
        tpu.vector_store %arg9[%swap3A], %swap3A_112 {strides = array<i32>} : memref<128xi32, #tpu.memory_space<vmem>>, vector<16xi32>,
        %get3A_113 = arith.constant 16 : index
        %get3A_114 = tpu.vector_load %arg5[%get3A_113] {strides = array<i32>} : memref<128xi32, #tpu.memory_space<vmem>>, vector<16xi32>,
        %get3A_115 = vector.shape_cast %get3A_114 : vector<16xi32> to vector<16xi32>
        %shift_right_arithmetic3A_116 = arith.constant 3 : i32
        %shift_right_arithmetic3A_117 = vector.broadcast %shift_right_arithmetic3A_116 : i32 to vector<16xi32>
        %shift_right_arithmetic3A_118 = arith.shrsi %get3A_115, %shift_right_arithmetic3A_117 : vector<16xi32>
        %swap3A_119 = arith.constant 16 : index
        %swap3A_120 = tpu.vector_load %arg9[%swap3A_119] {strides = array<i32>} : memref<128xi32, #tpu.memory_space<vmem>>, vector<16xi32>,
        %swap3A_121 = vector.shape_cast %swap3A_120 : vector<16xi32> to vector<16xi32>
        %swap3A_122 = vector.shape_cast %shift_right_arithmetic3A_118 : vector<16xi32> to vector<16xi32>
        tpu.vector_store %arg9[%swap3A_119], %swap3A_122 {strides = array<i32>} : memref<128xi32, #tpu.memory_space<vmem>>, vector<16xi32>,
        %get3A_123 = arith.constant 32 : index
        %get3A_124 = tpu.vector_load %arg5[%get3A_123] {strides = array<i32>} : memref<128xi32, #tpu.memory_space<vmem>>, vector<16xi32>,
        %get3A_125 = vector.shape_cast %get3A_124 : vector<16xi32> to vector<16xi32>
        %shift_right_arithmetic3A_126 = arith.constant 3 : i32
        %shift_right_arithmetic3A_127 = vector.broadcast %shift_right_arithmetic3A_126 : i32 to vector<16xi32>
        %shift_right_arithmetic3A_128 = arith.shrsi %get3A_125, %shift_right_arithmetic3A_127 : vector<16xi32>
        %swap3A_129 = arith.constant 32 : index
        %swap3A_130 = tpu.vector_load %arg9[%swap3A_129] {strides = array<i32>} : memref<128xi32, #tpu.memory_space<vmem>>, vector<16xi32>,
        %swap3A_131 = vector.shape_cast %swap3A_130 : vector<16xi32> to vector<16xi32>
        %swap3A_132 = vector.shape_cast %shift_right_arithmetic3A_128 : vector<16xi32> to vector<16xi32>
        tpu.vector_store %arg9[%swap3A_129], %swap3A_132 {strides = array<i32>} : memref<128xi32, #tpu.memory_space<vmem>>, vector<16xi32>,
        %get3A_133 = arith.constant 48 : index
        %get3A_134 = tpu.vector_load %arg5[%get3A_133] {strides = array<i32>} : memref<128xi32, #tpu.memory_space<vmem>>, vector<16xi32>,
        %get3A_135 = vector.shape_cast %get3A_134 : vector<16xi32> to vector<16xi32>
        %shift_right_arithmetic3A_136 = arith.constant 3 : i32
        %shift_right_arithmetic3A_137 = vector.broadcast %shift_right_arithmetic3A_136 : i32 to vector<16xi32>
        %shift_right_arithmetic3A_138 = arith.shrsi %get3A_135, %shift_right_arithmetic3A_137 : vector<16xi32>
        %swap3A_139 = arith.constant 48 : index
        %swap3A_140 = tpu.vector_load %arg9[%swap3A_139] {strides = array<i32>} : memref<128xi32, #tpu.memory_space<vmem>>, vector<16xi32>,
        %swap3A_141 = vector.shape_cast %swap3A_140 : vector<16xi32> to vector<16xi32>
        %swap3A_142 = vector.shape_cast %shift_right_arithmetic3A_138 : vector<16xi32> to vector<16xi32>
        tpu.vector_store %arg9[%swap3A_139], %swap3A_142 {strides = array<i32>} : memref<128xi32, #tpu.memory_space<vmem>>, vector<16xi32>,
        %get3A_143 = arith.constant 64 : index
        %get3A_144 = tpu.vector_load %arg5[%get3A_143] {strides = array<i32>} : memref<128xi32, #tpu.memory_space<vmem>>, vector<16xi32>,
        %get3A_145 = vector.shape_cast %get3A_144 : vector<16xi32> to vector<16xi32>
        %shift_right_arithmetic3A_146 = arith.constant 3 : i32
        %shift_right_arithmetic3A_147 = vector.broadcast %shift_right_arithmetic3A_146 : i32 to vector<16xi32>
        %shift_right_arithmetic3A_148 = arith.shrsi %get3A_145, %shift_right_arithmetic3A_147 : vector<16xi32>
        %swap3A_149 = arith.constant 64 : index
        %swap3A_150 = tpu.vector_load %arg9[%swap3A_149] {strides = array<i32>} : memref<128xi32, #tpu.memory_space<vmem>>, vector<16xi32>,
        %swap3A_151 = vector.shape_cast %swap3A_150 : vector<16xi32> to vector<16xi32>
        %swap3A_152 = vector.shape_cast %shift_right_arithmetic3A_148 : vector<16xi32> to vector<16xi32>
        tpu.vector_store %arg9[%swap3A_149], %swap3A_152 {strides = array<i32>} : memref<128xi32, #tpu.memory_space<vmem>>, vector<16xi32>,
        %get3A_153 = arith.constant 80 : index
        %get3A_154 = tpu.vector_load %arg5[%get3A_153] {strides = array<i32>} : memref<128xi32, #tpu.memory_space<vmem>>, vector<16xi32>,
        %get3A_155 = vector.shape_cast %get3A_154 : vector<16xi32> to vector<16xi32>
        %shift_right_arithmetic3A_156 = arith.constant 3 : i32
        %shift_right_arithmetic3A_157 = vector.broadcast %shift_right_arithmetic3A_156 : i32 to vector<16xi32>
        %shift_right_arithmetic3A_158 = arith.shrsi %get3A_155, %shift_right_arithmetic3A_157 : vector<16xi32>
        %swap3A_159 = arith.constant 80 : index
        %swap3A_160 = tpu.vector_load %arg9[%swap3A_159] {strides = array<i32>} : memref<128xi32, #tpu.memory_space<vmem>>, vector<16xi32>,
        %swap3A_161 = vector.shape_cast %swap3A_160 : vector<16xi32> to vector<16xi32>
        %swap3A_162 = vector.shape_cast %shift_right_arithmetic3A_158 : vector<16xi32> to vector<16xi32>
        tpu.vector_store %arg9[%swap3A_159], %swap3A_162 {strides = array<i32>} : memref<128xi32, #tpu.memory_space<vmem>>, vector<16xi32>,
        %get3A_163 = arith.constant 96 : index
        %get3A_164 = tpu.vector_load %arg5[%get3A_163] {strides = array<i32>} : memref<128xi32, #tpu.memory_space<vmem>>, vector<16xi32>,
        %get3A_165 = vector.shape_cast %get3A_164 : vector<16xi32> to vector<16xi32>
        %shift_right_arithmetic3A_166 = arith.constant 3 : i32
        %shift_right_arithmetic3A_167 = vector.broadcast %shift_right_arithmetic3A_166 : i32 to vector<16xi32>
        %shift_right_arithmetic3A_168 = arith.shrsi %get3A_165, %shift_right_arithmetic3A_167 : vector<16xi32>
        %swap3A_169 = arith.constant 96 : index
        %swap3A_170 = tpu.vector_load %arg9[%swap3A_169] {strides = array<i32>} : memref<128xi32, #tpu.memory_space<vmem>>, vector<16xi32>,
        %swap3A_171 = vector.shape_cast %swap3A_170 : vector<16xi32> to vector<16xi32>
        %swap3A_172 = vector.shape_cast %shift_right_arithmetic3A_168 : vector<16xi32> to vector<16xi32>
        tpu.vector_store %arg9[%swap3A_169], %swap3A_172 {strides = array<i32>} : memref<128xi32, #tpu.memory_space<vmem>>, vector<16xi32>,
        %get3A_173 = arith.constant 112 : index
        %get3A_174 = tpu.vector_load %arg5[%get3A_173] {strides = array<i32>} : memref<128xi32, #tpu.memory_space<vmem>>, vector<16xi32>,
        %get3A_175 = vector.shape_cast %get3A_174 : vector<16xi32> to vector<16xi32>
        %shift_right_arithmetic3A_176 = arith.constant 3 : i32
        %shift_right_arithmetic3A_177 = vector.broadcast %shift_right_arithmetic3A_176 : i32 to vector<16xi32>
        %shift_right_arithmetic3A_178 = arith.shrsi %get3A_175, %shift_right_arithmetic3A_177 : vector<16xi32>
        %swap3A_179 = arith.constant 112 : index
        %swap3A_180 = tpu.vector_load %arg9[%swap3A_179] {strides = array<i32>} : memref<128xi32, #tpu.memory_space<vmem>>, vector<16xi32>,
        %swap3A_181 = vector.shape_cast %swap3A_180 : vector<16xi32> to vector<16xi32>
        %swap3A_182 = vector.shape_cast %shift_right_arithmetic3A_178 : vector<16xi32> to vector<16xi32>
        tpu.vector_store %arg9[%swap3A_179], %swap3A_182 {strides = array<i32>} : memref<128xi32, #tpu.memory_space<vmem>>, vector<16xi32>,
        %dma_start3A_183 = arith.constant 0 : i32
        %dma_start3A_184 = arith.constant 0 : i32
        %dma_start3A_185 = tpu.memref_slice %arg2[%dma_start3A_183, %dma_start3A_184] : memref<125000x128xf32, #tpu.memory_space<hbm>> -> memref<125000x128xf32, #tpu.memory_space<hbm>>
        tpu.enqueue_indirect_dma source(%dma_start3A_185 : memref<125000x128xf32, #tpu.memory_space<hbm>>) target(%arg13 : memref<128x128xf32, #tpu.memory_space<vmem>>) offsets(%arg9 : memref<128xi32, #tpu.memory_space<vmem>>) semaphore(%arg25 : memref<!tpu.dma_semaphore, #tpu.memory_space<semaphore_mem>>)
        %ge3A_186 = arith.constant 2 : i32
        %ge3A_187 = arith.cmpi sge, %add3A_79, %ge3A_186 : i32
        %convert_element_type3A_188 = arith.extui %ge3A_187 : i1 to i32
        %cond3A_189 = arith.constant 0 : i32
        %cond3A_190 = arith.cmpi ne, %convert_element_type3A_188, %cond3A_189 : i32
        scf.if %cond3A_190 {
          %dma_wait3A_191 = arith.constant 0 : i32
          %dma_wait3A_192 = arith.constant 0 : i32
          %dma_wait3A_193 = tpu.memref_slice %arg2[%dma_wait3A_191, %dma_wait3A_192] : memref<125000x128xf32, #tpu.memory_space<hbm>> -> memref<125000x128xf32, #tpu.memory_space<hbm>>
          tpu.wait_indirect_dma semaphore(%arg27 : memref<!tpu.dma_semaphore, #tpu.memory_space<semaphore_mem>>) src(%dma_wait3A_193 : memref<125000x128xf32, #tpu.memory_space<hbm>>) dst(%arg15 : memref<128x128xf32, #tpu.memory_space<vmem>>)
          %scan3A_194 = arith.constant 0 : i32
          %scan3A_195 = arith.constant 8 : i32
          %scan3A_196 = arith.addi %scan3A_194, %scan3A_195 : i32
          %scan3A_197 = arith.constant 1 : i32
          scf.for %scan3A_213 = %scan3A_194 to %scan3A_196 step %scan3A_197  : i32 {
            %mul3A_214 = arith.constant 1 : i32
            %mul3A_215 = arith.muli %scan3A_213, %mul3A_214 : i32
            %add3A_216 = arith.constant 0 : i32
            %add3A_217 = arith.addi %add3A_216, %mul3A_215 : i32
            %mul3A_218 = arith.constant 16 : i32
            %mul3A_219 = arith.muli %add3A_217, %mul3A_218 : i32
            %get3A_220 = arith.index_cast %mul3A_219 : i32 to index
            %get3A_221 = tpu.vector_load %arg7[%get3A_220] {strides = array<i32>} : memref<128xi32, #tpu.memory_space<vmem>>, vector<16xi32>,
            %get3A_222 = vector.shape_cast %get3A_221 : vector<16xi32> to vector<16xi32>
            %and3A = arith.constant 7 : i32
            %and3A_223 = vector.broadcast %and3A : i32 to vector<16xi32>
            %and3A_224 = arith.andi %get3A_222, %and3A_223 : vector<16xi32>
            %mul3A_225 = arith.constant 16 : i32
            %mul3A_226 = vector.broadcast %mul3A_225 : i32 to vector<16xi32>
            %mul3A_227 = arith.muli %and3A_224, %mul3A_226 : vector<16xi32>
            %mul3A_228 = arith.constant 16 : i32
            %mul3A_229 = arith.muli %add3A_217, %mul3A_228 : i32
            %add3A_230 = arith.constant 0 : i32
            %add3A_231 = arith.addi %mul3A_229, %add3A_230 : i32
            %mul3A_232 = arith.constant 2 : i32
            %mul3A_233 = arith.muli %mul3A_232, %add3A_217 : i32
            %add3A_234 = arith.constant 0 : i32
            %add3A_235 = arith.addi %mul3A_233, %add3A_234 : i32
            %slice3A = vector.extract_strided_slice %mul3A_227 {offsets = [0], sizes = [1], strides = [1]} : vector<16xi32> to vector<1xi32>
            %squeeze3A = vector.extract %slice3A[0] : i32 from vector<1xi32>
            %get3A_236 = arith.index_cast %add3A_231 : i32 to index
            %get3A_237 = arith.index_cast %squeeze3A : i32 to index
            %get3A_238 = tpu.vector_load %arg15[%get3A_236, %get3A_237] {strides = array<i32>} : memref<128x128xf32, #tpu.memory_space<vmem>>, vector<1x16xf32>,
            %get3A_239 = vector.shape_cast %get3A_238 : vector<1x16xf32> to vector<16xf32>
            %swap3A_240 = arith.index_cast %add3A_235 : i32 to index
            %swap3A_241 = arith.constant 0 : index
            %swap3A_242 = tpu.vector_load %arg19[%swap3A_240, %swap3A_241] {strides = array<i32>} : memref<16x128xf32, #tpu.memory_space<vmem>>, vector<1x16xf32>,
            %swap3A_243 = vector.shape_cast %swap3A_242 : vector<1x16xf32> to vector<16xf32>
            %swap3A_244 = vector.shape_cast %get3A_239 : vector<16xf32> to vector<1x16xf32>
            tpu.vector_store %arg19[%swap3A_240, %swap3A_241], %swap3A_244 {strides = array<i32>} : memref<16x128xf32, #tpu.memory_space<vmem>>, vector<1x16xf32>,
            %mul3A_245 = arith.constant 16 : i32
            %mul3A_246 = arith.muli %add3A_217, %mul3A_245 : i32
            %add3A_247 = arith.constant 1 : i32
            %add3A_248 = arith.addi %mul3A_246, %add3A_247 : i32
            %mul3A_249 = arith.constant 2 : i32
            %mul3A_250 = arith.muli %mul3A_249, %add3A_217 : i32
            %add3A_251 = arith.constant 0 : i32
            %add3A_252 = arith.addi %mul3A_250, %add3A_251 : i32
            %slice3A_253 = vector.extract_strided_slice %mul3A_227 {offsets = [1], sizes = [1], strides = [1]} : vector<16xi32> to vector<1xi32>
            %squeeze3A_254 = vector.extract %slice3A_253[0] : i32 from vector<1xi32>
            %get3A_255 = arith.index_cast %add3A_248 : i32 to index
            %get3A_256 = arith.index_cast %squeeze3A_254 : i32 to index
            %get3A_257 = tpu.vector_load %arg15[%get3A_255, %get3A_256] {strides = array<i32>} : memref<128x128xf32, #tpu.memory_space<vmem>>, vector<1x16xf32>,
            %get3A_258 = vector.shape_cast %get3A_257 : vector<1x16xf32> to vector<16xf32>
            %swap3A_259 = arith.index_cast %add3A_252 : i32 to index
            %swap3A_260 = arith.constant 16 : index
            %swap3A_261 = tpu.vector_load %arg19[%swap3A_259, %swap3A_260] {strides = array<i32>} : memref<16x128xf32, #tpu.memory_space<vmem>>, vector<1x16xf32>,
            %swap3A_262 = vector.shape_cast %swap3A_261 : vector<1x16xf32> to vector<16xf32>
            %swap3A_263 = vector.shape_cast %get3A_258 : vector<16xf32> to vector<1x16xf32>
            tpu.vector_store %arg19[%swap3A_259, %swap3A_260], %swap3A_263 {strides = array<i32>} : memref<16x128xf32, #tpu.memory_space<vmem>>, vector<1x16xf32>,
            %mul3A_264 = arith.constant 16 : i32
            %mul3A_265 = arith.muli %add3A_217, %mul3A_264 : i32
            %add3A_266 = arith.constant 2 : i32
            %add3A_267 = arith.addi %mul3A_265, %add3A_266 : i32
            %mul3A_268 = arith.constant 2 : i32
            %mul3A_269 = arith.muli %mul3A_268, %add3A_217 : i32
            %add3A_270 = arith.constant 0 : i32
            %add3A_271 = arith.addi %mul3A_269, %add3A_270 : i32
            %slice3A_272 = vector.extract_strided_slice %mul3A_227 {offsets = [2], sizes = [1], strides = [1]} : vector<16xi32> to vector<1xi32>
            %squeeze3A_273 = vector.extract %slice3A_272[0] : i32 from vector<1xi32>
            %get3A_274 = arith.index_cast %add3A_267 : i32 to index
            %get3A_275 = arith.index_cast %squeeze3A_273 : i32 to index
            %get3A_276 = tpu.vector_load %arg15[%get3A_274, %get3A_275] {strides = array<i32>} : memref<128x128xf32, #tpu.memory_space<vmem>>, vector<1x16xf32>,
            %get3A_277 = vector.shape_cast %get3A_276 : vector<1x16xf32> to vector<16xf32>
            %swap3A_278 = arith.index_cast %add3A_271 : i32 to index
            %swap3A_279 = arith.constant 32 : index
            %swap3A_280 = tpu.vector_load %arg19[%swap3A_278, %swap3A_279] {strides = array<i32>} : memref<16x128xf32, #tpu.memory_space<vmem>>, vector<1x16xf32>,
            %swap3A_281 = vector.shape_cast %swap3A_280 : vector<1x16xf32> to vector<16xf32>
            %swap3A_282 = vector.shape_cast %get3A_277 : vector<16xf32> to vector<1x16xf32>
            tpu.vector_store %arg19[%swap3A_278, %swap3A_279], %swap3A_282 {strides = array<i32>} : memref<16x128xf32, #tpu.memory_space<vmem>>, vector<1x16xf32>,
            %mul3A_283 = arith.constant 16 : i32
            %mul3A_284 = arith.muli %add3A_217, %mul3A_283 : i32
            %add3A_285 = arith.constant 3 : i32
            %add3A_286 = arith.addi %mul3A_284, %add3A_285 : i32
            %mul3A_287 = arith.constant 2 : i32
            %mul3A_288 = arith.muli %mul3A_287, %add3A_217 : i32
            %add3A_289 = arith.constant 0 : i32
            %add3A_290 = arith.addi %mul3A_288, %add3A_289 : i32
            %slice3A_291 = vector.extract_strided_slice %mul3A_227 {offsets = [3], sizes = [1], strides = [1]} : vector<16xi32> to vector<1xi32>
            %squeeze3A_292 = vector.extract %slice3A_291[0] : i32 from vector<1xi32>
            %get3A_293 = arith.index_cast %add3A_286 : i32 to index
            %get3A_294 = arith.index_cast %squeeze3A_292 : i32 to index
            %get3A_295 = tpu.vector_load %arg15[%get3A_293, %get3A_294] {strides = array<i32>} : memref<128x128xf32, #tpu.memory_space<vmem>>, vector<1x16xf32>,
            %get3A_296 = vector.shape_cast %get3A_295 : vector<1x16xf32> to vector<16xf32>
            %swap3A_297 = arith.index_cast %add3A_290 : i32 to index
            %swap3A_298 = arith.constant 48 : index
            %swap3A_299 = tpu.vector_load %arg19[%swap3A_297, %swap3A_298] {strides = array<i32>} : memref<16x128xf32, #tpu.memory_space<vmem>>, vector<1x16xf32>,
            %swap3A_300 = vector.shape_cast %swap3A_299 : vector<1x16xf32> to vector<16xf32>
            %swap3A_301 = vector.shape_cast %get3A_296 : vector<16xf32> to vector<1x16xf32>
            tpu.vector_store %arg19[%swap3A_297, %swap3A_298], %swap3A_301 {strides = array<i32>} : memref<16x128xf32, #tpu.memory_space<vmem>>, vector<1x16xf32>,
            %mul3A_302 = arith.constant 16 : i32
            %mul3A_303 = arith.muli %add3A_217, %mul3A_302 : i32
            %add3A_304 = arith.constant 4 : i32
            %add3A_305 = arith.addi %mul3A_303, %add3A_304 : i32
            %mul3A_306 = arith.constant 2 : i32
            %mul3A_307 = arith.muli %mul3A_306, %add3A_217 : i32
            %add3A_308 = arith.constant 0 : i32
            %add3A_309 = arith.addi %mul3A_307, %add3A_308 : i32
            %slice3A_310 = vector.extract_strided_slice %mul3A_227 {offsets = [4], sizes = [1], strides = [1]} : vector<16xi32> to vector<1xi32>
            %squeeze3A_311 = vector.extract %slice3A_310[0] : i32 from vector<1xi32>
            %get3A_312 = arith.index_cast %add3A_305 : i32 to index
            %get3A_313 = arith.index_cast %squeeze3A_311 : i32 to index
            %get3A_314 = tpu.vector_load %arg15[%get3A_312, %get3A_313] {strides = array<i32>} : memref<128x128xf32, #tpu.memory_space<vmem>>, vector<1x16xf32>,
            %get3A_315 = vector.shape_cast %get3A_314 : vector<1x16xf32> to vector<16xf32>
            %swap3A_316 = arith.index_cast %add3A_309 : i32 to index
            %swap3A_317 = arith.constant 64 : index
            %swap3A_318 = tpu.vector_load %arg19[%swap3A_316, %swap3A_317] {strides = array<i32>} : memref<16x128xf32, #tpu.memory_space<vmem>>, vector<1x16xf32>,
            %swap3A_319 = vector.shape_cast %swap3A_318 : vector<1x16xf32> to vector<16xf32>
            %swap3A_320 = vector.shape_cast %get3A_315 : vector<16xf32> to vector<1x16xf32>
            tpu.vector_store %arg19[%swap3A_316, %swap3A_317], %swap3A_320 {strides = array<i32>} : memref<16x128xf32, #tpu.memory_space<vmem>>, vector<1x16xf32>,
            %mul3A_321 = arith.constant 16 : i32
            %mul3A_322 = arith.muli %add3A_217, %mul3A_321 : i32
            %add3A_323 = arith.constant 5 : i32
            %add3A_324 = arith.addi %mul3A_322, %add3A_323 : i32
            %mul3A_325 = arith.constant 2 : i32
            %mul3A_326 = arith.muli %mul3A_325, %add3A_217 : i32
            %add3A_327 = arith.constant 0 : i32
            %add3A_328 = arith.addi %mul3A_326, %add3A_327 : i32
            %slice3A_329 = vector.extract_strided_slice %mul3A_227 {offsets = [5], sizes = [1], strides = [1]} : vector<16xi32> to vector<1xi32>
            %squeeze3A_330 = vector.extract %slice3A_329[0] : i32 from vector<1xi32>
            %get3A_331 = arith.index_cast %add3A_324 : i32 to index
            %get3A_332 = arith.index_cast %squeeze3A_330 : i32 to index
            %get3A_333 = tpu.vector_load %arg15[%get3A_331, %get3A_332] {strides = array<i32>} : memref<128x128xf32, #tpu.memory_space<vmem>>, vector<1x16xf32>,
            %get3A_334 = vector.shape_cast %get3A_333 : vector<1x16xf32> to vector<16xf32>
            %swap3A_335 = arith.index_cast %add3A_328 : i32 to index
            %swap3A_336 = arith.constant 80 : index
            %swap3A_337 = tpu.vector_load %arg19[%swap3A_335, %swap3A_336] {strides = array<i32>} : memref<16x128xf32, #tpu.memory_space<vmem>>, vector<1x16xf32>,
            %swap3A_338 = vector.shape_cast %swap3A_337 : vector<1x16xf32> to vector<16xf32>
            %swap3A_339 = vector.shape_cast %get3A_334 : vector<16xf32> to vector<1x16xf32>
            tpu.vector_store %arg19[%swap3A_335, %swap3A_336], %swap3A_339 {strides = array<i32>} : memref<16x128xf32, #tpu.memory_space<vmem>>, vector<1x16xf32>,
            %mul3A_340 = arith.constant 16 : i32
            %mul3A_341 = arith.muli %add3A_217, %mul3A_340 : i32
            %add3A_342 = arith.constant 6 : i32
            %add3A_343 = arith.addi %mul3A_341, %add3A_342 : i32
            %mul3A_344 = arith.constant 2 : i32
            %mul3A_345 = arith.muli %mul3A_344, %add3A_217 : i32
            %add3A_346 = arith.constant 0 : i32
            %add3A_347 = arith.addi %mul3A_345, %add3A_346 : i32
            %slice3A_348 = vector.extract_strided_slice %mul3A_227 {offsets = [6], sizes = [1], strides = [1]} : vector<16xi32> to vector<1xi32>
            %squeeze3A_349 = vector.extract %slice3A_348[0] : i32 from vector<1xi32>
            %get3A_350 = arith.index_cast %add3A_343 : i32 to index
            %get3A_351 = arith.index_cast %squeeze3A_349 : i32 to index
            %get3A_352 = tpu.vector_load %arg15[%get3A_350, %get3A_351] {strides = array<i32>} : memref<128x128xf32, #tpu.memory_space<vmem>>, vector<1x16xf32>,
            %get3A_353 = vector.shape_cast %get3A_352 : vector<1x16xf32> to vector<16xf32>
            %swap3A_354 = arith.index_cast %add3A_347 : i32 to index
            %swap3A_355 = arith.constant 96 : index
            %swap3A_356 = tpu.vector_load %arg19[%swap3A_354, %swap3A_355] {strides = array<i32>} : memref<16x128xf32, #tpu.memory_space<vmem>>, vector<1x16xf32>,
            %swap3A_357 = vector.shape_cast %swap3A_356 : vector<1x16xf32> to vector<16xf32>
            %swap3A_358 = vector.shape_cast %get3A_353 : vector<16xf32> to vector<1x16xf32>
            tpu.vector_store %arg19[%swap3A_354, %swap3A_355], %swap3A_358 {strides = array<i32>} : memref<16x128xf32, #tpu.memory_space<vmem>>, vector<1x16xf32>,
            %mul3A_359 = arith.constant 16 : i32
            %mul3A_360 = arith.muli %add3A_217, %mul3A_359 : i32
            %add3A_361 = arith.constant 7 : i32
            %add3A_362 = arith.addi %mul3A_360, %add3A_361 : i32
            %mul3A_363 = arith.constant 2 : i32
            %mul3A_364 = arith.muli %mul3A_363, %add3A_217 : i32
            %add3A_365 = arith.constant 0 : i32
            %add3A_366 = arith.addi %mul3A_364, %add3A_365 : i32
            %slice3A_367 = vector.extract_strided_slice %mul3A_227 {offsets = [7], sizes = [1], strides = [1]} : vector<16xi32> to vector<1xi32>
            %squeeze3A_368 = vector.extract %slice3A_367[0] : i32 from vector<1xi32>
            %get3A_369 = arith.index_cast %add3A_362 : i32 to index
            %get3A_370 = arith.index_cast %squeeze3A_368 : i32 to index
            %get3A_371 = tpu.vector_load %arg15[%get3A_369, %get3A_370] {strides = array<i32>} : memref<128x128xf32, #tpu.memory_space<vmem>>, vector<1x16xf32>,
            %get3A_372 = vector.shape_cast %get3A_371 : vector<1x16xf32> to vector<16xf32>
            %swap3A_373 = arith.index_cast %add3A_366 : i32 to index
            %swap3A_374 = arith.constant 112 : index
            %swap3A_375 = tpu.vector_load %arg19[%swap3A_373, %swap3A_374] {strides = array<i32>} : memref<16x128xf32, #tpu.memory_space<vmem>>, vector<1x16xf32>,
            %swap3A_376 = vector.shape_cast %swap3A_375 : vector<1x16xf32> to vector<16xf32>
            %swap3A_377 = vector.shape_cast %get3A_372 : vector<16xf32> to vector<1x16xf32>
            tpu.vector_store %arg19[%swap3A_373, %swap3A_374], %swap3A_377 {strides = array<i32>} : memref<16x128xf32, #tpu.memory_space<vmem>>, vector<1x16xf32>,
            %mul3A_378 = arith.constant 16 : i32
            %mul3A_379 = arith.muli %add3A_217, %mul3A_378 : i32
            %add3A_380 = arith.constant 8 : i32
            %add3A_381 = arith.addi %mul3A_379, %add3A_380 : i32
            %mul3A_382 = arith.constant 2 : i32
            %mul3A_383 = arith.muli %mul3A_382, %add3A_217 : i32
            %add3A_384 = arith.constant 1 : i32
            %add3A_385 = arith.addi %mul3A_383, %add3A_384 : i32
            %slice3A_386 = vector.extract_strided_slice %mul3A_227 {offsets = [8], sizes = [1], strides = [1]} : vector<16xi32> to vector<1xi32>
            %squeeze3A_387 = vector.extract %slice3A_386[0] : i32 from vector<1xi32>
            %get3A_388 = arith.index_cast %add3A_381 : i32 to index
            %get3A_389 = arith.index_cast %squeeze3A_387 : i32 to index
            %get3A_390 = tpu.vector_load %arg15[%get3A_388, %get3A_389] {strides = array<i32>} : memref<128x128xf32, #tpu.memory_space<vmem>>, vector<1x16xf32>,
            %get3A_391 = vector.shape_cast %get3A_390 : vector<1x16xf32> to vector<16xf32>
            %swap3A_392 = arith.index_cast %add3A_385 : i32 to index
            %swap3A_393 = arith.constant 0 : index
            %swap3A_394 = tpu.vector_load %arg19[%swap3A_392, %swap3A_393] {strides = array<i32>} : memref<16x128xf32, #tpu.memory_space<vmem>>, vector<1x16xf32>,
            %swap3A_395 = vector.shape_cast %swap3A_394 : vector<1x16xf32> to vector<16xf32>
            %swap3A_396 = vector.shape_cast %get3A_391 : vector<16xf32> to vector<1x16xf32>
            tpu.vector_store %arg19[%swap3A_392, %swap3A_393], %swap3A_396 {strides = array<i32>} : memref<16x128xf32, #tpu.memory_space<vmem>>, vector<1x16xf32>,
            %mul3A_397 = arith.constant 16 : i32
            %mul3A_398 = arith.muli %add3A_217, %mul3A_397 : i32
            %add3A_399 = arith.constant 9 : i32
            %add3A_400 = arith.addi %mul3A_398, %add3A_399 : i32
            %mul3A_401 = arith.constant 2 : i32
            %mul3A_402 = arith.muli %mul3A_401, %add3A_217 : i32
            %add3A_403 = arith.constant 1 : i32
            %add3A_404 = arith.addi %mul3A_402, %add3A_403 : i32
            %slice3A_405 = vector.extract_strided_slice %mul3A_227 {offsets = [9], sizes = [1], strides = [1]} : vector<16xi32> to vector<1xi32>
            %squeeze3A_406 = vector.extract %slice3A_405[0] : i32 from vector<1xi32>
            %get3A_407 = arith.index_cast %add3A_400 : i32 to index
            %get3A_408 = arith.index_cast %squeeze3A_406 : i32 to index
            %get3A_409 = tpu.vector_load %arg15[%get3A_407, %get3A_408] {strides = array<i32>} : memref<128x128xf32, #tpu.memory_space<vmem>>, vector<1x16xf32>,
            %get3A_410 = vector.shape_cast %get3A_409 : vector<1x16xf32> to vector<16xf32>
            %swap3A_411 = arith.index_cast %add3A_404 : i32 to index
            %swap3A_412 = arith.constant 16 : index
            %swap3A_413 = tpu.vector_load %arg19[%swap3A_411, %swap3A_412] {strides = array<i32>} : memref<16x128xf32, #tpu.memory_space<vmem>>, vector<1x16xf32>,
            %swap3A_414 = vector.shape_cast %swap3A_413 : vector<1x16xf32> to vector<16xf32>
            %swap3A_415 = vector.shape_cast %get3A_410 : vector<16xf32> to vector<1x16xf32>
            tpu.vector_store %arg19[%swap3A_411, %swap3A_412], %swap3A_415 {strides = array<i32>} : memref<16x128xf32, #tpu.memory_space<vmem>>, vector<1x16xf32>,
            %mul3A_416 = arith.constant 16 : i32
            %mul3A_417 = arith.muli %add3A_217, %mul3A_416 : i32
            %add3A_418 = arith.constant 10 : i32
            %add3A_419 = arith.addi %mul3A_417, %add3A_418 : i32
            %mul3A_420 = arith.constant 2 : i32
            %mul3A_421 = arith.muli %mul3A_420, %add3A_217 : i32
            %add3A_422 = arith.constant 1 : i32
            %add3A_423 = arith.addi %mul3A_421, %add3A_422 : i32
            %slice3A_424 = vector.extract_strided_slice %mul3A_227 {offsets = [10], sizes = [1], strides = [1]} : vector<16xi32> to vector<1xi32>
            %squeeze3A_425 = vector.extract %slice3A_424[0] : i32 from vector<1xi32>
            %get3A_426 = arith.index_cast %add3A_419 : i32 to index
            %get3A_427 = arith.index_cast %squeeze3A_425 : i32 to index
            %get3A_428 = tpu.vector_load %arg15[%get3A_426, %get3A_427] {strides = array<i32>} : memref<128x128xf32, #tpu.memory_space<vmem>>, vector<1x16xf32>,
            %get3A_429 = vector.shape_cast %get3A_428 : vector<1x16xf32> to vector<16xf32>
            %swap3A_430 = arith.index_cast %add3A_423 : i32 to index
            %swap3A_431 = arith.constant 32 : index
            %swap3A_432 = tpu.vector_load %arg19[%swap3A_430, %swap3A_431] {strides = array<i32>} : memref<16x128xf32, #tpu.memory_space<vmem>>, vector<1x16xf32>,
            %swap3A_433 = vector.shape_cast %swap3A_432 : vector<1x16xf32> to vector<16xf32>
            %swap3A_434 = vector.shape_cast %get3A_429 : vector<16xf32> to vector<1x16xf32>
            tpu.vector_store %arg19[%swap3A_430, %swap3A_431], %swap3A_434 {strides = array<i32>} : memref<16x128xf32, #tpu.memory_space<vmem>>, vector<1x16xf32>,
            %mul3A_435 = arith.constant 16 : i32
            %mul3A_436 = arith.muli %add3A_217, %mul3A_435 : i32
            %add3A_437 = arith.constant 11 : i32
            %add3A_438 = arith.addi %mul3A_436, %add3A_437 : i32
            %mul3A_439 = arith.constant 2 : i32
            %mul3A_440 = arith.muli %mul3A_439, %add3A_217 : i32
            %add3A_441 = arith.constant 1 : i32
            %add3A_442 = arith.addi %mul3A_440, %add3A_441 : i32
            %slice3A_443 = vector.extract_strided_slice %mul3A_227 {offsets = [11], sizes = [1], strides = [1]} : vector<16xi32> to vector<1xi32>
            %squeeze3A_444 = vector.extract %slice3A_443[0] : i32 from vector<1xi32>
            %get3A_445 = arith.index_cast %add3A_438 : i32 to index
            %get3A_446 = arith.index_cast %squeeze3A_444 : i32 to index
            %get3A_447 = tpu.vector_load %arg15[%get3A_445, %get3A_446] {strides = array<i32>} : memref<128x128xf32, #tpu.memory_space<vmem>>, vector<1x16xf32>,
            %get3A_448 = vector.shape_cast %get3A_447 : vector<1x16xf32> to vector<16xf32>
            %swap3A_449 = arith.index_cast %add3A_442 : i32 to index
            %swap3A_450 = arith.constant 48 : index
            %swap3A_451 = tpu.vector_load %arg19[%swap3A_449, %swap3A_450] {strides = array<i32>} : memref<16x128xf32, #tpu.memory_space<vmem>>, vector<1x16xf32>,
            %swap3A_452 = vector.shape_cast %swap3A_451 : vector<1x16xf32> to vector<16xf32>
            %swap3A_453 = vector.shape_cast %get3A_448 : vector<16xf32> to vector<1x16xf32>
            tpu.vector_store %arg19[%swap3A_449, %swap3A_450], %swap3A_453 {strides = array<i32>} : memref<16x128xf32, #tpu.memory_space<vmem>>, vector<1x16xf32>,
            %mul3A_454 = arith.constant 16 : i32
            %mul3A_455 = arith.muli %add3A_217, %mul3A_454 : i32
            %add3A_456 = arith.constant 12 : i32
            %add3A_457 = arith.addi %mul3A_455, %add3A_456 : i32
            %mul3A_458 = arith.constant 2 : i32
            %mul3A_459 = arith.muli %mul3A_458, %add3A_217 : i32
            %add3A_460 = arith.constant 1 : i32
            %add3A_461 = arith.addi %mul3A_459, %add3A_460 : i32
            %slice3A_462 = vector.extract_strided_slice %mul3A_227 {offsets = [12], sizes = [1], strides = [1]} : vector<16xi32> to vector<1xi32>
            %squeeze3A_463 = vector.extract %slice3A_462[0] : i32 from vector<1xi32>
            %get3A_464 = arith.index_cast %add3A_457 : i32 to index
            %get3A_465 = arith.index_cast %squeeze3A_463 : i32 to index
            %get3A_466 = tpu.vector_load %arg15[%get3A_464, %get3A_465] {strides = array<i32>} : memref<128x128xf32, #tpu.memory_space<vmem>>, vector<1x16xf32>,
            %get3A_467 = vector.shape_cast %get3A_466 : vector<1x16xf32> to vector<16xf32>
            %swap3A_468 = arith.index_cast %add3A_461 : i32 to index
            %swap3A_469 = arith.constant 64 : index
            %swap3A_470 = tpu.vector_load %arg19[%swap3A_468, %swap3A_469] {strides = array<i32>} : memref<16x128xf32, #tpu.memory_space<vmem>>, vector<1x16xf32>,
            %swap3A_471 = vector.shape_cast %swap3A_470 : vector<1x16xf32> to vector<16xf32>
            %swap3A_472 = vector.shape_cast %get3A_467 : vector<16xf32> to vector<1x16xf32>
            tpu.vector_store %arg19[%swap3A_468, %swap3A_469], %swap3A_472 {strides = array<i32>} : memref<16x128xf32, #tpu.memory_space<vmem>>, vector<1x16xf32>,
            %mul3A_473 = arith.constant 16 : i32
            %mul3A_474 = arith.muli %add3A_217, %mul3A_473 : i32
            %add3A_475 = arith.constant 13 : i32
            %add3A_476 = arith.addi %mul3A_474, %add3A_475 : i32
            %mul3A_477 = arith.constant 2 : i32
            %mul3A_478 = arith.muli %mul3A_477, %add3A_217 : i32
            %add3A_479 = arith.constant 1 : i32
            %add3A_480 = arith.addi %mul3A_478, %add3A_479 : i32
            %slice3A_481 = vector.extract_strided_slice %mul3A_227 {offsets = [13], sizes = [1], strides = [1]} : vector<16xi32> to vector<1xi32>
            %squeeze3A_482 = vector.extract %slice3A_481[0] : i32 from vector<1xi32>
            %get3A_483 = arith.index_cast %add3A_476 : i32 to index
            %get3A_484 = arith.index_cast %squeeze3A_482 : i32 to index
            %get3A_485 = tpu.vector_load %arg15[%get3A_483, %get3A_484] {strides = array<i32>} : memref<128x128xf32, #tpu.memory_space<vmem>>, vector<1x16xf32>,
            %get3A_486 = vector.shape_cast %get3A_485 : vector<1x16xf32> to vector<16xf32>
            %swap3A_487 = arith.index_cast %add3A_480 : i32 to index
            %swap3A_488 = arith.constant 80 : index
            %swap3A_489 = tpu.vector_load %arg19[%swap3A_487, %swap3A_488] {strides = array<i32>} : memref<16x128xf32, #tpu.memory_space<vmem>>, vector<1x16xf32>,
            %swap3A_490 = vector.shape_cast %swap3A_489 : vector<1x16xf32> to vector<16xf32>
            %swap3A_491 = vector.shape_cast %get3A_486 : vector<16xf32> to vector<1x16xf32>
            tpu.vector_store %arg19[%swap3A_487, %swap3A_488], %swap3A_491 {strides = array<i32>} : memref<16x128xf32, #tpu.memory_space<vmem>>, vector<1x16xf32>,
            %mul3A_492 = arith.constant 16 : i32
            %mul3A_493 = arith.muli %add3A_217, %mul3A_492 : i32
            %add3A_494 = arith.constant 14 : i32
            %add3A_495 = arith.addi %mul3A_493, %add3A_494 : i32
            %mul3A_496 = arith.constant 2 : i32
            %mul3A_497 = arith.muli %mul3A_496, %add3A_217 : i32
            %add3A_498 = arith.constant 1 : i32
            %add3A_499 = arith.addi %mul3A_497, %add3A_498 : i32
            %slice3A_500 = vector.extract_strided_slice %mul3A_227 {offsets = [14], sizes = [1], strides = [1]} : vector<16xi32> to vector<1xi32>
            %squeeze3A_501 = vector.extract %slice3A_500[0] : i32 from vector<1xi32>
            %get3A_502 = arith.index_cast %add3A_495 : i32 to index
            %get3A_503 = arith.index_cast %squeeze3A_501 : i32 to index
            %get3A_504 = tpu.vector_load %arg15[%get3A_502, %get3A_503] {strides = array<i32>} : memref<128x128xf32, #tpu.memory_space<vmem>>, vector<1x16xf32>,
            %get3A_505 = vector.shape_cast %get3A_504 : vector<1x16xf32> to vector<16xf32>
            %swap3A_506 = arith.index_cast %add3A_499 : i32 to index
            %swap3A_507 = arith.constant 96 : index
            %swap3A_508 = tpu.vector_load %arg19[%swap3A_506, %swap3A_507] {strides = array<i32>} : memref<16x128xf32, #tpu.memory_space<vmem>>, vector<1x16xf32>,
            %swap3A_509 = vector.shape_cast %swap3A_508 : vector<1x16xf32> to vector<16xf32>
            %swap3A_510 = vector.shape_cast %get3A_505 : vector<16xf32> to vector<1x16xf32>
            tpu.vector_store %arg19[%swap3A_506, %swap3A_507], %swap3A_510 {strides = array<i32>} : memref<16x128xf32, #tpu.memory_space<vmem>>, vector<1x16xf32>,
            %mul3A_511 = arith.constant 16 : i32
            %mul3A_512 = arith.muli %add3A_217, %mul3A_511 : i32
            %add3A_513 = arith.constant 15 : i32
            %add3A_514 = arith.addi %mul3A_512, %add3A_513 : i32
            %mul3A_515 = arith.constant 2 : i32
            %mul3A_516 = arith.muli %mul3A_515, %add3A_217 : i32
            %add3A_517 = arith.constant 1 : i32
            %add3A_518 = arith.addi %mul3A_516, %add3A_517 : i32
            %slice3A_519 = vector.extract_strided_slice %mul3A_227 {offsets = [15], sizes = [1], strides = [1]} : vector<16xi32> to vector<1xi32>
            %squeeze3A_520 = vector.extract %slice3A_519[0] : i32 from vector<1xi32>
            %get3A_521 = arith.index_cast %add3A_514 : i32 to index
            %get3A_522 = arith.index_cast %squeeze3A_520 : i32 to index
            %get3A_523 = tpu.vector_load %arg15[%get3A_521, %get3A_522] {strides = array<i32>} : memref<128x128xf32, #tpu.memory_space<vmem>>, vector<1x16xf32>,
            %get3A_524 = vector.shape_cast %get3A_523 : vector<1x16xf32> to vector<16xf32>
            %swap3A_525 = arith.index_cast %add3A_518 : i32 to index
            %swap3A_526 = arith.constant 112 : index
            %swap3A_527 = tpu.vector_load %arg19[%swap3A_525, %swap3A_526] {strides = array<i32>} : memref<16x128xf32, #tpu.memory_space<vmem>>, vector<1x16xf32>,
            %swap3A_528 = vector.shape_cast %swap3A_527 : vector<1x16xf32> to vector<16xf32>
            %swap3A_529 = vector.shape_cast %get3A_524 : vector<16xf32> to vector<1x16xf32>
            tpu.vector_store %arg19[%swap3A_525, %swap3A_526], %swap3A_529 {strides = array<i32>} : memref<16x128xf32, #tpu.memory_space<vmem>>, vector<1x16xf32>,
          }
          %scan3A_198 = arith.constant 8 : i32
          %sub3A = arith.constant 2 : i32
          %sub3A_199 = arith.subi %add3A_79, %sub3A : i32
          %mul3A_200 = arith.constant 16 : i32
          %mul3A_201 = arith.muli %sub3A_199, %mul3A_200 : i32
          %add3A_202 = arith.addi %mul3A_4, %mul3A_201 : i32
          %dma_start3A_203 = arith.constant 0 : i32
          %dma_start3A_204 = tpu.memref_slice %arg4[%add3A_202, %dma_start3A_203] : memref<409600x128xf32, #tpu.memory_space<hbm>> -> memref<16x128xf32, #tpu.memory_space<hbm>>
          %dma_start3A_205 = arith.constant 0 : i32
          %dma_start3A_206 = tpu.memref_slice %arg4[%add3A_202, %dma_start3A_205] : memref<409600x128xf32, #tpu.memory_space<hbm>> -> memref<16x128xf32, #tpu.memory_space<hbm>>
          tpu.enqueue_dma source(%arg19 : memref<16x128xf32, #tpu.memory_space<vmem>>) target(%dma_start3A_206 : memref<16x128xf32, #tpu.memory_space<hbm>>) target_semaphore(%arg31 : memref<!tpu.dma_semaphore, #tpu.memory_space<semaphore_mem>>)
          %add3A_207 = arith.constant 2 : i32
          %add3A_208 = arith.addi %add3A_79, %add3A_207 : i32
          %lt3A = arith.constant 800 : i32
          %lt3A_209 = arith.cmpi slt, %add3A_208, %lt3A : i32
          %convert_element_type3A_210 = arith.extui %lt3A_209 : i1 to i32
          %cond3A_211 = arith.constant 0 : i32
          %cond3A_212 = arith.cmpi ne, %convert_element_type3A_210, %cond3A_211 : i32
          scf.if %cond3A_212 {
            %add3A_213 = arith.constant 2 : i32
            %add3A_214 = arith.addi %add3A_79, %add3A_213 : i32
            %mul3A_215 = arith.constant 128 : i32
            %mul3A_216 = arith.muli %add3A_214, %mul3A_215 : i32
            %add3A_217 = arith.addi %mul3A_2, %mul3A_216 : i32
            %dma_start3A_218 = tpu.memref_slice %arg3[%add3A_217] : memref<3276800xi32, #tpu.memory_space<hbm>> -> memref<128xi32, #tpu.memory_space<hbm>>
            %dma_start3A_219 = tpu.memref_slice %arg3[%add3A_217] : memref<3276800xi32, #tpu.memory_space<hbm>> -> memref<128xi32, #tpu.memory_space<hbm>>
            tpu.enqueue_dma source(%dma_start3A_219 : memref<128xi32, #tpu.memory_space<hbm>>) target(%arg7 : memref<128xi32, #tpu.memory_space<vmem>>) target_semaphore(%arg23 : memref<!tpu.dma_semaphore, #tpu.memory_space<semaphore_mem>>)
          } else {
          }
        } else {
        }
      } else {
      }
      %eq3A_83 = arith.constant 1 : i32
      %eq3A_84 = arith.cmpi eq, %rem3A_80, %eq3A_83 : i32
      %convert_element_type3A_85 = arith.extui %eq3A_84 : i1 to i32
      %cond3A_86 = arith.constant 0 : i32
      %cond3A_87 = arith.cmpi ne, %convert_element_type3A_85, %cond3A_86 : i32
      scf.if %cond3A_87 {
        %ge3A = arith.constant 4 : i32
        %ge3A_98 = arith.cmpi sge, %add3A_79, %ge3A : i32
        %convert_element_type3A_99 = arith.extui %ge3A_98 : i1 to i32
        %cond3A_100 = arith.constant 0 : i32
        %cond3A_101 = arith.cmpi ne, %convert_element_type3A_99, %cond3A_100 : i32
        scf.if %cond3A_101 {
          %dma_wait3A_191 = arith.constant 0 : i32
          %dma_wait3A_192 = arith.constant 0 : i32
          %dma_wait3A_193 = tpu.memref_slice %arg4[%dma_wait3A_191, %dma_wait3A_192] : memref<409600x128xf32, #tpu.memory_space<hbm>> -> memref<16x128xf32, #tpu.memory_space<hbm>>
          %dma_wait3A_194 = arith.constant 0 : i32
          %dma_wait3A_195 = arith.constant 0 : i32
          %dma_wait3A_196 = tpu.memref_slice %arg4[%dma_wait3A_194, %dma_wait3A_195] : memref<409600x128xf32, #tpu.memory_space<hbm>> -> memref<16x128xf32, #tpu.memory_space<hbm>>
          tpu.wait_dma2 semaphore(%arg30 : memref<!tpu.dma_semaphore, #tpu.memory_space<semaphore_mem>>) src(%arg18 : memref<16x128xf32, #tpu.memory_space<vmem>>) dst(%dma_wait3A_196 : memref<16x128xf32, #tpu.memory_space<hbm>>)
        } else {
        }
        %dma_wait3A_102 = arith.constant 0 : i32
        %dma_wait3A_103 = tpu.memref_slice %arg3[%dma_wait3A_102] : memref<3276800xi32, #tpu.memory_space<hbm>> -> memref<128xi32, #tpu.memory_space<hbm>>
        %dma_wait3A_104 = arith.constant 0 : i32
        %dma_wait3A_105 = tpu.memref_slice %arg3[%dma_wait3A_104] : memref<3276800xi32, #tpu.memory_space<hbm>> -> memref<128xi32, #tpu.memory_space<hbm>>
        tpu.wait_dma2 semaphore(%arg22 : memref<!tpu.dma_semaphore, #tpu.memory_space<semaphore_mem>>) src(%dma_wait3A_105 : memref<128xi32, #tpu.memory_space<hbm>>) dst(%arg6 : memref<128xi32, #tpu.memory_space<vmem>>)
        %get3A = arith.constant 0 : index
        %get3A_106 = tpu.vector_load %arg6[%get3A] {strides = array<i32>} : memref<128xi32, #tpu.memory_space<vmem>>, vector<16xi32>,
        %get3A_107 = vector.shape_cast %get3A_106 : vector<16xi32> to vector<16xi32>
        %shift_right_arithmetic3A = arith.constant 3 : i32
        %shift_right_arithmetic3A_108 = vector.broadcast %shift_right_arithmetic3A : i32 to vector<16xi32>
        %shift_right_arithmetic3A_109 = arith.shrsi %get3A_107, %shift_right_arithmetic3A_108 : vector<16xi32>
        %swap3A = arith.constant 0 : index
        %swap3A_110 = tpu.vector_load %arg10[%swap3A] {strides = array<i32>} : memref<128xi32, #tpu.memory_space<vmem>>, vector<16xi32>,
        %swap3A_111 = vector.shape_cast %swap3A_110 : vector<16xi32> to vector<16xi32>
        %swap3A_112 = vector.shape_cast %shift_right_arithmetic3A_109 : vector<16xi32> to vector<16xi32>
        tpu.vector_store %arg10[%swap3A], %swap3A_112 {strides = array<i32>} : memref<128xi32, #tpu.memory_space<vmem>>, vector<16xi32>,
        %get3A_113 = arith.constant 16 : index
        %get3A_114 = tpu.vector_load %arg6[%get3A_113] {strides = array<i32>} : memref<128xi32, #tpu.memory_space<vmem>>, vector<16xi32>,
        %get3A_115 = vector.shape_cast %get3A_114 : vector<16xi32> to vector<16xi32>
        %shift_right_arithmetic3A_116 = arith.constant 3 : i32
        %shift_right_arithmetic3A_117 = vector.broadcast %shift_right_arithmetic3A_116 : i32 to vector<16xi32>
        %shift_right_arithmetic3A_118 = arith.shrsi %get3A_115, %shift_right_arithmetic3A_117 : vector<16xi32>
        %swap3A_119 = arith.constant 16 : index
        %swap3A_120 = tpu.vector_load %arg10[%swap3A_119] {strides = array<i32>} : memref<128xi32, #tpu.memory_space<vmem>>, vector<16xi32>,
        %swap3A_121 = vector.shape_cast %swap3A_120 : vector<16xi32> to vector<16xi32>
        %swap3A_122 = vector.shape_cast %shift_right_arithmetic3A_118 : vector<16xi32> to vector<16xi32>
        tpu.vector_store %arg10[%swap3A_119], %swap3A_122 {strides = array<i32>} : memref<128xi32, #tpu.memory_space<vmem>>, vector<16xi32>,
        %get3A_123 = arith.constant 32 : index
        %get3A_124 = tpu.vector_load %arg6[%get3A_123] {strides = array<i32>} : memref<128xi32, #tpu.memory_space<vmem>>, vector<16xi32>,
        %get3A_125 = vector.shape_cast %get3A_124 : vector<16xi32> to vector<16xi32>
        %shift_right_arithmetic3A_126 = arith.constant 3 : i32
        %shift_right_arithmetic3A_127 = vector.broadcast %shift_right_arithmetic3A_126 : i32 to vector<16xi32>
        %shift_right_arithmetic3A_128 = arith.shrsi %get3A_125, %shift_right_arithmetic3A_127 : vector<16xi32>
        %swap3A_129 = arith.constant 32 : index
        %swap3A_130 = tpu.vector_load %arg10[%swap3A_129] {strides = array<i32>} : memref<128xi32, #tpu.memory_space<vmem>>, vector<16xi32>,
        %swap3A_131 = vector.shape_cast %swap3A_130 : vector<16xi32> to vector<16xi32>
        %swap3A_132 = vector.shape_cast %shift_right_arithmetic3A_128 : vector<16xi32> to vector<16xi32>
        tpu.vector_store %arg10[%swap3A_129], %swap3A_132 {strides = array<i32>} : memref<128xi32, #tpu.memory_space<vmem>>, vector<16xi32>,
        %get3A_133 = arith.constant 48 : index
        %get3A_134 = tpu.vector_load %arg6[%get3A_133] {strides = array<i32>} : memref<128xi32, #tpu.memory_space<vmem>>, vector<16xi32>,
        %get3A_135 = vector.shape_cast %get3A_134 : vector<16xi32> to vector<16xi32>
        %shift_right_arithmetic3A_136 = arith.constant 3 : i32
        %shift_right_arithmetic3A_137 = vector.broadcast %shift_right_arithmetic3A_136 : i32 to vector<16xi32>
        %shift_right_arithmetic3A_138 = arith.shrsi %get3A_135, %shift_right_arithmetic3A_137 : vector<16xi32>
        %swap3A_139 = arith.constant 48 : index
        %swap3A_140 = tpu.vector_load %arg10[%swap3A_139] {strides = array<i32>} : memref<128xi32, #tpu.memory_space<vmem>>, vector<16xi32>,
        %swap3A_141 = vector.shape_cast %swap3A_140 : vector<16xi32> to vector<16xi32>
        %swap3A_142 = vector.shape_cast %shift_right_arithmetic3A_138 : vector<16xi32> to vector<16xi32>
        tpu.vector_store %arg10[%swap3A_139], %swap3A_142 {strides = array<i32>} : memref<128xi32, #tpu.memory_space<vmem>>, vector<16xi32>,
        %get3A_143 = arith.constant 64 : index
        %get3A_144 = tpu.vector_load %arg6[%get3A_143] {strides = array<i32>} : memref<128xi32, #tpu.memory_space<vmem>>, vector<16xi32>,
        %get3A_145 = vector.shape_cast %get3A_144 : vector<16xi32> to vector<16xi32>
        %shift_right_arithmetic3A_146 = arith.constant 3 : i32
        %shift_right_arithmetic3A_147 = vector.broadcast %shift_right_arithmetic3A_146 : i32 to vector<16xi32>
        %shift_right_arithmetic3A_148 = arith.shrsi %get3A_145, %shift_right_arithmetic3A_147 : vector<16xi32>
        %swap3A_149 = arith.constant 64 : index
        %swap3A_150 = tpu.vector_load %arg10[%swap3A_149] {strides = array<i32>} : memref<128xi32, #tpu.memory_space<vmem>>, vector<16xi32>,
        %swap3A_151 = vector.shape_cast %swap3A_150 : vector<16xi32> to vector<16xi32>
        %swap3A_152 = vector.shape_cast %shift_right_arithmetic3A_148 : vector<16xi32> to vector<16xi32>
        tpu.vector_store %arg10[%swap3A_149], %swap3A_152 {strides = array<i32>} : memref<128xi32, #tpu.memory_space<vmem>>, vector<16xi32>,
        %get3A_153 = arith.constant 80 : index
        %get3A_154 = tpu.vector_load %arg6[%get3A_153] {strides = array<i32>} : memref<128xi32, #tpu.memory_space<vmem>>, vector<16xi32>,
        %get3A_155 = vector.shape_cast %get3A_154 : vector<16xi32> to vector<16xi32>
        %shift_right_arithmetic3A_156 = arith.constant 3 : i32
        %shift_right_arithmetic3A_157 = vector.broadcast %shift_right_arithmetic3A_156 : i32 to vector<16xi32>
        %shift_right_arithmetic3A_158 = arith.shrsi %get3A_155, %shift_right_arithmetic3A_157 : vector<16xi32>
        %swap3A_159 = arith.constant 80 : index
        %swap3A_160 = tpu.vector_load %arg10[%swap3A_159] {strides = array<i32>} : memref<128xi32, #tpu.memory_space<vmem>>, vector<16xi32>,
        %swap3A_161 = vector.shape_cast %swap3A_160 : vector<16xi32> to vector<16xi32>
        %swap3A_162 = vector.shape_cast %shift_right_arithmetic3A_158 : vector<16xi32> to vector<16xi32>
        tpu.vector_store %arg10[%swap3A_159], %swap3A_162 {strides = array<i32>} : memref<128xi32, #tpu.memory_space<vmem>>, vector<16xi32>,
        %get3A_163 = arith.constant 96 : index
        %get3A_164 = tpu.vector_load %arg6[%get3A_163] {strides = array<i32>} : memref<128xi32, #tpu.memory_space<vmem>>, vector<16xi32>,
        %get3A_165 = vector.shape_cast %get3A_164 : vector<16xi32> to vector<16xi32>
        %shift_right_arithmetic3A_166 = arith.constant 3 : i32
        %shift_right_arithmetic3A_167 = vector.broadcast %shift_right_arithmetic3A_166 : i32 to vector<16xi32>
        %shift_right_arithmetic3A_168 = arith.shrsi %get3A_165, %shift_right_arithmetic3A_167 : vector<16xi32>
        %swap3A_169 = arith.constant 96 : index
        %swap3A_170 = tpu.vector_load %arg10[%swap3A_169] {strides = array<i32>} : memref<128xi32, #tpu.memory_space<vmem>>, vector<16xi32>,
        %swap3A_171 = vector.shape_cast %swap3A_170 : vector<16xi32> to vector<16xi32>
        %swap3A_172 = vector.shape_cast %shift_right_arithmetic3A_168 : vector<16xi32> to vector<16xi32>
        tpu.vector_store %arg10[%swap3A_169], %swap3A_172 {strides = array<i32>} : memref<128xi32, #tpu.memory_space<vmem>>, vector<16xi32>,
        %get3A_173 = arith.constant 112 : index
        %get3A_174 = tpu.vector_load %arg6[%get3A_173] {strides = array<i32>} : memref<128xi32, #tpu.memory_space<vmem>>, vector<16xi32>,
        %get3A_175 = vector.shape_cast %get3A_174 : vector<16xi32> to vector<16xi32>
        %shift_right_arithmetic3A_176 = arith.constant 3 : i32
        %shift_right_arithmetic3A_177 = vector.broadcast %shift_right_arithmetic3A_176 : i32 to vector<16xi32>
        %shift_right_arithmetic3A_178 = arith.shrsi %get3A_175, %shift_right_arithmetic3A_177 : vector<16xi32>
        %swap3A_179 = arith.constant 112 : index
        %swap3A_180 = tpu.vector_load %arg10[%swap3A_179] {strides = array<i32>} : memref<128xi32, #tpu.memory_space<vmem>>, vector<16xi32>,
        %swap3A_181 = vector.shape_cast %swap3A_180 : vector<16xi32> to vector<16xi32>
        %swap3A_182 = vector.shape_cast %shift_right_arithmetic3A_178 : vector<16xi32> to vector<16xi32>
        tpu.vector_store %arg10[%swap3A_179], %swap3A_182 {strides = array<i32>} : memref<128xi32, #tpu.memory_space<vmem>>, vector<16xi32>,
        %dma_start3A_183 = arith.constant 0 : i32
        %dma_start3A_184 = arith.constant 0 : i32
        %dma_start3A_185 = tpu.memref_slice %arg2[%dma_start3A_183, %dma_start3A_184] : memref<125000x128xf32, #tpu.memory_space<hbm>> -> memref<125000x128xf32, #tpu.memory_space<hbm>>
        tpu.enqueue_indirect_dma source(%dma_start3A_185 : memref<125000x128xf32, #tpu.memory_space<hbm>>) target(%arg14 : memref<128x128xf32, #tpu.memory_space<vmem>>) offsets(%arg10 : memref<128xi32, #tpu.memory_space<vmem>>) semaphore(%arg26 : memref<!tpu.dma_semaphore, #tpu.memory_space<semaphore_mem>>)
        %ge3A_186 = arith.constant 2 : i32
        %ge3A_187 = arith.cmpi sge, %add3A_79, %ge3A_186 : i32
        %convert_element_type3A_188 = arith.extui %ge3A_187 : i1 to i32
        %cond3A_189 = arith.constant 0 : i32
        %cond3A_190 = arith.cmpi ne, %convert_element_type3A_188, %cond3A_189 : i32
        scf.if %cond3A_190 {
          %dma_wait3A_191 = arith.constant 0 : i32
          %dma_wait3A_192 = arith.constant 0 : i32
          %dma_wait3A_193 = tpu.memref_slice %arg2[%dma_wait3A_191, %dma_wait3A_192] : memref<125000x128xf32, #tpu.memory_space<hbm>> -> memref<125000x128xf32, #tpu.memory_space<hbm>>
          tpu.wait_indirect_dma semaphore(%arg28 : memref<!tpu.dma_semaphore, #tpu.memory_space<semaphore_mem>>) src(%dma_wait3A_193 : memref<125000x128xf32, #tpu.memory_space<hbm>>) dst(%arg16 : memref<128x128xf32, #tpu.memory_space<vmem>>)
          %scan3A_194 = arith.constant 0 : i32
          %scan3A_195 = arith.constant 8 : i32
          %scan3A_196 = arith.addi %scan3A_194, %scan3A_195 : i32
          %scan3A_197 = arith.constant 1 : i32
          scf.for %scan3A_213 = %scan3A_194 to %scan3A_196 step %scan3A_197  : i32 {
            %mul3A_214 = arith.constant 1 : i32
            %mul3A_215 = arith.muli %scan3A_213, %mul3A_214 : i32
            %add3A_216 = arith.constant 0 : i32
            %add3A_217 = arith.addi %add3A_216, %mul3A_215 : i32
            %mul3A_218 = arith.constant 16 : i32
            %mul3A_219 = arith.muli %add3A_217, %mul3A_218 : i32
            %get3A_220 = arith.index_cast %mul3A_219 : i32 to index
            %get3A_221 = tpu.vector_load %arg8[%get3A_220] {strides = array<i32>} : memref<128xi32, #tpu.memory_space<vmem>>, vector<16xi32>,
            %get3A_222 = vector.shape_cast %get3A_221 : vector<16xi32> to vector<16xi32>
            %and3A = arith.constant 7 : i32
            %and3A_223 = vector.broadcast %and3A : i32 to vector<16xi32>
            %and3A_224 = arith.andi %get3A_222, %and3A_223 : vector<16xi32>
            %mul3A_225 = arith.constant 16 : i32
            %mul3A_226 = vector.broadcast %mul3A_225 : i32 to vector<16xi32>
            %mul3A_227 = arith.muli %and3A_224, %mul3A_226 : vector<16xi32>
            %mul3A_228 = arith.constant 16 : i32
            %mul3A_229 = arith.muli %add3A_217, %mul3A_228 : i32
            %add3A_230 = arith.constant 0 : i32
            %add3A_231 = arith.addi %mul3A_229, %add3A_230 : i32
            %mul3A_232 = arith.constant 2 : i32
            %mul3A_233 = arith.muli %mul3A_232, %add3A_217 : i32
            %add3A_234 = arith.constant 0 : i32
            %add3A_235 = arith.addi %mul3A_233, %add3A_234 : i32
            %slice3A = vector.extract_strided_slice %mul3A_227 {offsets = [0], sizes = [1], strides = [1]} : vector<16xi32> to vector<1xi32>
            %squeeze3A = vector.extract %slice3A[0] : i32 from vector<1xi32>
            %get3A_236 = arith.index_cast %add3A_231 : i32 to index
            %get3A_237 = arith.index_cast %squeeze3A : i32 to index
            %get3A_238 = tpu.vector_load %arg16[%get3A_236, %get3A_237] {strides = array<i32>} : memref<128x128xf32, #tpu.memory_space<vmem>>, vector<1x16xf32>,
            %get3A_239 = vector.shape_cast %get3A_238 : vector<1x16xf32> to vector<16xf32>
            %swap3A_240 = arith.index_cast %add3A_235 : i32 to index
            %swap3A_241 = arith.constant 0 : index
            %swap3A_242 = tpu.vector_load %arg20[%swap3A_240, %swap3A_241] {strides = array<i32>} : memref<16x128xf32, #tpu.memory_space<vmem>>, vector<1x16xf32>,
            %swap3A_243 = vector.shape_cast %swap3A_242 : vector<1x16xf32> to vector<16xf32>
            %swap3A_244 = vector.shape_cast %get3A_239 : vector<16xf32> to vector<1x16xf32>
            tpu.vector_store %arg20[%swap3A_240, %swap3A_241], %swap3A_244 {strides = array<i32>} : memref<16x128xf32, #tpu.memory_space<vmem>>, vector<1x16xf32>,
            %mul3A_245 = arith.constant 16 : i32
            %mul3A_246 = arith.muli %add3A_217, %mul3A_245 : i32
            %add3A_247 = arith.constant 1 : i32
            %add3A_248 = arith.addi %mul3A_246, %add3A_247 : i32
            %mul3A_249 = arith.constant 2 : i32
            %mul3A_250 = arith.muli %mul3A_249, %add3A_217 : i32
            %add3A_251 = arith.constant 0 : i32
            %add3A_252 = arith.addi %mul3A_250, %add3A_251 : i32
            %slice3A_253 = vector.extract_strided_slice %mul3A_227 {offsets = [1], sizes = [1], strides = [1]} : vector<16xi32> to vector<1xi32>
            %squeeze3A_254 = vector.extract %slice3A_253[0] : i32 from vector<1xi32>
            %get3A_255 = arith.index_cast %add3A_248 : i32 to index
            %get3A_256 = arith.index_cast %squeeze3A_254 : i32 to index
            %get3A_257 = tpu.vector_load %arg16[%get3A_255, %get3A_256] {strides = array<i32>} : memref<128x128xf32, #tpu.memory_space<vmem>>, vector<1x16xf32>,
            %get3A_258 = vector.shape_cast %get3A_257 : vector<1x16xf32> to vector<16xf32>
            %swap3A_259 = arith.index_cast %add3A_252 : i32 to index
            %swap3A_260 = arith.constant 16 : index
            %swap3A_261 = tpu.vector_load %arg20[%swap3A_259, %swap3A_260] {strides = array<i32>} : memref<16x128xf32, #tpu.memory_space<vmem>>, vector<1x16xf32>,
            %swap3A_262 = vector.shape_cast %swap3A_261 : vector<1x16xf32> to vector<16xf32>
            %swap3A_263 = vector.shape_cast %get3A_258 : vector<16xf32> to vector<1x16xf32>
            tpu.vector_store %arg20[%swap3A_259, %swap3A_260], %swap3A_263 {strides = array<i32>} : memref<16x128xf32, #tpu.memory_space<vmem>>, vector<1x16xf32>,
            %mul3A_264 = arith.constant 16 : i32
            %mul3A_265 = arith.muli %add3A_217, %mul3A_264 : i32
            %add3A_266 = arith.constant 2 : i32
            %add3A_267 = arith.addi %mul3A_265, %add3A_266 : i32
            %mul3A_268 = arith.constant 2 : i32
            %mul3A_269 = arith.muli %mul3A_268, %add3A_217 : i32
            %add3A_270 = arith.constant 0 : i32
            %add3A_271 = arith.addi %mul3A_269, %add3A_270 : i32
            %slice3A_272 = vector.extract_strided_slice %mul3A_227 {offsets = [2], sizes = [1], strides = [1]} : vector<16xi32> to vector<1xi32>
            %squeeze3A_273 = vector.extract %slice3A_272[0] : i32 from vector<1xi32>
            %get3A_274 = arith.index_cast %add3A_267 : i32 to index
            %get3A_275 = arith.index_cast %squeeze3A_273 : i32 to index
            %get3A_276 = tpu.vector_load %arg16[%get3A_274, %get3A_275] {strides = array<i32>} : memref<128x128xf32, #tpu.memory_space<vmem>>, vector<1x16xf32>,
            %get3A_277 = vector.shape_cast %get3A_276 : vector<1x16xf32> to vector<16xf32>
            %swap3A_278 = arith.index_cast %add3A_271 : i32 to index
            %swap3A_279 = arith.constant 32 : index
            %swap3A_280 = tpu.vector_load %arg20[%swap3A_278, %swap3A_279] {strides = array<i32>} : memref<16x128xf32, #tpu.memory_space<vmem>>, vector<1x16xf32>,
            %swap3A_281 = vector.shape_cast %swap3A_280 : vector<1x16xf32> to vector<16xf32>
            %swap3A_282 = vector.shape_cast %get3A_277 : vector<16xf32> to vector<1x16xf32>
            tpu.vector_store %arg20[%swap3A_278, %swap3A_279], %swap3A_282 {strides = array<i32>} : memref<16x128xf32, #tpu.memory_space<vmem>>, vector<1x16xf32>,
            %mul3A_283 = arith.constant 16 : i32
            %mul3A_284 = arith.muli %add3A_217, %mul3A_283 : i32
            %add3A_285 = arith.constant 3 : i32
            %add3A_286 = arith.addi %mul3A_284, %add3A_285 : i32
            %mul3A_287 = arith.constant 2 : i32
            %mul3A_288 = arith.muli %mul3A_287, %add3A_217 : i32
            %add3A_289 = arith.constant 0 : i32
            %add3A_290 = arith.addi %mul3A_288, %add3A_289 : i32
            %slice3A_291 = vector.extract_strided_slice %mul3A_227 {offsets = [3], sizes = [1], strides = [1]} : vector<16xi32> to vector<1xi32>
            %squeeze3A_292 = vector.extract %slice3A_291[0] : i32 from vector<1xi32>
            %get3A_293 = arith.index_cast %add3A_286 : i32 to index
            %get3A_294 = arith.index_cast %squeeze3A_292 : i32 to index
            %get3A_295 = tpu.vector_load %arg16[%get3A_293, %get3A_294] {strides = array<i32>} : memref<128x128xf32, #tpu.memory_space<vmem>>, vector<1x16xf32>,
            %get3A_296 = vector.shape_cast %get3A_295 : vector<1x16xf32> to vector<16xf32>
            %swap3A_297 = arith.index_cast %add3A_290 : i32 to index
            %swap3A_298 = arith.constant 48 : index
            %swap3A_299 = tpu.vector_load %arg20[%swap3A_297, %swap3A_298] {strides = array<i32>} : memref<16x128xf32, #tpu.memory_space<vmem>>, vector<1x16xf32>,
            %swap3A_300 = vector.shape_cast %swap3A_299 : vector<1x16xf32> to vector<16xf32>
            %swap3A_301 = vector.shape_cast %get3A_296 : vector<16xf32> to vector<1x16xf32>
            tpu.vector_store %arg20[%swap3A_297, %swap3A_298], %swap3A_301 {strides = array<i32>} : memref<16x128xf32, #tpu.memory_space<vmem>>, vector<1x16xf32>,
            %mul3A_302 = arith.constant 16 : i32
            %mul3A_303 = arith.muli %add3A_217, %mul3A_302 : i32
            %add3A_304 = arith.constant 4 : i32
            %add3A_305 = arith.addi %mul3A_303, %add3A_304 : i32
            %mul3A_306 = arith.constant 2 : i32
            %mul3A_307 = arith.muli %mul3A_306, %add3A_217 : i32
            %add3A_308 = arith.constant 0 : i32
            %add3A_309 = arith.addi %mul3A_307, %add3A_308 : i32
            %slice3A_310 = vector.extract_strided_slice %mul3A_227 {offsets = [4], sizes = [1], strides = [1]} : vector<16xi32> to vector<1xi32>
            %squeeze3A_311 = vector.extract %slice3A_310[0] : i32 from vector<1xi32>
            %get3A_312 = arith.index_cast %add3A_305 : i32 to index
            %get3A_313 = arith.index_cast %squeeze3A_311 : i32 to index
            %get3A_314 = tpu.vector_load %arg16[%get3A_312, %get3A_313] {strides = array<i32>} : memref<128x128xf32, #tpu.memory_space<vmem>>, vector<1x16xf32>,
            %get3A_315 = vector.shape_cast %get3A_314 : vector<1x16xf32> to vector<16xf32>
            %swap3A_316 = arith.index_cast %add3A_309 : i32 to index
            %swap3A_317 = arith.constant 64 : index
            %swap3A_318 = tpu.vector_load %arg20[%swap3A_316, %swap3A_317] {strides = array<i32>} : memref<16x128xf32, #tpu.memory_space<vmem>>, vector<1x16xf32>,
            %swap3A_319 = vector.shape_cast %swap3A_318 : vector<1x16xf32> to vector<16xf32>
            %swap3A_320 = vector.shape_cast %get3A_315 : vector<16xf32> to vector<1x16xf32>
            tpu.vector_store %arg20[%swap3A_316, %swap3A_317], %swap3A_320 {strides = array<i32>} : memref<16x128xf32, #tpu.memory_space<vmem>>, vector<1x16xf32>,
            %mul3A_321 = arith.constant 16 : i32
            %mul3A_322 = arith.muli %add3A_217, %mul3A_321 : i32
            %add3A_323 = arith.constant 5 : i32
            %add3A_324 = arith.addi %mul3A_322, %add3A_323 : i32
            %mul3A_325 = arith.constant 2 : i32
            %mul3A_326 = arith.muli %mul3A_325, %add3A_217 : i32
            %add3A_327 = arith.constant 0 : i32
            %add3A_328 = arith.addi %mul3A_326, %add3A_327 : i32
            %slice3A_329 = vector.extract_strided_slice %mul3A_227 {offsets = [5], sizes = [1], strides = [1]} : vector<16xi32> to vector<1xi32>
            %squeeze3A_330 = vector.extract %slice3A_329[0] : i32 from vector<1xi32>
            %get3A_331 = arith.index_cast %add3A_324 : i32 to index
            %get3A_332 = arith.index_cast %squeeze3A_330 : i32 to index
            %get3A_333 = tpu.vector_load %arg16[%get3A_331, %get3A_332] {strides = array<i32>} : memref<128x128xf32, #tpu.memory_space<vmem>>, vector<1x16xf32>,
            %get3A_334 = vector.shape_cast %get3A_333 : vector<1x16xf32> to vector<16xf32>
            %swap3A_335 = arith.index_cast %add3A_328 : i32 to index
            %swap3A_336 = arith.constant 80 : index
            %swap3A_337 = tpu.vector_load %arg20[%swap3A_335, %swap3A_336] {strides = array<i32>} : memref<16x128xf32, #tpu.memory_space<vmem>>, vector<1x16xf32>,
            %swap3A_338 = vector.shape_cast %swap3A_337 : vector<1x16xf32> to vector<16xf32>
            %swap3A_339 = vector.shape_cast %get3A_334 : vector<16xf32> to vector<1x16xf32>
            tpu.vector_store %arg20[%swap3A_335, %swap3A_336], %swap3A_339 {strides = array<i32>} : memref<16x128xf32, #tpu.memory_space<vmem>>, vector<1x16xf32>,
            %mul3A_340 = arith.constant 16 : i32
            %mul3A_341 = arith.muli %add3A_217, %mul3A_340 : i32
            %add3A_342 = arith.constant 6 : i32
            %add3A_343 = arith.addi %mul3A_341, %add3A_342 : i32
            %mul3A_344 = arith.constant 2 : i32
            %mul3A_345 = arith.muli %mul3A_344, %add3A_217 : i32
            %add3A_346 = arith.constant 0 : i32
            %add3A_347 = arith.addi %mul3A_345, %add3A_346 : i32
            %slice3A_348 = vector.extract_strided_slice %mul3A_227 {offsets = [6], sizes = [1], strides = [1]} : vector<16xi32> to vector<1xi32>
            %squeeze3A_349 = vector.extract %slice3A_348[0] : i32 from vector<1xi32>
            %get3A_350 = arith.index_cast %add3A_343 : i32 to index
            %get3A_351 = arith.index_cast %squeeze3A_349 : i32 to index
            %get3A_352 = tpu.vector_load %arg16[%get3A_350, %get3A_351] {strides = array<i32>} : memref<128x128xf32, #tpu.memory_space<vmem>>, vector<1x16xf32>,
            %get3A_353 = vector.shape_cast %get3A_352 : vector<1x16xf32> to vector<16xf32>
            %swap3A_354 = arith.index_cast %add3A_347 : i32 to index
            %swap3A_355 = arith.constant 96 : index
            %swap3A_356 = tpu.vector_load %arg20[%swap3A_354, %swap3A_355] {strides = array<i32>} : memref<16x128xf32, #tpu.memory_space<vmem>>, vector<1x16xf32>,
            %swap3A_357 = vector.shape_cast %swap3A_356 : vector<1x16xf32> to vector<16xf32>
            %swap3A_358 = vector.shape_cast %get3A_353 : vector<16xf32> to vector<1x16xf32>
            tpu.vector_store %arg20[%swap3A_354, %swap3A_355], %swap3A_358 {strides = array<i32>} : memref<16x128xf32, #tpu.memory_space<vmem>>, vector<1x16xf32>,
            %mul3A_359 = arith.constant 16 : i32
            %mul3A_360 = arith.muli %add3A_217, %mul3A_359 : i32
            %add3A_361 = arith.constant 7 : i32
            %add3A_362 = arith.addi %mul3A_360, %add3A_361 : i32
            %mul3A_363 = arith.constant 2 : i32
            %mul3A_364 = arith.muli %mul3A_363, %add3A_217 : i32
            %add3A_365 = arith.constant 0 : i32
            %add3A_366 = arith.addi %mul3A_364, %add3A_365 : i32
            %slice3A_367 = vector.extract_strided_slice %mul3A_227 {offsets = [7], sizes = [1], strides = [1]} : vector<16xi32> to vector<1xi32>
            %squeeze3A_368 = vector.extract %slice3A_367[0] : i32 from vector<1xi32>
            %get3A_369 = arith.index_cast %add3A_362 : i32 to index
            %get3A_370 = arith.index_cast %squeeze3A_368 : i32 to index
            %get3A_371 = tpu.vector_load %arg16[%get3A_369, %get3A_370] {strides = array<i32>} : memref<128x128xf32, #tpu.memory_space<vmem>>, vector<1x16xf32>,
            %get3A_372 = vector.shape_cast %get3A_371 : vector<1x16xf32> to vector<16xf32>
            %swap3A_373 = arith.index_cast %add3A_366 : i32 to index
            %swap3A_374 = arith.constant 112 : index
            %swap3A_375 = tpu.vector_load %arg20[%swap3A_373, %swap3A_374] {strides = array<i32>} : memref<16x128xf32, #tpu.memory_space<vmem>>, vector<1x16xf32>,
            %swap3A_376 = vector.shape_cast %swap3A_375 : vector<1x16xf32> to vector<16xf32>
            %swap3A_377 = vector.shape_cast %get3A_372 : vector<16xf32> to vector<1x16xf32>
            tpu.vector_store %arg20[%swap3A_373, %swap3A_374], %swap3A_377 {strides = array<i32>} : memref<16x128xf32, #tpu.memory_space<vmem>>, vector<1x16xf32>,
            %mul3A_378 = arith.constant 16 : i32
            %mul3A_379 = arith.muli %add3A_217, %mul3A_378 : i32
            %add3A_380 = arith.constant 8 : i32
            %add3A_381 = arith.addi %mul3A_379, %add3A_380 : i32
            %mul3A_382 = arith.constant 2 : i32
            %mul3A_383 = arith.muli %mul3A_382, %add3A_217 : i32
            %add3A_384 = arith.constant 1 : i32
            %add3A_385 = arith.addi %mul3A_383, %add3A_384 : i32
            %slice3A_386 = vector.extract_strided_slice %mul3A_227 {offsets = [8], sizes = [1], strides = [1]} : vector<16xi32> to vector<1xi32>
            %squeeze3A_387 = vector.extract %slice3A_386[0] : i32 from vector<1xi32>
            %get3A_388 = arith.index_cast %add3A_381 : i32 to index
            %get3A_389 = arith.index_cast %squeeze3A_387 : i32 to index
            %get3A_390 = tpu.vector_load %arg16[%get3A_388, %get3A_389] {strides = array<i32>} : memref<128x128xf32, #tpu.memory_space<vmem>>, vector<1x16xf32>,
            %get3A_391 = vector.shape_cast %get3A_390 : vector<1x16xf32> to vector<16xf32>
            %swap3A_392 = arith.index_cast %add3A_385 : i32 to index
            %swap3A_393 = arith.constant 0 : index
            %swap3A_394 = tpu.vector_load %arg20[%swap3A_392, %swap3A_393] {strides = array<i32>} : memref<16x128xf32, #tpu.memory_space<vmem>>, vector<1x16xf32>,
            %swap3A_395 = vector.shape_cast %swap3A_394 : vector<1x16xf32> to vector<16xf32>
            %swap3A_396 = vector.shape_cast %get3A_391 : vector<16xf32> to vector<1x16xf32>
            tpu.vector_store %arg20[%swap3A_392, %swap3A_393], %swap3A_396 {strides = array<i32>} : memref<16x128xf32, #tpu.memory_space<vmem>>, vector<1x16xf32>,
            %mul3A_397 = arith.constant 16 : i32
            %mul3A_398 = arith.muli %add3A_217, %mul3A_397 : i32
            %add3A_399 = arith.constant 9 : i32
            %add3A_400 = arith.addi %mul3A_398, %add3A_399 : i32
            %mul3A_401 = arith.constant 2 : i32
            %mul3A_402 = arith.muli %mul3A_401, %add3A_217 : i32
            %add3A_403 = arith.constant 1 : i32
            %add3A_404 = arith.addi %mul3A_402, %add3A_403 : i32
            %slice3A_405 = vector.extract_strided_slice %mul3A_227 {offsets = [9], sizes = [1], strides = [1]} : vector<16xi32> to vector<1xi32>
            %squeeze3A_406 = vector.extract %slice3A_405[0] : i32 from vector<1xi32>
            %get3A_407 = arith.index_cast %add3A_400 : i32 to index
            %get3A_408 = arith.index_cast %squeeze3A_406 : i32 to index
            %get3A_409 = tpu.vector_load %arg16[%get3A_407, %get3A_408] {strides = array<i32>} : memref<128x128xf32, #tpu.memory_space<vmem>>, vector<1x16xf32>,
            %get3A_410 = vector.shape_cast %get3A_409 : vector<1x16xf32> to vector<16xf32>
            %swap3A_411 = arith.index_cast %add3A_404 : i32 to index
            %swap3A_412 = arith.constant 16 : index
            %swap3A_413 = tpu.vector_load %arg20[%swap3A_411, %swap3A_412] {strides = array<i32>} : memref<16x128xf32, #tpu.memory_space<vmem>>, vector<1x16xf32>,
            %swap3A_414 = vector.shape_cast %swap3A_413 : vector<1x16xf32> to vector<16xf32>
            %swap3A_415 = vector.shape_cast %get3A_410 : vector<16xf32> to vector<1x16xf32>
            tpu.vector_store %arg20[%swap3A_411, %swap3A_412], %swap3A_415 {strides = array<i32>} : memref<16x128xf32, #tpu.memory_space<vmem>>, vector<1x16xf32>,
            %mul3A_416 = arith.constant 16 : i32
            %mul3A_417 = arith.muli %add3A_217, %mul3A_416 : i32
            %add3A_418 = arith.constant 10 : i32
            %add3A_419 = arith.addi %mul3A_417, %add3A_418 : i32
            %mul3A_420 = arith.constant 2 : i32
            %mul3A_421 = arith.muli %mul3A_420, %add3A_217 : i32
            %add3A_422 = arith.constant 1 : i32
            %add3A_423 = arith.addi %mul3A_421, %add3A_422 : i32
            %slice3A_424 = vector.extract_strided_slice %mul3A_227 {offsets = [10], sizes = [1], strides = [1]} : vector<16xi32> to vector<1xi32>
            %squeeze3A_425 = vector.extract %slice3A_424[0] : i32 from vector<1xi32>
            %get3A_426 = arith.index_cast %add3A_419 : i32 to index
            %get3A_427 = arith.index_cast %squeeze3A_425 : i32 to index
            %get3A_428 = tpu.vector_load %arg16[%get3A_426, %get3A_427] {strides = array<i32>} : memref<128x128xf32, #tpu.memory_space<vmem>>, vector<1x16xf32>,
            %get3A_429 = vector.shape_cast %get3A_428 : vector<1x16xf32> to vector<16xf32>
            %swap3A_430 = arith.index_cast %add3A_423 : i32 to index
            %swap3A_431 = arith.constant 32 : index
            %swap3A_432 = tpu.vector_load %arg20[%swap3A_430, %swap3A_431] {strides = array<i32>} : memref<16x128xf32, #tpu.memory_space<vmem>>, vector<1x16xf32>,
            %swap3A_433 = vector.shape_cast %swap3A_432 : vector<1x16xf32> to vector<16xf32>
            %swap3A_434 = vector.shape_cast %get3A_429 : vector<16xf32> to vector<1x16xf32>
            tpu.vector_store %arg20[%swap3A_430, %swap3A_431], %swap3A_434 {strides = array<i32>} : memref<16x128xf32, #tpu.memory_space<vmem>>, vector<1x16xf32>,
            %mul3A_435 = arith.constant 16 : i32
            %mul3A_436 = arith.muli %add3A_217, %mul3A_435 : i32
            %add3A_437 = arith.constant 11 : i32
            %add3A_438 = arith.addi %mul3A_436, %add3A_437 : i32
            %mul3A_439 = arith.constant 2 : i32
            %mul3A_440 = arith.muli %mul3A_439, %add3A_217 : i32
            %add3A_441 = arith.constant 1 : i32
            %add3A_442 = arith.addi %mul3A_440, %add3A_441 : i32
            %slice3A_443 = vector.extract_strided_slice %mul3A_227 {offsets = [11], sizes = [1], strides = [1]} : vector<16xi32> to vector<1xi32>
            %squeeze3A_444 = vector.extract %slice3A_443[0] : i32 from vector<1xi32>
            %get3A_445 = arith.index_cast %add3A_438 : i32 to index
            %get3A_446 = arith.index_cast %squeeze3A_444 : i32 to index
            %get3A_447 = tpu.vector_load %arg16[%get3A_445, %get3A_446] {strides = array<i32>} : memref<128x128xf32, #tpu.memory_space<vmem>>, vector<1x16xf32>,
            %get3A_448 = vector.shape_cast %get3A_447 : vector<1x16xf32> to vector<16xf32>
            %swap3A_449 = arith.index_cast %add3A_442 : i32 to index
            %swap3A_450 = arith.constant 48 : index
            %swap3A_451 = tpu.vector_load %arg20[%swap3A_449, %swap3A_450] {strides = array<i32>} : memref<16x128xf32, #tpu.memory_space<vmem>>, vector<1x16xf32>,
            %swap3A_452 = vector.shape_cast %swap3A_451 : vector<1x16xf32> to vector<16xf32>
            %swap3A_453 = vector.shape_cast %get3A_448 : vector<16xf32> to vector<1x16xf32>
            tpu.vector_store %arg20[%swap3A_449, %swap3A_450], %swap3A_453 {strides = array<i32>} : memref<16x128xf32, #tpu.memory_space<vmem>>, vector<1x16xf32>,
            %mul3A_454 = arith.constant 16 : i32
            %mul3A_455 = arith.muli %add3A_217, %mul3A_454 : i32
            %add3A_456 = arith.constant 12 : i32
            %add3A_457 = arith.addi %mul3A_455, %add3A_456 : i32
            %mul3A_458 = arith.constant 2 : i32
            %mul3A_459 = arith.muli %mul3A_458, %add3A_217 : i32
            %add3A_460 = arith.constant 1 : i32
            %add3A_461 = arith.addi %mul3A_459, %add3A_460 : i32
            %slice3A_462 = vector.extract_strided_slice %mul3A_227 {offsets = [12], sizes = [1], strides = [1]} : vector<16xi32> to vector<1xi32>
            %squeeze3A_463 = vector.extract %slice3A_462[0] : i32 from vector<1xi32>
            %get3A_464 = arith.index_cast %add3A_457 : i32 to index
            %get3A_465 = arith.index_cast %squeeze3A_463 : i32 to index
            %get3A_466 = tpu.vector_load %arg16[%get3A_464, %get3A_465] {strides = array<i32>} : memref<128x128xf32, #tpu.memory_space<vmem>>, vector<1x16xf32>,
            %get3A_467 = vector.shape_cast %get3A_466 : vector<1x16xf32> to vector<16xf32>
            %swap3A_468 = arith.index_cast %add3A_461 : i32 to index
            %swap3A_469 = arith.constant 64 : index
            %swap3A_470 = tpu.vector_load %arg20[%swap3A_468, %swap3A_469] {strides = array<i32>} : memref<16x128xf32, #tpu.memory_space<vmem>>, vector<1x16xf32>,
            %swap3A_471 = vector.shape_cast %swap3A_470 : vector<1x16xf32> to vector<16xf32>
            %swap3A_472 = vector.shape_cast %get3A_467 : vector<16xf32> to vector<1x16xf32>
            tpu.vector_store %arg20[%swap3A_468, %swap3A_469], %swap3A_472 {strides = array<i32>} : memref<16x128xf32, #tpu.memory_space<vmem>>, vector<1x16xf32>,
            %mul3A_473 = arith.constant 16 : i32
            %mul3A_474 = arith.muli %add3A_217, %mul3A_473 : i32
            %add3A_475 = arith.constant 13 : i32
            %add3A_476 = arith.addi %mul3A_474, %add3A_475 : i32
            %mul3A_477 = arith.constant 2 : i32
            %mul3A_478 = arith.muli %mul3A_477, %add3A_217 : i32
            %add3A_479 = arith.constant 1 : i32
            %add3A_480 = arith.addi %mul3A_478, %add3A_479 : i32
            %slice3A_481 = vector.extract_strided_slice %mul3A_227 {offsets = [13], sizes = [1], strides = [1]} : vector<16xi32> to vector<1xi32>
            %squeeze3A_482 = vector.extract %slice3A_481[0] : i32 from vector<1xi32>
            %get3A_483 = arith.index_cast %add3A_476 : i32 to index
            %get3A_484 = arith.index_cast %squeeze3A_482 : i32 to index
            %get3A_485 = tpu.vector_load %arg16[%get3A_483, %get3A_484] {strides = array<i32>} : memref<128x128xf32, #tpu.memory_space<vmem>>, vector<1x16xf32>,
            %get3A_486 = vector.shape_cast %get3A_485 : vector<1x16xf32> to vector<16xf32>
            %swap3A_487 = arith.index_cast %add3A_480 : i32 to index
            %swap3A_488 = arith.constant 80 : index
            %swap3A_489 = tpu.vector_load %arg20[%swap3A_487, %swap3A_488] {strides = array<i32>} : memref<16x128xf32, #tpu.memory_space<vmem>>, vector<1x16xf32>,
            %swap3A_490 = vector.shape_cast %swap3A_489 : vector<1x16xf32> to vector<16xf32>
            %swap3A_491 = vector.shape_cast %get3A_486 : vector<16xf32> to vector<1x16xf32>
            tpu.vector_store %arg20[%swap3A_487, %swap3A_488], %swap3A_491 {strides = array<i32>} : memref<16x128xf32, #tpu.memory_space<vmem>>, vector<1x16xf32>,
            %mul3A_492 = arith.constant 16 : i32
            %mul3A_493 = arith.muli %add3A_217, %mul3A_492 : i32
            %add3A_494 = arith.constant 14 : i32
            %add3A_495 = arith.addi %mul3A_493, %add3A_494 : i32
            %mul3A_496 = arith.constant 2 : i32
            %mul3A_497 = arith.muli %mul3A_496, %add3A_217 : i32
            %add3A_498 = arith.constant 1 : i32
            %add3A_499 = arith.addi %mul3A_497, %add3A_498 : i32
            %slice3A_500 = vector.extract_strided_slice %mul3A_227 {offsets = [14], sizes = [1], strides = [1]} : vector<16xi32> to vector<1xi32>
            %squeeze3A_501 = vector.extract %slice3A_500[0] : i32 from vector<1xi32>
            %get3A_502 = arith.index_cast %add3A_495 : i32 to index
            %get3A_503 = arith.index_cast %squeeze3A_501 : i32 to index
            %get3A_504 = tpu.vector_load %arg16[%get3A_502, %get3A_503] {strides = array<i32>} : memref<128x128xf32, #tpu.memory_space<vmem>>, vector<1x16xf32>,
            %get3A_505 = vector.shape_cast %get3A_504 : vector<1x16xf32> to vector<16xf32>
            %swap3A_506 = arith.index_cast %add3A_499 : i32 to index
            %swap3A_507 = arith.constant 96 : index
            %swap3A_508 = tpu.vector_load %arg20[%swap3A_506, %swap3A_507] {strides = array<i32>} : memref<16x128xf32, #tpu.memory_space<vmem>>, vector<1x16xf32>,
            %swap3A_509 = vector.shape_cast %swap3A_508 : vector<1x16xf32> to vector<16xf32>
            %swap3A_510 = vector.shape_cast %get3A_505 : vector<16xf32> to vector<1x16xf32>
            tpu.vector_store %arg20[%swap3A_506, %swap3A_507], %swap3A_510 {strides = array<i32>} : memref<16x128xf32, #tpu.memory_space<vmem>>, vector<1x16xf32>,
            %mul3A_511 = arith.constant 16 : i32
            %mul3A_512 = arith.muli %add3A_217, %mul3A_511 : i32
            %add3A_513 = arith.constant 15 : i32
            %add3A_514 = arith.addi %mul3A_512, %add3A_513 : i32
            %mul3A_515 = arith.constant 2 : i32
            %mul3A_516 = arith.muli %mul3A_515, %add3A_217 : i32
            %add3A_517 = arith.constant 1 : i32
            %add3A_518 = arith.addi %mul3A_516, %add3A_517 : i32
            %slice3A_519 = vector.extract_strided_slice %mul3A_227 {offsets = [15], sizes = [1], strides = [1]} : vector<16xi32> to vector<1xi32>
            %squeeze3A_520 = vector.extract %slice3A_519[0] : i32 from vector<1xi32>
            %get3A_521 = arith.index_cast %add3A_514 : i32 to index
            %get3A_522 = arith.index_cast %squeeze3A_520 : i32 to index
            %get3A_523 = tpu.vector_load %arg16[%get3A_521, %get3A_522] {strides = array<i32>} : memref<128x128xf32, #tpu.memory_space<vmem>>, vector<1x16xf32>,
            %get3A_524 = vector.shape_cast %get3A_523 : vector<1x16xf32> to vector<16xf32>
            %swap3A_525 = arith.index_cast %add3A_518 : i32 to index
            %swap3A_526 = arith.constant 112 : index
            %swap3A_527 = tpu.vector_load %arg20[%swap3A_525, %swap3A_526] {strides = array<i32>} : memref<16x128xf32, #tpu.memory_space<vmem>>, vector<1x16xf32>,
            %swap3A_528 = vector.shape_cast %swap3A_527 : vector<1x16xf32> to vector<16xf32>
            %swap3A_529 = vector.shape_cast %get3A_524 : vector<16xf32> to vector<1x16xf32>
            tpu.vector_store %arg20[%swap3A_525, %swap3A_526], %swap3A_529 {strides = array<i32>} : memref<16x128xf32, #tpu.memory_space<vmem>>, vector<1x16xf32>,
          }
          %scan3A_198 = arith.constant 8 : i32
          %sub3A = arith.constant 2 : i32
          %sub3A_199 = arith.subi %add3A_79, %sub3A : i32
          %mul3A_200 = arith.constant 16 : i32
          %mul3A_201 = arith.muli %sub3A_199, %mul3A_200 : i32
          %add3A_202 = arith.addi %mul3A_4, %mul3A_201 : i32
          %dma_start3A_203 = arith.constant 0 : i32
          %dma_start3A_204 = tpu.memref_slice %arg4[%add3A_202, %dma_start3A_203] : memref<409600x128xf32, #tpu.memory_space<hbm>> -> memref<16x128xf32, #tpu.memory_space<hbm>>
          %dma_start3A_205 = arith.constant 0 : i32
          %dma_start3A_206 = tpu.memref_slice %arg4[%add3A_202, %dma_start3A_205] : memref<409600x128xf32, #tpu.memory_space<hbm>> -> memref<16x128xf32, #tpu.memory_space<hbm>>
          tpu.enqueue_dma source(%arg20 : memref<16x128xf32, #tpu.memory_space<vmem>>) target(%dma_start3A_206 : memref<16x128xf32, #tpu.memory_space<hbm>>) target_semaphore(%arg32 : memref<!tpu.dma_semaphore, #tpu.memory_space<semaphore_mem>>)
          %add3A_207 = arith.constant 2 : i32
          %add3A_208 = arith.addi %add3A_79, %add3A_207 : i32
          %lt3A = arith.constant 800 : i32
          %lt3A_209 = arith.cmpi slt, %add3A_208, %lt3A : i32
          %convert_element_type3A_210 = arith.extui %lt3A_209 : i1 to i32
          %cond3A_211 = arith.constant 0 : i32
          %cond3A_212 = arith.cmpi ne, %convert_element_type3A_210, %cond3A_211 : i32
          scf.if %cond3A_212 {
            %add3A_213 = arith.constant 2 : i32
            %add3A_214 = arith.addi %add3A_79, %add3A_213 : i32
            %mul3A_215 = arith.constant 128 : i32
            %mul3A_216 = arith.muli %add3A_214, %mul3A_215 : i32
            %add3A_217 = arith.addi %mul3A_2, %mul3A_216 : i32
            %dma_start3A_218 = tpu.memref_slice %arg3[%add3A_217] : memref<3276800xi32, #tpu.memory_space<hbm>> -> memref<128xi32, #tpu.memory_space<hbm>>
            %dma_start3A_219 = tpu.memref_slice %arg3[%add3A_217] : memref<3276800xi32, #tpu.memory_space<hbm>> -> memref<128xi32, #tpu.memory_space<hbm>>
            tpu.enqueue_dma source(%dma_start3A_219 : memref<128xi32, #tpu.memory_space<hbm>>) target(%arg8 : memref<128xi32, #tpu.memory_space<vmem>>) target_semaphore(%arg24 : memref<!tpu.dma_semaphore, #tpu.memory_space<semaphore_mem>>)
          } else {
          }
        } else {
        }
      } else {
      }
      %eq3A_88 = arith.constant 2 : i32
      %eq3A_89 = arith.cmpi eq, %rem3A_80, %eq3A_88 : i32
      %convert_element_type3A_90 = arith.extui %eq3A_89 : i1 to i32
      %cond3A_91 = arith.constant 0 : i32
      %cond3A_92 = arith.cmpi ne, %convert_element_type3A_90, %cond3A_91 : i32
      scf.if %cond3A_92 {
        %ge3A = arith.constant 4 : i32
        %ge3A_98 = arith.cmpi sge, %add3A_79, %ge3A : i32
        %convert_element_type3A_99 = arith.extui %ge3A_98 : i1 to i32
        %cond3A_100 = arith.constant 0 : i32
        %cond3A_101 = arith.cmpi ne, %convert_element_type3A_99, %cond3A_100 : i32
        scf.if %cond3A_101 {
          %dma_wait3A_191 = arith.constant 0 : i32
          %dma_wait3A_192 = arith.constant 0 : i32
          %dma_wait3A_193 = tpu.memref_slice %arg4[%dma_wait3A_191, %dma_wait3A_192] : memref<409600x128xf32, #tpu.memory_space<hbm>> -> memref<16x128xf32, #tpu.memory_space<hbm>>
          %dma_wait3A_194 = arith.constant 0 : i32
          %dma_wait3A_195 = arith.constant 0 : i32
          %dma_wait3A_196 = tpu.memref_slice %arg4[%dma_wait3A_194, %dma_wait3A_195] : memref<409600x128xf32, #tpu.memory_space<hbm>> -> memref<16x128xf32, #tpu.memory_space<hbm>>
          tpu.wait_dma2 semaphore(%arg31 : memref<!tpu.dma_semaphore, #tpu.memory_space<semaphore_mem>>) src(%arg19 : memref<16x128xf32, #tpu.memory_space<vmem>>) dst(%dma_wait3A_196 : memref<16x128xf32, #tpu.memory_space<hbm>>)
        } else {
        }
        %dma_wait3A_102 = arith.constant 0 : i32
        %dma_wait3A_103 = tpu.memref_slice %arg3[%dma_wait3A_102] : memref<3276800xi32, #tpu.memory_space<hbm>> -> memref<128xi32, #tpu.memory_space<hbm>>
        %dma_wait3A_104 = arith.constant 0 : i32
        %dma_wait3A_105 = tpu.memref_slice %arg3[%dma_wait3A_104] : memref<3276800xi32, #tpu.memory_space<hbm>> -> memref<128xi32, #tpu.memory_space<hbm>>
        tpu.wait_dma2 semaphore(%arg23 : memref<!tpu.dma_semaphore, #tpu.memory_space<semaphore_mem>>) src(%dma_wait3A_105 : memref<128xi32, #tpu.memory_space<hbm>>) dst(%arg7 : memref<128xi32, #tpu.memory_space<vmem>>)
        %get3A = arith.constant 0 : index
        %get3A_106 = tpu.vector_load %arg7[%get3A] {strides = array<i32>} : memref<128xi32, #tpu.memory_space<vmem>>, vector<16xi32>,
        %get3A_107 = vector.shape_cast %get3A_106 : vector<16xi32> to vector<16xi32>
        %shift_right_arithmetic3A = arith.constant 3 : i32
        %shift_right_arithmetic3A_108 = vector.broadcast %shift_right_arithmetic3A : i32 to vector<16xi32>
        %shift_right_arithmetic3A_109 = arith.shrsi %get3A_107, %shift_right_arithmetic3A_108 : vector<16xi32>
        %swap3A = arith.constant 0 : index
        %swap3A_110 = tpu.vector_load %arg11[%swap3A] {strides = array<i32>} : memref<128xi32, #tpu.memory_space<vmem>>, vector<16xi32>,
        %swap3A_111 = vector.shape_cast %swap3A_110 : vector<16xi32> to vector<16xi32>
        %swap3A_112 = vector.shape_cast %shift_right_arithmetic3A_109 : vector<16xi32> to vector<16xi32>
        tpu.vector_store %arg11[%swap3A], %swap3A_112 {strides = array<i32>} : memref<128xi32, #tpu.memory_space<vmem>>, vector<16xi32>,
        %get3A_113 = arith.constant 16 : index
        %get3A_114 = tpu.vector_load %arg7[%get3A_113] {strides = array<i32>} : memref<128xi32, #tpu.memory_space<vmem>>, vector<16xi32>,
        %get3A_115 = vector.shape_cast %get3A_114 : vector<16xi32> to vector<16xi32>
        %shift_right_arithmetic3A_116 = arith.constant 3 : i32
        %shift_right_arithmetic3A_117 = vector.broadcast %shift_right_arithmetic3A_116 : i32 to vector<16xi32>
        %shift_right_arithmetic3A_118 = arith.shrsi %get3A_115, %shift_right_arithmetic3A_117 : vector<16xi32>
        %swap3A_119 = arith.constant 16 : index
        %swap3A_120 = tpu.vector_load %arg11[%swap3A_119] {strides = array<i32>} : memref<128xi32, #tpu.memory_space<vmem>>, vector<16xi32>,
        %swap3A_121 = vector.shape_cast %swap3A_120 : vector<16xi32> to vector<16xi32>
        %swap3A_122 = vector.shape_cast %shift_right_arithmetic3A_118 : vector<16xi32> to vector<16xi32>
        tpu.vector_store %arg11[%swap3A_119], %swap3A_122 {strides = array<i32>} : memref<128xi32, #tpu.memory_space<vmem>>, vector<16xi32>,
        %get3A_123 = arith.constant 32 : index
        %get3A_124 = tpu.vector_load %arg7[%get3A_123] {strides = array<i32>} : memref<128xi32, #tpu.memory_space<vmem>>, vector<16xi32>,
        %get3A_125 = vector.shape_cast %get3A_124 : vector<16xi32> to vector<16xi32>
        %shift_right_arithmetic3A_126 = arith.constant 3 : i32
        %shift_right_arithmetic3A_127 = vector.broadcast %shift_right_arithmetic3A_126 : i32 to vector<16xi32>
        %shift_right_arithmetic3A_128 = arith.shrsi %get3A_125, %shift_right_arithmetic3A_127 : vector<16xi32>
        %swap3A_129 = arith.constant 32 : index
        %swap3A_130 = tpu.vector_load %arg11[%swap3A_129] {strides = array<i32>} : memref<128xi32, #tpu.memory_space<vmem>>, vector<16xi32>,
        %swap3A_131 = vector.shape_cast %swap3A_130 : vector<16xi32> to vector<16xi32>
        %swap3A_132 = vector.shape_cast %shift_right_arithmetic3A_128 : vector<16xi32> to vector<16xi32>
        tpu.vector_store %arg11[%swap3A_129], %swap3A_132 {strides = array<i32>} : memref<128xi32, #tpu.memory_space<vmem>>, vector<16xi32>,
        %get3A_133 = arith.constant 48 : index
        %get3A_134 = tpu.vector_load %arg7[%get3A_133] {strides = array<i32>} : memref<128xi32, #tpu.memory_space<vmem>>, vector<16xi32>,
        %get3A_135 = vector.shape_cast %get3A_134 : vector<16xi32> to vector<16xi32>
        %shift_right_arithmetic3A_136 = arith.constant 3 : i32
        %shift_right_arithmetic3A_137 = vector.broadcast %shift_right_arithmetic3A_136 : i32 to vector<16xi32>
        %shift_right_arithmetic3A_138 = arith.shrsi %get3A_135, %shift_right_arithmetic3A_137 : vector<16xi32>
        %swap3A_139 = arith.constant 48 : index
        %swap3A_140 = tpu.vector_load %arg11[%swap3A_139] {strides = array<i32>} : memref<128xi32, #tpu.memory_space<vmem>>, vector<16xi32>,
        %swap3A_141 = vector.shape_cast %swap3A_140 : vector<16xi32> to vector<16xi32>
        %swap3A_142 = vector.shape_cast %shift_right_arithmetic3A_138 : vector<16xi32> to vector<16xi32>
        tpu.vector_store %arg11[%swap3A_139], %swap3A_142 {strides = array<i32>} : memref<128xi32, #tpu.memory_space<vmem>>, vector<16xi32>,
        %get3A_143 = arith.constant 64 : index
        %get3A_144 = tpu.vector_load %arg7[%get3A_143] {strides = array<i32>} : memref<128xi32, #tpu.memory_space<vmem>>, vector<16xi32>,
        %get3A_145 = vector.shape_cast %get3A_144 : vector<16xi32> to vector<16xi32>
        %shift_right_arithmetic3A_146 = arith.constant 3 : i32
        %shift_right_arithmetic3A_147 = vector.broadcast %shift_right_arithmetic3A_146 : i32 to vector<16xi32>
        %shift_right_arithmetic3A_148 = arith.shrsi %get3A_145, %shift_right_arithmetic3A_147 : vector<16xi32>
        %swap3A_149 = arith.constant 64 : index
        %swap3A_150 = tpu.vector_load %arg11[%swap3A_149] {strides = array<i32>} : memref<128xi32, #tpu.memory_space<vmem>>, vector<16xi32>,
        %swap3A_151 = vector.shape_cast %swap3A_150 : vector<16xi32> to vector<16xi32>
        %swap3A_152 = vector.shape_cast %shift_right_arithmetic3A_148 : vector<16xi32> to vector<16xi32>
        tpu.vector_store %arg11[%swap3A_149], %swap3A_152 {strides = array<i32>} : memref<128xi32, #tpu.memory_space<vmem>>, vector<16xi32>,
        %get3A_153 = arith.constant 80 : index
        %get3A_154 = tpu.vector_load %arg7[%get3A_153] {strides = array<i32>} : memref<128xi32, #tpu.memory_space<vmem>>, vector<16xi32>,
        %get3A_155 = vector.shape_cast %get3A_154 : vector<16xi32> to vector<16xi32>
        %shift_right_arithmetic3A_156 = arith.constant 3 : i32
        %shift_right_arithmetic3A_157 = vector.broadcast %shift_right_arithmetic3A_156 : i32 to vector<16xi32>
        %shift_right_arithmetic3A_158 = arith.shrsi %get3A_155, %shift_right_arithmetic3A_157 : vector<16xi32>
        %swap3A_159 = arith.constant 80 : index
        %swap3A_160 = tpu.vector_load %arg11[%swap3A_159] {strides = array<i32>} : memref<128xi32, #tpu.memory_space<vmem>>, vector<16xi32>,
        %swap3A_161 = vector.shape_cast %swap3A_160 : vector<16xi32> to vector<16xi32>
        %swap3A_162 = vector.shape_cast %shift_right_arithmetic3A_158 : vector<16xi32> to vector<16xi32>
        tpu.vector_store %arg11[%swap3A_159], %swap3A_162 {strides = array<i32>} : memref<128xi32, #tpu.memory_space<vmem>>, vector<16xi32>,
        %get3A_163 = arith.constant 96 : index
        %get3A_164 = tpu.vector_load %arg7[%get3A_163] {strides = array<i32>} : memref<128xi32, #tpu.memory_space<vmem>>, vector<16xi32>,
        %get3A_165 = vector.shape_cast %get3A_164 : vector<16xi32> to vector<16xi32>
        %shift_right_arithmetic3A_166 = arith.constant 3 : i32
        %shift_right_arithmetic3A_167 = vector.broadcast %shift_right_arithmetic3A_166 : i32 to vector<16xi32>
        %shift_right_arithmetic3A_168 = arith.shrsi %get3A_165, %shift_right_arithmetic3A_167 : vector<16xi32>
        %swap3A_169 = arith.constant 96 : index
        %swap3A_170 = tpu.vector_load %arg11[%swap3A_169] {strides = array<i32>} : memref<128xi32, #tpu.memory_space<vmem>>, vector<16xi32>,
        %swap3A_171 = vector.shape_cast %swap3A_170 : vector<16xi32> to vector<16xi32>
        %swap3A_172 = vector.shape_cast %shift_right_arithmetic3A_168 : vector<16xi32> to vector<16xi32>
        tpu.vector_store %arg11[%swap3A_169], %swap3A_172 {strides = array<i32>} : memref<128xi32, #tpu.memory_space<vmem>>, vector<16xi32>,
        %get3A_173 = arith.constant 112 : index
        %get3A_174 = tpu.vector_load %arg7[%get3A_173] {strides = array<i32>} : memref<128xi32, #tpu.memory_space<vmem>>, vector<16xi32>,
        %get3A_175 = vector.shape_cast %get3A_174 : vector<16xi32> to vector<16xi32>
        %shift_right_arithmetic3A_176 = arith.constant 3 : i32
        %shift_right_arithmetic3A_177 = vector.broadcast %shift_right_arithmetic3A_176 : i32 to vector<16xi32>
        %shift_right_arithmetic3A_178 = arith.shrsi %get3A_175, %shift_right_arithmetic3A_177 : vector<16xi32>
        %swap3A_179 = arith.constant 112 : index
        %swap3A_180 = tpu.vector_load %arg11[%swap3A_179] {strides = array<i32>} : memref<128xi32, #tpu.memory_space<vmem>>, vector<16xi32>,
        %swap3A_181 = vector.shape_cast %swap3A_180 : vector<16xi32> to vector<16xi32>
        %swap3A_182 = vector.shape_cast %shift_right_arithmetic3A_178 : vector<16xi32> to vector<16xi32>
        tpu.vector_store %arg11[%swap3A_179], %swap3A_182 {strides = array<i32>} : memref<128xi32, #tpu.memory_space<vmem>>, vector<16xi32>,
        %dma_start3A_183 = arith.constant 0 : i32
        %dma_start3A_184 = arith.constant 0 : i32
        %dma_start3A_185 = tpu.memref_slice %arg2[%dma_start3A_183, %dma_start3A_184] : memref<125000x128xf32, #tpu.memory_space<hbm>> -> memref<125000x128xf32, #tpu.memory_space<hbm>>
        tpu.enqueue_indirect_dma source(%dma_start3A_185 : memref<125000x128xf32, #tpu.memory_space<hbm>>) target(%arg15 : memref<128x128xf32, #tpu.memory_space<vmem>>) offsets(%arg11 : memref<128xi32, #tpu.memory_space<vmem>>) semaphore(%arg27 : memref<!tpu.dma_semaphore, #tpu.memory_space<semaphore_mem>>)
        %ge3A_186 = arith.constant 2 : i32
        %ge3A_187 = arith.cmpi sge, %add3A_79, %ge3A_186 : i32
        %convert_element_type3A_188 = arith.extui %ge3A_187 : i1 to i32
        %cond3A_189 = arith.constant 0 : i32
        %cond3A_190 = arith.cmpi ne, %convert_element_type3A_188, %cond3A_189 : i32
        scf.if %cond3A_190 {
          %dma_wait3A_191 = arith.constant 0 : i32
          %dma_wait3A_192 = arith.constant 0 : i32
          %dma_wait3A_193 = tpu.memref_slice %arg2[%dma_wait3A_191, %dma_wait3A_192] : memref<125000x128xf32, #tpu.memory_space<hbm>> -> memref<125000x128xf32, #tpu.memory_space<hbm>>
          tpu.wait_indirect_dma semaphore(%arg25 : memref<!tpu.dma_semaphore, #tpu.memory_space<semaphore_mem>>) src(%dma_wait3A_193 : memref<125000x128xf32, #tpu.memory_space<hbm>>) dst(%arg13 : memref<128x128xf32, #tpu.memory_space<vmem>>)
          %scan3A_194 = arith.constant 0 : i32
          %scan3A_195 = arith.constant 8 : i32
          %scan3A_196 = arith.addi %scan3A_194, %scan3A_195 : i32
          %scan3A_197 = arith.constant 1 : i32
          scf.for %scan3A_213 = %scan3A_194 to %scan3A_196 step %scan3A_197  : i32 {
            %mul3A_214 = arith.constant 1 : i32
            %mul3A_215 = arith.muli %scan3A_213, %mul3A_214 : i32
            %add3A_216 = arith.constant 0 : i32
            %add3A_217 = arith.addi %add3A_216, %mul3A_215 : i32
            %mul3A_218 = arith.constant 16 : i32
            %mul3A_219 = arith.muli %add3A_217, %mul3A_218 : i32
            %get3A_220 = arith.index_cast %mul3A_219 : i32 to index
            %get3A_221 = tpu.vector_load %arg5[%get3A_220] {strides = array<i32>} : memref<128xi32, #tpu.memory_space<vmem>>, vector<16xi32>,
            %get3A_222 = vector.shape_cast %get3A_221 : vector<16xi32> to vector<16xi32>
            %and3A = arith.constant 7 : i32
            %and3A_223 = vector.broadcast %and3A : i32 to vector<16xi32>
            %and3A_224 = arith.andi %get3A_222, %and3A_223 : vector<16xi32>
            %mul3A_225 = arith.constant 16 : i32
            %mul3A_226 = vector.broadcast %mul3A_225 : i32 to vector<16xi32>
            %mul3A_227 = arith.muli %and3A_224, %mul3A_226 : vector<16xi32>
            %mul3A_228 = arith.constant 16 : i32
            %mul3A_229 = arith.muli %add3A_217, %mul3A_228 : i32
            %add3A_230 = arith.constant 0 : i32
            %add3A_231 = arith.addi %mul3A_229, %add3A_230 : i32
            %mul3A_232 = arith.constant 2 : i32
            %mul3A_233 = arith.muli %mul3A_232, %add3A_217 : i32
            %add3A_234 = arith.constant 0 : i32
            %add3A_235 = arith.addi %mul3A_233, %add3A_234 : i32
            %slice3A = vector.extract_strided_slice %mul3A_227 {offsets = [0], sizes = [1], strides = [1]} : vector<16xi32> to vector<1xi32>
            %squeeze3A = vector.extract %slice3A[0] : i32 from vector<1xi32>
            %get3A_236 = arith.index_cast %add3A_231 : i32 to index
            %get3A_237 = arith.index_cast %squeeze3A : i32 to index
            %get3A_238 = tpu.vector_load %arg13[%get3A_236, %get3A_237] {strides = array<i32>} : memref<128x128xf32, #tpu.memory_space<vmem>>, vector<1x16xf32>,
            %get3A_239 = vector.shape_cast %get3A_238 : vector<1x16xf32> to vector<16xf32>
            %swap3A_240 = arith.index_cast %add3A_235 : i32 to index
            %swap3A_241 = arith.constant 0 : index
            %swap3A_242 = tpu.vector_load %arg17[%swap3A_240, %swap3A_241] {strides = array<i32>} : memref<16x128xf32, #tpu.memory_space<vmem>>, vector<1x16xf32>,
            %swap3A_243 = vector.shape_cast %swap3A_242 : vector<1x16xf32> to vector<16xf32>
            %swap3A_244 = vector.shape_cast %get3A_239 : vector<16xf32> to vector<1x16xf32>
            tpu.vector_store %arg17[%swap3A_240, %swap3A_241], %swap3A_244 {strides = array<i32>} : memref<16x128xf32, #tpu.memory_space<vmem>>, vector<1x16xf32>,
            %mul3A_245 = arith.constant 16 : i32
            %mul3A_246 = arith.muli %add3A_217, %mul3A_245 : i32
            %add3A_247 = arith.constant 1 : i32
            %add3A_248 = arith.addi %mul3A_246, %add3A_247 : i32
            %mul3A_249 = arith.constant 2 : i32
            %mul3A_250 = arith.muli %mul3A_249, %add3A_217 : i32
            %add3A_251 = arith.constant 0 : i32
            %add3A_252 = arith.addi %mul3A_250, %add3A_251 : i32
            %slice3A_253 = vector.extract_strided_slice %mul3A_227 {offsets = [1], sizes = [1], strides = [1]} : vector<16xi32> to vector<1xi32>
            %squeeze3A_254 = vector.extract %slice3A_253[0] : i32 from vector<1xi32>
            %get3A_255 = arith.index_cast %add3A_248 : i32 to index
            %get3A_256 = arith.index_cast %squeeze3A_254 : i32 to index
            %get3A_257 = tpu.vector_load %arg13[%get3A_255, %get3A_256] {strides = array<i32>} : memref<128x128xf32, #tpu.memory_space<vmem>>, vector<1x16xf32>,
            %get3A_258 = vector.shape_cast %get3A_257 : vector<1x16xf32> to vector<16xf32>
            %swap3A_259 = arith.index_cast %add3A_252 : i32 to index
            %swap3A_260 = arith.constant 16 : index
            %swap3A_261 = tpu.vector_load %arg17[%swap3A_259, %swap3A_260] {strides = array<i32>} : memref<16x128xf32, #tpu.memory_space<vmem>>, vector<1x16xf32>,
            %swap3A_262 = vector.shape_cast %swap3A_261 : vector<1x16xf32> to vector<16xf32>
            %swap3A_263 = vector.shape_cast %get3A_258 : vector<16xf32> to vector<1x16xf32>
            tpu.vector_store %arg17[%swap3A_259, %swap3A_260], %swap3A_263 {strides = array<i32>} : memref<16x128xf32, #tpu.memory_space<vmem>>, vector<1x16xf32>,
            %mul3A_264 = arith.constant 16 : i32
            %mul3A_265 = arith.muli %add3A_217, %mul3A_264 : i32
            %add3A_266 = arith.constant 2 : i32
            %add3A_267 = arith.addi %mul3A_265, %add3A_266 : i32
            %mul3A_268 = arith.constant 2 : i32
            %mul3A_269 = arith.muli %mul3A_268, %add3A_217 : i32
            %add3A_270 = arith.constant 0 : i32
            %add3A_271 = arith.addi %mul3A_269, %add3A_270 : i32
            %slice3A_272 = vector.extract_strided_slice %mul3A_227 {offsets = [2], sizes = [1], strides = [1]} : vector<16xi32> to vector<1xi32>
            %squeeze3A_273 = vector.extract %slice3A_272[0] : i32 from vector<1xi32>
            %get3A_274 = arith.index_cast %add3A_267 : i32 to index
            %get3A_275 = arith.index_cast %squeeze3A_273 : i32 to index
            %get3A_276 = tpu.vector_load %arg13[%get3A_274, %get3A_275] {strides = array<i32>} : memref<128x128xf32, #tpu.memory_space<vmem>>, vector<1x16xf32>,
            %get3A_277 = vector.shape_cast %get3A_276 : vector<1x16xf32> to vector<16xf32>
            %swap3A_278 = arith.index_cast %add3A_271 : i32 to index
            %swap3A_279 = arith.constant 32 : index
            %swap3A_280 = tpu.vector_load %arg17[%swap3A_278, %swap3A_279] {strides = array<i32>} : memref<16x128xf32, #tpu.memory_space<vmem>>, vector<1x16xf32>,
            %swap3A_281 = vector.shape_cast %swap3A_280 : vector<1x16xf32> to vector<16xf32>
            %swap3A_282 = vector.shape_cast %get3A_277 : vector<16xf32> to vector<1x16xf32>
            tpu.vector_store %arg17[%swap3A_278, %swap3A_279], %swap3A_282 {strides = array<i32>} : memref<16x128xf32, #tpu.memory_space<vmem>>, vector<1x16xf32>,
            %mul3A_283 = arith.constant 16 : i32
            %mul3A_284 = arith.muli %add3A_217, %mul3A_283 : i32
            %add3A_285 = arith.constant 3 : i32
            %add3A_286 = arith.addi %mul3A_284, %add3A_285 : i32
            %mul3A_287 = arith.constant 2 : i32
            %mul3A_288 = arith.muli %mul3A_287, %add3A_217 : i32
            %add3A_289 = arith.constant 0 : i32
            %add3A_290 = arith.addi %mul3A_288, %add3A_289 : i32
            %slice3A_291 = vector.extract_strided_slice %mul3A_227 {offsets = [3], sizes = [1], strides = [1]} : vector<16xi32> to vector<1xi32>
            %squeeze3A_292 = vector.extract %slice3A_291[0] : i32 from vector<1xi32>
            %get3A_293 = arith.index_cast %add3A_286 : i32 to index
            %get3A_294 = arith.index_cast %squeeze3A_292 : i32 to index
            %get3A_295 = tpu.vector_load %arg13[%get3A_293, %get3A_294] {strides = array<i32>} : memref<128x128xf32, #tpu.memory_space<vmem>>, vector<1x16xf32>,
            %get3A_296 = vector.shape_cast %get3A_295 : vector<1x16xf32> to vector<16xf32>
            %swap3A_297 = arith.index_cast %add3A_290 : i32 to index
            %swap3A_298 = arith.constant 48 : index
            %swap3A_299 = tpu.vector_load %arg17[%swap3A_297, %swap3A_298] {strides = array<i32>} : memref<16x128xf32, #tpu.memory_space<vmem>>, vector<1x16xf32>,
            %swap3A_300 = vector.shape_cast %swap3A_299 : vector<1x16xf32> to vector<16xf32>
            %swap3A_301 = vector.shape_cast %get3A_296 : vector<16xf32> to vector<1x16xf32>
            tpu.vector_store %arg17[%swap3A_297, %swap3A_298], %swap3A_301 {strides = array<i32>} : memref<16x128xf32, #tpu.memory_space<vmem>>, vector<1x16xf32>,
            %mul3A_302 = arith.constant 16 : i32
            %mul3A_303 = arith.muli %add3A_217, %mul3A_302 : i32
            %add3A_304 = arith.constant 4 : i32
            %add3A_305 = arith.addi %mul3A_303, %add3A_304 : i32
            %mul3A_306 = arith.constant 2 : i32
            %mul3A_307 = arith.muli %mul3A_306, %add3A_217 : i32
            %add3A_308 = arith.constant 0 : i32
            %add3A_309 = arith.addi %mul3A_307, %add3A_308 : i32
            %slice3A_310 = vector.extract_strided_slice %mul3A_227 {offsets = [4], sizes = [1], strides = [1]} : vector<16xi32> to vector<1xi32>
            %squeeze3A_311 = vector.extract %slice3A_310[0] : i32 from vector<1xi32>
            %get3A_312 = arith.index_cast %add3A_305 : i32 to index
            %get3A_313 = arith.index_cast %squeeze3A_311 : i32 to index
            %get3A_314 = tpu.vector_load %arg13[%get3A_312, %get3A_313] {strides = array<i32>} : memref<128x128xf32, #tpu.memory_space<vmem>>, vector<1x16xf32>,
            %get3A_315 = vector.shape_cast %get3A_314 : vector<1x16xf32> to vector<16xf32>
            %swap3A_316 = arith.index_cast %add3A_309 : i32 to index
            %swap3A_317 = arith.constant 64 : index
            %swap3A_318 = tpu.vector_load %arg17[%swap3A_316, %swap3A_317] {strides = array<i32>} : memref<16x128xf32, #tpu.memory_space<vmem>>, vector<1x16xf32>,
            %swap3A_319 = vector.shape_cast %swap3A_318 : vector<1x16xf32> to vector<16xf32>
            %swap3A_320 = vector.shape_cast %get3A_315 : vector<16xf32> to vector<1x16xf32>
            tpu.vector_store %arg17[%swap3A_316, %swap3A_317], %swap3A_320 {strides = array<i32>} : memref<16x128xf32, #tpu.memory_space<vmem>>, vector<1x16xf32>,
            %mul3A_321 = arith.constant 16 : i32
            %mul3A_322 = arith.muli %add3A_217, %mul3A_321 : i32
            %add3A_323 = arith.constant 5 : i32
            %add3A_324 = arith.addi %mul3A_322, %add3A_323 : i32
            %mul3A_325 = arith.constant 2 : i32
            %mul3A_326 = arith.muli %mul3A_325, %add3A_217 : i32
            %add3A_327 = arith.constant 0 : i32
            %add3A_328 = arith.addi %mul3A_326, %add3A_327 : i32
            %slice3A_329 = vector.extract_strided_slice %mul3A_227 {offsets = [5], sizes = [1], strides = [1]} : vector<16xi32> to vector<1xi32>
            %squeeze3A_330 = vector.extract %slice3A_329[0] : i32 from vector<1xi32>
            %get3A_331 = arith.index_cast %add3A_324 : i32 to index
            %get3A_332 = arith.index_cast %squeeze3A_330 : i32 to index
            %get3A_333 = tpu.vector_load %arg13[%get3A_331, %get3A_332] {strides = array<i32>} : memref<128x128xf32, #tpu.memory_space<vmem>>, vector<1x16xf32>,
            %get3A_334 = vector.shape_cast %get3A_333 : vector<1x16xf32> to vector<16xf32>
            %swap3A_335 = arith.index_cast %add3A_328 : i32 to index
            %swap3A_336 = arith.constant 80 : index
            %swap3A_337 = tpu.vector_load %arg17[%swap3A_335, %swap3A_336] {strides = array<i32>} : memref<16x128xf32, #tpu.memory_space<vmem>>, vector<1x16xf32>,
            %swap3A_338 = vector.shape_cast %swap3A_337 : vector<1x16xf32> to vector<16xf32>
            %swap3A_339 = vector.shape_cast %get3A_334 : vector<16xf32> to vector<1x16xf32>
            tpu.vector_store %arg17[%swap3A_335, %swap3A_336], %swap3A_339 {strides = array<i32>} : memref<16x128xf32, #tpu.memory_space<vmem>>, vector<1x16xf32>,
            %mul3A_340 = arith.constant 16 : i32
            %mul3A_341 = arith.muli %add3A_217, %mul3A_340 : i32
            %add3A_342 = arith.constant 6 : i32
            %add3A_343 = arith.addi %mul3A_341, %add3A_342 : i32
            %mul3A_344 = arith.constant 2 : i32
            %mul3A_345 = arith.muli %mul3A_344, %add3A_217 : i32
            %add3A_346 = arith.constant 0 : i32
            %add3A_347 = arith.addi %mul3A_345, %add3A_346 : i32
            %slice3A_348 = vector.extract_strided_slice %mul3A_227 {offsets = [6], sizes = [1], strides = [1]} : vector<16xi32> to vector<1xi32>
            %squeeze3A_349 = vector.extract %slice3A_348[0] : i32 from vector<1xi32>
            %get3A_350 = arith.index_cast %add3A_343 : i32 to index
            %get3A_351 = arith.index_cast %squeeze3A_349 : i32 to index
            %get3A_352 = tpu.vector_load %arg13[%get3A_350, %get3A_351] {strides = array<i32>} : memref<128x128xf32, #tpu.memory_space<vmem>>, vector<1x16xf32>,
            %get3A_353 = vector.shape_cast %get3A_352 : vector<1x16xf32> to vector<16xf32>
            %swap3A_354 = arith.index_cast %add3A_347 : i32 to index
            %swap3A_355 = arith.constant 96 : index
            %swap3A_356 = tpu.vector_load %arg17[%swap3A_354, %swap3A_355] {strides = array<i32>} : memref<16x128xf32, #tpu.memory_space<vmem>>, vector<1x16xf32>,
            %swap3A_357 = vector.shape_cast %swap3A_356 : vector<1x16xf32> to vector<16xf32>
            %swap3A_358 = vector.shape_cast %get3A_353 : vector<16xf32> to vector<1x16xf32>
            tpu.vector_store %arg17[%swap3A_354, %swap3A_355], %swap3A_358 {strides = array<i32>} : memref<16x128xf32, #tpu.memory_space<vmem>>, vector<1x16xf32>,
            %mul3A_359 = arith.constant 16 : i32
            %mul3A_360 = arith.muli %add3A_217, %mul3A_359 : i32
            %add3A_361 = arith.constant 7 : i32
            %add3A_362 = arith.addi %mul3A_360, %add3A_361 : i32
            %mul3A_363 = arith.constant 2 : i32
            %mul3A_364 = arith.muli %mul3A_363, %add3A_217 : i32
            %add3A_365 = arith.constant 0 : i32
            %add3A_366 = arith.addi %mul3A_364, %add3A_365 : i32
            %slice3A_367 = vector.extract_strided_slice %mul3A_227 {offsets = [7], sizes = [1], strides = [1]} : vector<16xi32> to vector<1xi32>
            %squeeze3A_368 = vector.extract %slice3A_367[0] : i32 from vector<1xi32>
            %get3A_369 = arith.index_cast %add3A_362 : i32 to index
            %get3A_370 = arith.index_cast %squeeze3A_368 : i32 to index
            %get3A_371 = tpu.vector_load %arg13[%get3A_369, %get3A_370] {strides = array<i32>} : memref<128x128xf32, #tpu.memory_space<vmem>>, vector<1x16xf32>,
            %get3A_372 = vector.shape_cast %get3A_371 : vector<1x16xf32> to vector<16xf32>
            %swap3A_373 = arith.index_cast %add3A_366 : i32 to index
            %swap3A_374 = arith.constant 112 : index
            %swap3A_375 = tpu.vector_load %arg17[%swap3A_373, %swap3A_374] {strides = array<i32>} : memref<16x128xf32, #tpu.memory_space<vmem>>, vector<1x16xf32>,
            %swap3A_376 = vector.shape_cast %swap3A_375 : vector<1x16xf32> to vector<16xf32>
            %swap3A_377 = vector.shape_cast %get3A_372 : vector<16xf32> to vector<1x16xf32>
            tpu.vector_store %arg17[%swap3A_373, %swap3A_374], %swap3A_377 {strides = array<i32>} : memref<16x128xf32, #tpu.memory_space<vmem>>, vector<1x16xf32>,
            %mul3A_378 = arith.constant 16 : i32
            %mul3A_379 = arith.muli %add3A_217, %mul3A_378 : i32
            %add3A_380 = arith.constant 8 : i32
            %add3A_381 = arith.addi %mul3A_379, %add3A_380 : i32
            %mul3A_382 = arith.constant 2 : i32
            %mul3A_383 = arith.muli %mul3A_382, %add3A_217 : i32
            %add3A_384 = arith.constant 1 : i32
            %add3A_385 = arith.addi %mul3A_383, %add3A_384 : i32
            %slice3A_386 = vector.extract_strided_slice %mul3A_227 {offsets = [8], sizes = [1], strides = [1]} : vector<16xi32> to vector<1xi32>
            %squeeze3A_387 = vector.extract %slice3A_386[0] : i32 from vector<1xi32>
            %get3A_388 = arith.index_cast %add3A_381 : i32 to index
            %get3A_389 = arith.index_cast %squeeze3A_387 : i32 to index
            %get3A_390 = tpu.vector_load %arg13[%get3A_388, %get3A_389] {strides = array<i32>} : memref<128x128xf32, #tpu.memory_space<vmem>>, vector<1x16xf32>,
            %get3A_391 = vector.shape_cast %get3A_390 : vector<1x16xf32> to vector<16xf32>
            %swap3A_392 = arith.index_cast %add3A_385 : i32 to index
            %swap3A_393 = arith.constant 0 : index
            %swap3A_394 = tpu.vector_load %arg17[%swap3A_392, %swap3A_393] {strides = array<i32>} : memref<16x128xf32, #tpu.memory_space<vmem>>, vector<1x16xf32>,
            %swap3A_395 = vector.shape_cast %swap3A_394 : vector<1x16xf32> to vector<16xf32>
            %swap3A_396 = vector.shape_cast %get3A_391 : vector<16xf32> to vector<1x16xf32>
            tpu.vector_store %arg17[%swap3A_392, %swap3A_393], %swap3A_396 {strides = array<i32>} : memref<16x128xf32, #tpu.memory_space<vmem>>, vector<1x16xf32>,
            %mul3A_397 = arith.constant 16 : i32
            %mul3A_398 = arith.muli %add3A_217, %mul3A_397 : i32
            %add3A_399 = arith.constant 9 : i32
            %add3A_400 = arith.addi %mul3A_398, %add3A_399 : i32
            %mul3A_401 = arith.constant 2 : i32
            %mul3A_402 = arith.muli %mul3A_401, %add3A_217 : i32
            %add3A_403 = arith.constant 1 : i32
            %add3A_404 = arith.addi %mul3A_402, %add3A_403 : i32
            %slice3A_405 = vector.extract_strided_slice %mul3A_227 {offsets = [9], sizes = [1], strides = [1]} : vector<16xi32> to vector<1xi32>
            %squeeze3A_406 = vector.extract %slice3A_405[0] : i32 from vector<1xi32>
            %get3A_407 = arith.index_cast %add3A_400 : i32 to index
            %get3A_408 = arith.index_cast %squeeze3A_406 : i32 to index
            %get3A_409 = tpu.vector_load %arg13[%get3A_407, %get3A_408] {strides = array<i32>} : memref<128x128xf32, #tpu.memory_space<vmem>>, vector<1x16xf32>,
            %get3A_410 = vector.shape_cast %get3A_409 : vector<1x16xf32> to vector<16xf32>
            %swap3A_411 = arith.index_cast %add3A_404 : i32 to index
            %swap3A_412 = arith.constant 16 : index
            %swap3A_413 = tpu.vector_load %arg17[%swap3A_411, %swap3A_412] {strides = array<i32>} : memref<16x128xf32, #tpu.memory_space<vmem>>, vector<1x16xf32>,
            %swap3A_414 = vector.shape_cast %swap3A_413 : vector<1x16xf32> to vector<16xf32>
            %swap3A_415 = vector.shape_cast %get3A_410 : vector<16xf32> to vector<1x16xf32>
            tpu.vector_store %arg17[%swap3A_411, %swap3A_412], %swap3A_415 {strides = array<i32>} : memref<16x128xf32, #tpu.memory_space<vmem>>, vector<1x16xf32>,
            %mul3A_416 = arith.constant 16 : i32
            %mul3A_417 = arith.muli %add3A_217, %mul3A_416 : i32
            %add3A_418 = arith.constant 10 : i32
            %add3A_419 = arith.addi %mul3A_417, %add3A_418 : i32
            %mul3A_420 = arith.constant 2 : i32
            %mul3A_421 = arith.muli %mul3A_420, %add3A_217 : i32
            %add3A_422 = arith.constant 1 : i32
            %add3A_423 = arith.addi %mul3A_421, %add3A_422 : i32
            %slice3A_424 = vector.extract_strided_slice %mul3A_227 {offsets = [10], sizes = [1], strides = [1]} : vector<16xi32> to vector<1xi32>
            %squeeze3A_425 = vector.extract %slice3A_424[0] : i32 from vector<1xi32>
            %get3A_426 = arith.index_cast %add3A_419 : i32 to index
            %get3A_427 = arith.index_cast %squeeze3A_425 : i32 to index
            %get3A_428 = tpu.vector_load %arg13[%get3A_426, %get3A_427] {strides = array<i32>} : memref<128x128xf32, #tpu.memory_space<vmem>>, vector<1x16xf32>,
            %get3A_429 = vector.shape_cast %get3A_428 : vector<1x16xf32> to vector<16xf32>
            %swap3A_430 = arith.index_cast %add3A_423 : i32 to index
            %swap3A_431 = arith.constant 32 : index
            %swap3A_432 = tpu.vector_load %arg17[%swap3A_430, %swap3A_431] {strides = array<i32>} : memref<16x128xf32, #tpu.memory_space<vmem>>, vector<1x16xf32>,
            %swap3A_433 = vector.shape_cast %swap3A_432 : vector<1x16xf32> to vector<16xf32>
            %swap3A_434 = vector.shape_cast %get3A_429 : vector<16xf32> to vector<1x16xf32>
            tpu.vector_store %arg17[%swap3A_430, %swap3A_431], %swap3A_434 {strides = array<i32>} : memref<16x128xf32, #tpu.memory_space<vmem>>, vector<1x16xf32>,
            %mul3A_435 = arith.constant 16 : i32
            %mul3A_436 = arith.muli %add3A_217, %mul3A_435 : i32
            %add3A_437 = arith.constant 11 : i32
            %add3A_438 = arith.addi %mul3A_436, %add3A_437 : i32
            %mul3A_439 = arith.constant 2 : i32
            %mul3A_440 = arith.muli %mul3A_439, %add3A_217 : i32
            %add3A_441 = arith.constant 1 : i32
            %add3A_442 = arith.addi %mul3A_440, %add3A_441 : i32
            %slice3A_443 = vector.extract_strided_slice %mul3A_227 {offsets = [11], sizes = [1], strides = [1]} : vector<16xi32> to vector<1xi32>
            %squeeze3A_444 = vector.extract %slice3A_443[0] : i32 from vector<1xi32>
            %get3A_445 = arith.index_cast %add3A_438 : i32 to index
            %get3A_446 = arith.index_cast %squeeze3A_444 : i32 to index
            %get3A_447 = tpu.vector_load %arg13[%get3A_445, %get3A_446] {strides = array<i32>} : memref<128x128xf32, #tpu.memory_space<vmem>>, vector<1x16xf32>,
            %get3A_448 = vector.shape_cast %get3A_447 : vector<1x16xf32> to vector<16xf32>
            %swap3A_449 = arith.index_cast %add3A_442 : i32 to index
            %swap3A_450 = arith.constant 48 : index
            %swap3A_451 = tpu.vector_load %arg17[%swap3A_449, %swap3A_450] {strides = array<i32>} : memref<16x128xf32, #tpu.memory_space<vmem>>, vector<1x16xf32>,
            %swap3A_452 = vector.shape_cast %swap3A_451 : vector<1x16xf32> to vector<16xf32>
            %swap3A_453 = vector.shape_cast %get3A_448 : vector<16xf32> to vector<1x16xf32>
            tpu.vector_store %arg17[%swap3A_449, %swap3A_450], %swap3A_453 {strides = array<i32>} : memref<16x128xf32, #tpu.memory_space<vmem>>, vector<1x16xf32>,
            %mul3A_454 = arith.constant 16 : i32
            %mul3A_455 = arith.muli %add3A_217, %mul3A_454 : i32
            %add3A_456 = arith.constant 12 : i32
            %add3A_457 = arith.addi %mul3A_455, %add3A_456 : i32
            %mul3A_458 = arith.constant 2 : i32
            %mul3A_459 = arith.muli %mul3A_458, %add3A_217 : i32
            %add3A_460 = arith.constant 1 : i32
            %add3A_461 = arith.addi %mul3A_459, %add3A_460 : i32
            %slice3A_462 = vector.extract_strided_slice %mul3A_227 {offsets = [12], sizes = [1], strides = [1]} : vector<16xi32> to vector<1xi32>
            %squeeze3A_463 = vector.extract %slice3A_462[0] : i32 from vector<1xi32>
            %get3A_464 = arith.index_cast %add3A_457 : i32 to index
            %get3A_465 = arith.index_cast %squeeze3A_463 : i32 to index
            %get3A_466 = tpu.vector_load %arg13[%get3A_464, %get3A_465] {strides = array<i32>} : memref<128x128xf32, #tpu.memory_space<vmem>>, vector<1x16xf32>,
            %get3A_467 = vector.shape_cast %get3A_466 : vector<1x16xf32> to vector<16xf32>
            %swap3A_468 = arith.index_cast %add3A_461 : i32 to index
            %swap3A_469 = arith.constant 64 : index
            %swap3A_470 = tpu.vector_load %arg17[%swap3A_468, %swap3A_469] {strides = array<i32>} : memref<16x128xf32, #tpu.memory_space<vmem>>, vector<1x16xf32>,
            %swap3A_471 = vector.shape_cast %swap3A_470 : vector<1x16xf32> to vector<16xf32>
            %swap3A_472 = vector.shape_cast %get3A_467 : vector<16xf32> to vector<1x16xf32>
            tpu.vector_store %arg17[%swap3A_468, %swap3A_469], %swap3A_472 {strides = array<i32>} : memref<16x128xf32, #tpu.memory_space<vmem>>, vector<1x16xf32>,
            %mul3A_473 = arith.constant 16 : i32
            %mul3A_474 = arith.muli %add3A_217, %mul3A_473 : i32
            %add3A_475 = arith.constant 13 : i32
            %add3A_476 = arith.addi %mul3A_474, %add3A_475 : i32
            %mul3A_477 = arith.constant 2 : i32
            %mul3A_478 = arith.muli %mul3A_477, %add3A_217 : i32
            %add3A_479 = arith.constant 1 : i32
            %add3A_480 = arith.addi %mul3A_478, %add3A_479 : i32
            %slice3A_481 = vector.extract_strided_slice %mul3A_227 {offsets = [13], sizes = [1], strides = [1]} : vector<16xi32> to vector<1xi32>
            %squeeze3A_482 = vector.extract %slice3A_481[0] : i32 from vector<1xi32>
            %get3A_483 = arith.index_cast %add3A_476 : i32 to index
            %get3A_484 = arith.index_cast %squeeze3A_482 : i32 to index
            %get3A_485 = tpu.vector_load %arg13[%get3A_483, %get3A_484] {strides = array<i32>} : memref<128x128xf32, #tpu.memory_space<vmem>>, vector<1x16xf32>,
            %get3A_486 = vector.shape_cast %get3A_485 : vector<1x16xf32> to vector<16xf32>
            %swap3A_487 = arith.index_cast %add3A_480 : i32 to index
            %swap3A_488 = arith.constant 80 : index
            %swap3A_489 = tpu.vector_load %arg17[%swap3A_487, %swap3A_488] {strides = array<i32>} : memref<16x128xf32, #tpu.memory_space<vmem>>, vector<1x16xf32>,
            %swap3A_490 = vector.shape_cast %swap3A_489 : vector<1x16xf32> to vector<16xf32>
            %swap3A_491 = vector.shape_cast %get3A_486 : vector<16xf32> to vector<1x16xf32>
            tpu.vector_store %arg17[%swap3A_487, %swap3A_488], %swap3A_491 {strides = array<i32>} : memref<16x128xf32, #tpu.memory_space<vmem>>, vector<1x16xf32>,
            %mul3A_492 = arith.constant 16 : i32
            %mul3A_493 = arith.muli %add3A_217, %mul3A_492 : i32
            %add3A_494 = arith.constant 14 : i32
            %add3A_495 = arith.addi %mul3A_493, %add3A_494 : i32
            %mul3A_496 = arith.constant 2 : i32
            %mul3A_497 = arith.muli %mul3A_496, %add3A_217 : i32
            %add3A_498 = arith.constant 1 : i32
            %add3A_499 = arith.addi %mul3A_497, %add3A_498 : i32
            %slice3A_500 = vector.extract_strided_slice %mul3A_227 {offsets = [14], sizes = [1], strides = [1]} : vector<16xi32> to vector<1xi32>
            %squeeze3A_501 = vector.extract %slice3A_500[0] : i32 from vector<1xi32>
            %get3A_502 = arith.index_cast %add3A_495 : i32 to index
            %get3A_503 = arith.index_cast %squeeze3A_501 : i32 to index
            %get3A_504 = tpu.vector_load %arg13[%get3A_502, %get3A_503] {strides = array<i32>} : memref<128x128xf32, #tpu.memory_space<vmem>>, vector<1x16xf32>,
            %get3A_505 = vector.shape_cast %get3A_504 : vector<1x16xf32> to vector<16xf32>
            %swap3A_506 = arith.index_cast %add3A_499 : i32 to index
            %swap3A_507 = arith.constant 96 : index
            %swap3A_508 = tpu.vector_load %arg17[%swap3A_506, %swap3A_507] {strides = array<i32>} : memref<16x128xf32, #tpu.memory_space<vmem>>, vector<1x16xf32>,
            %swap3A_509 = vector.shape_cast %swap3A_508 : vector<1x16xf32> to vector<16xf32>
            %swap3A_510 = vector.shape_cast %get3A_505 : vector<16xf32> to vector<1x16xf32>
            tpu.vector_store %arg17[%swap3A_506, %swap3A_507], %swap3A_510 {strides = array<i32>} : memref<16x128xf32, #tpu.memory_space<vmem>>, vector<1x16xf32>,
            %mul3A_511 = arith.constant 16 : i32
            %mul3A_512 = arith.muli %add3A_217, %mul3A_511 : i32
            %add3A_513 = arith.constant 15 : i32
            %add3A_514 = arith.addi %mul3A_512, %add3A_513 : i32
            %mul3A_515 = arith.constant 2 : i32
            %mul3A_516 = arith.muli %mul3A_515, %add3A_217 : i32
            %add3A_517 = arith.constant 1 : i32
            %add3A_518 = arith.addi %mul3A_516, %add3A_517 : i32
            %slice3A_519 = vector.extract_strided_slice %mul3A_227 {offsets = [15], sizes = [1], strides = [1]} : vector<16xi32> to vector<1xi32>
            %squeeze3A_520 = vector.extract %slice3A_519[0] : i32 from vector<1xi32>
            %get3A_521 = arith.index_cast %add3A_514 : i32 to index
            %get3A_522 = arith.index_cast %squeeze3A_520 : i32 to index
            %get3A_523 = tpu.vector_load %arg13[%get3A_521, %get3A_522] {strides = array<i32>} : memref<128x128xf32, #tpu.memory_space<vmem>>, vector<1x16xf32>,
            %get3A_524 = vector.shape_cast %get3A_523 : vector<1x16xf32> to vector<16xf32>
            %swap3A_525 = arith.index_cast %add3A_518 : i32 to index
            %swap3A_526 = arith.constant 112 : index
            %swap3A_527 = tpu.vector_load %arg17[%swap3A_525, %swap3A_526] {strides = array<i32>} : memref<16x128xf32, #tpu.memory_space<vmem>>, vector<1x16xf32>,
            %swap3A_528 = vector.shape_cast %swap3A_527 : vector<1x16xf32> to vector<16xf32>
            %swap3A_529 = vector.shape_cast %get3A_524 : vector<16xf32> to vector<1x16xf32>
            tpu.vector_store %arg17[%swap3A_525, %swap3A_526], %swap3A_529 {strides = array<i32>} : memref<16x128xf32, #tpu.memory_space<vmem>>, vector<1x16xf32>,
          }
          %scan3A_198 = arith.constant 8 : i32
          %sub3A = arith.constant 2 : i32
          %sub3A_199 = arith.subi %add3A_79, %sub3A : i32
          %mul3A_200 = arith.constant 16 : i32
          %mul3A_201 = arith.muli %sub3A_199, %mul3A_200 : i32
          %add3A_202 = arith.addi %mul3A_4, %mul3A_201 : i32
          %dma_start3A_203 = arith.constant 0 : i32
          %dma_start3A_204 = tpu.memref_slice %arg4[%add3A_202, %dma_start3A_203] : memref<409600x128xf32, #tpu.memory_space<hbm>> -> memref<16x128xf32, #tpu.memory_space<hbm>>
          %dma_start3A_205 = arith.constant 0 : i32
          %dma_start3A_206 = tpu.memref_slice %arg4[%add3A_202, %dma_start3A_205] : memref<409600x128xf32, #tpu.memory_space<hbm>> -> memref<16x128xf32, #tpu.memory_space<hbm>>
          tpu.enqueue_dma source(%arg17 : memref<16x128xf32, #tpu.memory_space<vmem>>) target(%dma_start3A_206 : memref<16x128xf32, #tpu.memory_space<hbm>>) target_semaphore(%arg29 : memref<!tpu.dma_semaphore, #tpu.memory_space<semaphore_mem>>)
          %add3A_207 = arith.constant 2 : i32
          %add3A_208 = arith.addi %add3A_79, %add3A_207 : i32
          %lt3A = arith.constant 800 : i32
          %lt3A_209 = arith.cmpi slt, %add3A_208, %lt3A : i32
          %convert_element_type3A_210 = arith.extui %lt3A_209 : i1 to i32
          %cond3A_211 = arith.constant 0 : i32
          %cond3A_212 = arith.cmpi ne, %convert_element_type3A_210, %cond3A_211 : i32
          scf.if %cond3A_212 {
            %add3A_213 = arith.constant 2 : i32
            %add3A_214 = arith.addi %add3A_79, %add3A_213 : i32
            %mul3A_215 = arith.constant 128 : i32
            %mul3A_216 = arith.muli %add3A_214, %mul3A_215 : i32
            %add3A_217 = arith.addi %mul3A_2, %mul3A_216 : i32
            %dma_start3A_218 = tpu.memref_slice %arg3[%add3A_217] : memref<3276800xi32, #tpu.memory_space<hbm>> -> memref<128xi32, #tpu.memory_space<hbm>>
            %dma_start3A_219 = tpu.memref_slice %arg3[%add3A_217] : memref<3276800xi32, #tpu.memory_space<hbm>> -> memref<128xi32, #tpu.memory_space<hbm>>
            tpu.enqueue_dma source(%dma_start3A_219 : memref<128xi32, #tpu.memory_space<hbm>>) target(%arg5 : memref<128xi32, #tpu.memory_space<vmem>>) target_semaphore(%arg21 : memref<!tpu.dma_semaphore, #tpu.memory_space<semaphore_mem>>)
          } else {
          }
        } else {
        }
      } else {
      }
      %eq3A_93 = arith.constant 3 : i32
      %eq3A_94 = arith.cmpi eq, %rem3A_80, %eq3A_93 : i32
      %convert_element_type3A_95 = arith.extui %eq3A_94 : i1 to i32
      %cond3A_96 = arith.constant 0 : i32
      %cond3A_97 = arith.cmpi ne, %convert_element_type3A_95, %cond3A_96 : i32
      scf.if %cond3A_97 {
        %ge3A = arith.constant 4 : i32
        %ge3A_98 = arith.cmpi sge, %add3A_79, %ge3A : i32
        %convert_element_type3A_99 = arith.extui %ge3A_98 : i1 to i32
        %cond3A_100 = arith.constant 0 : i32
        %cond3A_101 = arith.cmpi ne, %convert_element_type3A_99, %cond3A_100 : i32
        scf.if %cond3A_101 {
          %dma_wait3A_191 = arith.constant 0 : i32
          %dma_wait3A_192 = arith.constant 0 : i32
          %dma_wait3A_193 = tpu.memref_slice %arg4[%dma_wait3A_191, %dma_wait3A_192] : memref<409600x128xf32, #tpu.memory_space<hbm>> -> memref<16x128xf32, #tpu.memory_space<hbm>>
          %dma_wait3A_194 = arith.constant 0 : i32
          %dma_wait3A_195 = arith.constant 0 : i32
          %dma_wait3A_196 = tpu.memref_slice %arg4[%dma_wait3A_194, %dma_wait3A_195] : memref<409600x128xf32, #tpu.memory_space<hbm>> -> memref<16x128xf32, #tpu.memory_space<hbm>>
          tpu.wait_dma2 semaphore(%arg32 : memref<!tpu.dma_semaphore, #tpu.memory_space<semaphore_mem>>) src(%arg20 : memref<16x128xf32, #tpu.memory_space<vmem>>) dst(%dma_wait3A_196 : memref<16x128xf32, #tpu.memory_space<hbm>>)
        } else {
        }
        %dma_wait3A_102 = arith.constant 0 : i32
        %dma_wait3A_103 = tpu.memref_slice %arg3[%dma_wait3A_102] : memref<3276800xi32, #tpu.memory_space<hbm>> -> memref<128xi32, #tpu.memory_space<hbm>>
        %dma_wait3A_104 = arith.constant 0 : i32
        %dma_wait3A_105 = tpu.memref_slice %arg3[%dma_wait3A_104] : memref<3276800xi32, #tpu.memory_space<hbm>> -> memref<128xi32, #tpu.memory_space<hbm>>
        tpu.wait_dma2 semaphore(%arg24 : memref<!tpu.dma_semaphore, #tpu.memory_space<semaphore_mem>>) src(%dma_wait3A_105 : memref<128xi32, #tpu.memory_space<hbm>>) dst(%arg8 : memref<128xi32, #tpu.memory_space<vmem>>)
        %get3A = arith.constant 0 : index
        %get3A_106 = tpu.vector_load %arg8[%get3A] {strides = array<i32>} : memref<128xi32, #tpu.memory_space<vmem>>, vector<16xi32>,
        %get3A_107 = vector.shape_cast %get3A_106 : vector<16xi32> to vector<16xi32>
        %shift_right_arithmetic3A = arith.constant 3 : i32
        %shift_right_arithmetic3A_108 = vector.broadcast %shift_right_arithmetic3A : i32 to vector<16xi32>
        %shift_right_arithmetic3A_109 = arith.shrsi %get3A_107, %shift_right_arithmetic3A_108 : vector<16xi32>
        %swap3A = arith.constant 0 : index
        %swap3A_110 = tpu.vector_load %arg12[%swap3A] {strides = array<i32>} : memref<128xi32, #tpu.memory_space<vmem>>, vector<16xi32>,
        %swap3A_111 = vector.shape_cast %swap3A_110 : vector<16xi32> to vector<16xi32>
        %swap3A_112 = vector.shape_cast %shift_right_arithmetic3A_109 : vector<16xi32> to vector<16xi32>
        tpu.vector_store %arg12[%swap3A], %swap3A_112 {strides = array<i32>} : memref<128xi32, #tpu.memory_space<vmem>>, vector<16xi32>,
        %get3A_113 = arith.constant 16 : index
        %get3A_114 = tpu.vector_load %arg8[%get3A_113] {strides = array<i32>} : memref<128xi32, #tpu.memory_space<vmem>>, vector<16xi32>,
        %get3A_115 = vector.shape_cast %get3A_114 : vector<16xi32> to vector<16xi32>
        %shift_right_arithmetic3A_116 = arith.constant 3 : i32
        %shift_right_arithmetic3A_117 = vector.broadcast %shift_right_arithmetic3A_116 : i32 to vector<16xi32>
        %shift_right_arithmetic3A_118 = arith.shrsi %get3A_115, %shift_right_arithmetic3A_117 : vector<16xi32>
        %swap3A_119 = arith.constant 16 : index
        %swap3A_120 = tpu.vector_load %arg12[%swap3A_119] {strides = array<i32>} : memref<128xi32, #tpu.memory_space<vmem>>, vector<16xi32>,
        %swap3A_121 = vector.shape_cast %swap3A_120 : vector<16xi32> to vector<16xi32>
        %swap3A_122 = vector.shape_cast %shift_right_arithmetic3A_118 : vector<16xi32> to vector<16xi32>
        tpu.vector_store %arg12[%swap3A_119], %swap3A_122 {strides = array<i32>} : memref<128xi32, #tpu.memory_space<vmem>>, vector<16xi32>,
        %get3A_123 = arith.constant 32 : index
        %get3A_124 = tpu.vector_load %arg8[%get3A_123] {strides = array<i32>} : memref<128xi32, #tpu.memory_space<vmem>>, vector<16xi32>,
        %get3A_125 = vector.shape_cast %get3A_124 : vector<16xi32> to vector<16xi32>
        %shift_right_arithmetic3A_126 = arith.constant 3 : i32
        %shift_right_arithmetic3A_127 = vector.broadcast %shift_right_arithmetic3A_126 : i32 to vector<16xi32>
        %shift_right_arithmetic3A_128 = arith.shrsi %get3A_125, %shift_right_arithmetic3A_127 : vector<16xi32>
        %swap3A_129 = arith.constant 32 : index
        %swap3A_130 = tpu.vector_load %arg12[%swap3A_129] {strides = array<i32>} : memref<128xi32, #tpu.memory_space<vmem>>, vector<16xi32>,
        %swap3A_131 = vector.shape_cast %swap3A_130 : vector<16xi32> to vector<16xi32>
        %swap3A_132 = vector.shape_cast %shift_right_arithmetic3A_128 : vector<16xi32> to vector<16xi32>
        tpu.vector_store %arg12[%swap3A_129], %swap3A_132 {strides = array<i32>} : memref<128xi32, #tpu.memory_space<vmem>>, vector<16xi32>,
        %get3A_133 = arith.constant 48 : index
        %get3A_134 = tpu.vector_load %arg8[%get3A_133] {strides = array<i32>} : memref<128xi32, #tpu.memory_space<vmem>>, vector<16xi32>,
        %get3A_135 = vector.shape_cast %get3A_134 : vector<16xi32> to vector<16xi32>
        %shift_right_arithmetic3A_136 = arith.constant 3 : i32
        %shift_right_arithmetic3A_137 = vector.broadcast %shift_right_arithmetic3A_136 : i32 to vector<16xi32>
        %shift_right_arithmetic3A_138 = arith.shrsi %get3A_135, %shift_right_arithmetic3A_137 : vector<16xi32>
        %swap3A_139 = arith.constant 48 : index
        %swap3A_140 = tpu.vector_load %arg12[%swap3A_139] {strides = array<i32>} : memref<128xi32, #tpu.memory_space<vmem>>, vector<16xi32>,
        %swap3A_141 = vector.shape_cast %swap3A_140 : vector<16xi32> to vector<16xi32>
        %swap3A_142 = vector.shape_cast %shift_right_arithmetic3A_138 : vector<16xi32> to vector<16xi32>
        tpu.vector_store %arg12[%swap3A_139], %swap3A_142 {strides = array<i32>} : memref<128xi32, #tpu.memory_space<vmem>>, vector<16xi32>,
        %get3A_143 = arith.constant 64 : index
        %get3A_144 = tpu.vector_load %arg8[%get3A_143] {strides = array<i32>} : memref<128xi32, #tpu.memory_space<vmem>>, vector<16xi32>,
        %get3A_145 = vector.shape_cast %get3A_144 : vector<16xi32> to vector<16xi32>
        %shift_right_arithmetic3A_146 = arith.constant 3 : i32
        %shift_right_arithmetic3A_147 = vector.broadcast %shift_right_arithmetic3A_146 : i32 to vector<16xi32>
        %shift_right_arithmetic3A_148 = arith.shrsi %get3A_145, %shift_right_arithmetic3A_147 : vector<16xi32>
        %swap3A_149 = arith.constant 64 : index
        %swap3A_150 = tpu.vector_load %arg12[%swap3A_149] {strides = array<i32>} : memref<128xi32, #tpu.memory_space<vmem>>, vector<16xi32>,
        %swap3A_151 = vector.shape_cast %swap3A_150 : vector<16xi32> to vector<16xi32>
        %swap3A_152 = vector.shape_cast %shift_right_arithmetic3A_148 : vector<16xi32> to vector<16xi32>
        tpu.vector_store %arg12[%swap3A_149], %swap3A_152 {strides = array<i32>} : memref<128xi32, #tpu.memory_space<vmem>>, vector<16xi32>,
        %get3A_153 = arith.constant 80 : index
        %get3A_154 = tpu.vector_load %arg8[%get3A_153] {strides = array<i32>} : memref<128xi32, #tpu.memory_space<vmem>>, vector<16xi32>,
        %get3A_155 = vector.shape_cast %get3A_154 : vector<16xi32> to vector<16xi32>
        %shift_right_arithmetic3A_156 = arith.constant 3 : i32
        %shift_right_arithmetic3A_157 = vector.broadcast %shift_right_arithmetic3A_156 : i32 to vector<16xi32>
        %shift_right_arithmetic3A_158 = arith.shrsi %get3A_155, %shift_right_arithmetic3A_157 : vector<16xi32>
        %swap3A_159 = arith.constant 80 : index
        %swap3A_160 = tpu.vector_load %arg12[%swap3A_159] {strides = array<i32>} : memref<128xi32, #tpu.memory_space<vmem>>, vector<16xi32>,
        %swap3A_161 = vector.shape_cast %swap3A_160 : vector<16xi32> to vector<16xi32>
        %swap3A_162 = vector.shape_cast %shift_right_arithmetic3A_158 : vector<16xi32> to vector<16xi32>
        tpu.vector_store %arg12[%swap3A_159], %swap3A_162 {strides = array<i32>} : memref<128xi32, #tpu.memory_space<vmem>>, vector<16xi32>,
        %get3A_163 = arith.constant 96 : index
        %get3A_164 = tpu.vector_load %arg8[%get3A_163] {strides = array<i32>} : memref<128xi32, #tpu.memory_space<vmem>>, vector<16xi32>,
        %get3A_165 = vector.shape_cast %get3A_164 : vector<16xi32> to vector<16xi32>
        %shift_right_arithmetic3A_166 = arith.constant 3 : i32
        %shift_right_arithmetic3A_167 = vector.broadcast %shift_right_arithmetic3A_166 : i32 to vector<16xi32>
        %shift_right_arithmetic3A_168 = arith.shrsi %get3A_165, %shift_right_arithmetic3A_167 : vector<16xi32>
        %swap3A_169 = arith.constant 96 : index
        %swap3A_170 = tpu.vector_load %arg12[%swap3A_169] {strides = array<i32>} : memref<128xi32, #tpu.memory_space<vmem>>, vector<16xi32>,
        %swap3A_171 = vector.shape_cast %swap3A_170 : vector<16xi32> to vector<16xi32>
        %swap3A_172 = vector.shape_cast %shift_right_arithmetic3A_168 : vector<16xi32> to vector<16xi32>
        tpu.vector_store %arg12[%swap3A_169], %swap3A_172 {strides = array<i32>} : memref<128xi32, #tpu.memory_space<vmem>>, vector<16xi32>,
        %get3A_173 = arith.constant 112 : index
        %get3A_174 = tpu.vector_load %arg8[%get3A_173] {strides = array<i32>} : memref<128xi32, #tpu.memory_space<vmem>>, vector<16xi32>,
        %get3A_175 = vector.shape_cast %get3A_174 : vector<16xi32> to vector<16xi32>
        %shift_right_arithmetic3A_176 = arith.constant 3 : i32
        %shift_right_arithmetic3A_177 = vector.broadcast %shift_right_arithmetic3A_176 : i32 to vector<16xi32>
        %shift_right_arithmetic3A_178 = arith.shrsi %get3A_175, %shift_right_arithmetic3A_177 : vector<16xi32>
        %swap3A_179 = arith.constant 112 : index
        %swap3A_180 = tpu.vector_load %arg12[%swap3A_179] {strides = array<i32>} : memref<128xi32, #tpu.memory_space<vmem>>, vector<16xi32>,
        %swap3A_181 = vector.shape_cast %swap3A_180 : vector<16xi32> to vector<16xi32>
        %swap3A_182 = vector.shape_cast %shift_right_arithmetic3A_178 : vector<16xi32> to vector<16xi32>
        tpu.vector_store %arg12[%swap3A_179], %swap3A_182 {strides = array<i32>} : memref<128xi32, #tpu.memory_space<vmem>>, vector<16xi32>,
        %dma_start3A_183 = arith.constant 0 : i32
        %dma_start3A_184 = arith.constant 0 : i32
        %dma_start3A_185 = tpu.memref_slice %arg2[%dma_start3A_183, %dma_start3A_184] : memref<125000x128xf32, #tpu.memory_space<hbm>> -> memref<125000x128xf32, #tpu.memory_space<hbm>>
        tpu.enqueue_indirect_dma source(%dma_start3A_185 : memref<125000x128xf32, #tpu.memory_space<hbm>>) target(%arg16 : memref<128x128xf32, #tpu.memory_space<vmem>>) offsets(%arg12 : memref<128xi32, #tpu.memory_space<vmem>>) semaphore(%arg28 : memref<!tpu.dma_semaphore, #tpu.memory_space<semaphore_mem>>)
        %ge3A_186 = arith.constant 2 : i32
        %ge3A_187 = arith.cmpi sge, %add3A_79, %ge3A_186 : i32
        %convert_element_type3A_188 = arith.extui %ge3A_187 : i1 to i32
        %cond3A_189 = arith.constant 0 : i32
        %cond3A_190 = arith.cmpi ne, %convert_element_type3A_188, %cond3A_189 : i32
        scf.if %cond3A_190 {
          %dma_wait3A_191 = arith.constant 0 : i32
          %dma_wait3A_192 = arith.constant 0 : i32
          %dma_wait3A_193 = tpu.memref_slice %arg2[%dma_wait3A_191, %dma_wait3A_192] : memref<125000x128xf32, #tpu.memory_space<hbm>> -> memref<125000x128xf32, #tpu.memory_space<hbm>>
          tpu.wait_indirect_dma semaphore(%arg26 : memref<!tpu.dma_semaphore, #tpu.memory_space<semaphore_mem>>) src(%dma_wait3A_193 : memref<125000x128xf32, #tpu.memory_space<hbm>>) dst(%arg14 : memref<128x128xf32, #tpu.memory_space<vmem>>)
          %scan3A_194 = arith.constant 0 : i32
          %scan3A_195 = arith.constant 8 : i32
          %scan3A_196 = arith.addi %scan3A_194, %scan3A_195 : i32
          %scan3A_197 = arith.constant 1 : i32
          scf.for %scan3A_213 = %scan3A_194 to %scan3A_196 step %scan3A_197  : i32 {
            %mul3A_214 = arith.constant 1 : i32
            %mul3A_215 = arith.muli %scan3A_213, %mul3A_214 : i32
            %add3A_216 = arith.constant 0 : i32
            %add3A_217 = arith.addi %add3A_216, %mul3A_215 : i32
            %mul3A_218 = arith.constant 16 : i32
            %mul3A_219 = arith.muli %add3A_217, %mul3A_218 : i32
            %get3A_220 = arith.index_cast %mul3A_219 : i32 to index
            %get3A_221 = tpu.vector_load %arg6[%get3A_220] {strides = array<i32>} : memref<128xi32, #tpu.memory_space<vmem>>, vector<16xi32>,
            %get3A_222 = vector.shape_cast %get3A_221 : vector<16xi32> to vector<16xi32>
            %and3A = arith.constant 7 : i32
            %and3A_223 = vector.broadcast %and3A : i32 to vector<16xi32>
            %and3A_224 = arith.andi %get3A_222, %and3A_223 : vector<16xi32>
            %mul3A_225 = arith.constant 16 : i32
            %mul3A_226 = vector.broadcast %mul3A_225 : i32 to vector<16xi32>
            %mul3A_227 = arith.muli %and3A_224, %mul3A_226 : vector<16xi32>
            %mul3A_228 = arith.constant 16 : i32
            %mul3A_229 = arith.muli %add3A_217, %mul3A_228 : i32
            %add3A_230 = arith.constant 0 : i32
            %add3A_231 = arith.addi %mul3A_229, %add3A_230 : i32
            %mul3A_232 = arith.constant 2 : i32
            %mul3A_233 = arith.muli %mul3A_232, %add3A_217 : i32
            %add3A_234 = arith.constant 0 : i32
            %add3A_235 = arith.addi %mul3A_233, %add3A_234 : i32
            %slice3A = vector.extract_strided_slice %mul3A_227 {offsets = [0], sizes = [1], strides = [1]} : vector<16xi32> to vector<1xi32>
            %squeeze3A = vector.extract %slice3A[0] : i32 from vector<1xi32>
            %get3A_236 = arith.index_cast %add3A_231 : i32 to index
            %get3A_237 = arith.index_cast %squeeze3A : i32 to index
            %get3A_238 = tpu.vector_load %arg14[%get3A_236, %get3A_237] {strides = array<i32>} : memref<128x128xf32, #tpu.memory_space<vmem>>, vector<1x16xf32>,
            %get3A_239 = vector.shape_cast %get3A_238 : vector<1x16xf32> to vector<16xf32>
            %swap3A_240 = arith.index_cast %add3A_235 : i32 to index
            %swap3A_241 = arith.constant 0 : index
            %swap3A_242 = tpu.vector_load %arg18[%swap3A_240, %swap3A_241] {strides = array<i32>} : memref<16x128xf32, #tpu.memory_space<vmem>>, vector<1x16xf32>,
            %swap3A_243 = vector.shape_cast %swap3A_242 : vector<1x16xf32> to vector<16xf32>
            %swap3A_244 = vector.shape_cast %get3A_239 : vector<16xf32> to vector<1x16xf32>
            tpu.vector_store %arg18[%swap3A_240, %swap3A_241], %swap3A_244 {strides = array<i32>} : memref<16x128xf32, #tpu.memory_space<vmem>>, vector<1x16xf32>,
            %mul3A_245 = arith.constant 16 : i32
            %mul3A_246 = arith.muli %add3A_217, %mul3A_245 : i32
            %add3A_247 = arith.constant 1 : i32
            %add3A_248 = arith.addi %mul3A_246, %add3A_247 : i32
            %mul3A_249 = arith.constant 2 : i32
            %mul3A_250 = arith.muli %mul3A_249, %add3A_217 : i32
            %add3A_251 = arith.constant 0 : i32
            %add3A_252 = arith.addi %mul3A_250, %add3A_251 : i32
            %slice3A_253 = vector.extract_strided_slice %mul3A_227 {offsets = [1], sizes = [1], strides = [1]} : vector<16xi32> to vector<1xi32>
            %squeeze3A_254 = vector.extract %slice3A_253[0] : i32 from vector<1xi32>
            %get3A_255 = arith.index_cast %add3A_248 : i32 to index
            %get3A_256 = arith.index_cast %squeeze3A_254 : i32 to index
            %get3A_257 = tpu.vector_load %arg14[%get3A_255, %get3A_256] {strides = array<i32>} : memref<128x128xf32, #tpu.memory_space<vmem>>, vector<1x16xf32>,
            %get3A_258 = vector.shape_cast %get3A_257 : vector<1x16xf32> to vector<16xf32>
            %swap3A_259 = arith.index_cast %add3A_252 : i32 to index
            %swap3A_260 = arith.constant 16 : index
            %swap3A_261 = tpu.vector_load %arg18[%swap3A_259, %swap3A_260] {strides = array<i32>} : memref<16x128xf32, #tpu.memory_space<vmem>>, vector<1x16xf32>,
            %swap3A_262 = vector.shape_cast %swap3A_261 : vector<1x16xf32> to vector<16xf32>
            %swap3A_263 = vector.shape_cast %get3A_258 : vector<16xf32> to vector<1x16xf32>
            tpu.vector_store %arg18[%swap3A_259, %swap3A_260], %swap3A_263 {strides = array<i32>} : memref<16x128xf32, #tpu.memory_space<vmem>>, vector<1x16xf32>,
            %mul3A_264 = arith.constant 16 : i32
            %mul3A_265 = arith.muli %add3A_217, %mul3A_264 : i32
            %add3A_266 = arith.constant 2 : i32
            %add3A_267 = arith.addi %mul3A_265, %add3A_266 : i32
            %mul3A_268 = arith.constant 2 : i32
            %mul3A_269 = arith.muli %mul3A_268, %add3A_217 : i32
            %add3A_270 = arith.constant 0 : i32
            %add3A_271 = arith.addi %mul3A_269, %add3A_270 : i32
            %slice3A_272 = vector.extract_strided_slice %mul3A_227 {offsets = [2], sizes = [1], strides = [1]} : vector<16xi32> to vector<1xi32>
            %squeeze3A_273 = vector.extract %slice3A_272[0] : i32 from vector<1xi32>
            %get3A_274 = arith.index_cast %add3A_267 : i32 to index
            %get3A_275 = arith.index_cast %squeeze3A_273 : i32 to index
            %get3A_276 = tpu.vector_load %arg14[%get3A_274, %get3A_275] {strides = array<i32>} : memref<128x128xf32, #tpu.memory_space<vmem>>, vector<1x16xf32>,
            %get3A_277 = vector.shape_cast %get3A_276 : vector<1x16xf32> to vector<16xf32>
            %swap3A_278 = arith.index_cast %add3A_271 : i32 to index
            %swap3A_279 = arith.constant 32 : index
            %swap3A_280 = tpu.vector_load %arg18[%swap3A_278, %swap3A_279] {strides = array<i32>} : memref<16x128xf32, #tpu.memory_space<vmem>>, vector<1x16xf32>,
            %swap3A_281 = vector.shape_cast %swap3A_280 : vector<1x16xf32> to vector<16xf32>
            %swap3A_282 = vector.shape_cast %get3A_277 : vector<16xf32> to vector<1x16xf32>
            tpu.vector_store %arg18[%swap3A_278, %swap3A_279], %swap3A_282 {strides = array<i32>} : memref<16x128xf32, #tpu.memory_space<vmem>>, vector<1x16xf32>,
            %mul3A_283 = arith.constant 16 : i32
            %mul3A_284 = arith.muli %add3A_217, %mul3A_283 : i32
            %add3A_285 = arith.constant 3 : i32
            %add3A_286 = arith.addi %mul3A_284, %add3A_285 : i32
            %mul3A_287 = arith.constant 2 : i32
            %mul3A_288 = arith.muli %mul3A_287, %add3A_217 : i32
            %add3A_289 = arith.constant 0 : i32
            %add3A_290 = arith.addi %mul3A_288, %add3A_289 : i32
            %slice3A_291 = vector.extract_strided_slice %mul3A_227 {offsets = [3], sizes = [1], strides = [1]} : vector<16xi32> to vector<1xi32>
            %squeeze3A_292 = vector.extract %slice3A_291[0] : i32 from vector<1xi32>
            %get3A_293 = arith.index_cast %add3A_286 : i32 to index
            %get3A_294 = arith.index_cast %squeeze3A_292 : i32 to index
            %get3A_295 = tpu.vector_load %arg14[%get3A_293, %get3A_294] {strides = array<i32>} : memref<128x128xf32, #tpu.memory_space<vmem>>, vector<1x16xf32>,
            %get3A_296 = vector.shape_cast %get3A_295 : vector<1x16xf32> to vector<16xf32>
            %swap3A_297 = arith.index_cast %add3A_290 : i32 to index
            %swap3A_298 = arith.constant 48 : index
            %swap3A_299 = tpu.vector_load %arg18[%swap3A_297, %swap3A_298] {strides = array<i32>} : memref<16x128xf32, #tpu.memory_space<vmem>>, vector<1x16xf32>,
            %swap3A_300 = vector.shape_cast %swap3A_299 : vector<1x16xf32> to vector<16xf32>
            %swap3A_301 = vector.shape_cast %get3A_296 : vector<16xf32> to vector<1x16xf32>
            tpu.vector_store %arg18[%swap3A_297, %swap3A_298], %swap3A_301 {strides = array<i32>} : memref<16x128xf32, #tpu.memory_space<vmem>>, vector<1x16xf32>,
            %mul3A_302 = arith.constant 16 : i32
            %mul3A_303 = arith.muli %add3A_217, %mul3A_302 : i32
            %add3A_304 = arith.constant 4 : i32
            %add3A_305 = arith.addi %mul3A_303, %add3A_304 : i32
            %mul3A_306 = arith.constant 2 : i32
            %mul3A_307 = arith.muli %mul3A_306, %add3A_217 : i32
            %add3A_308 = arith.constant 0 : i32
            %add3A_309 = arith.addi %mul3A_307, %add3A_308 : i32
            %slice3A_310 = vector.extract_strided_slice %mul3A_227 {offsets = [4], sizes = [1], strides = [1]} : vector<16xi32> to vector<1xi32>
            %squeeze3A_311 = vector.extract %slice3A_310[0] : i32 from vector<1xi32>
            %get3A_312 = arith.index_cast %add3A_305 : i32 to index
            %get3A_313 = arith.index_cast %squeeze3A_311 : i32 to index
            %get3A_314 = tpu.vector_load %arg14[%get3A_312, %get3A_313] {strides = array<i32>} : memref<128x128xf32, #tpu.memory_space<vmem>>, vector<1x16xf32>,
            %get3A_315 = vector.shape_cast %get3A_314 : vector<1x16xf32> to vector<16xf32>
            %swap3A_316 = arith.index_cast %add3A_309 : i32 to index
            %swap3A_317 = arith.constant 64 : index
            %swap3A_318 = tpu.vector_load %arg18[%swap3A_316, %swap3A_317] {strides = array<i32>} : memref<16x128xf32, #tpu.memory_space<vmem>>, vector<1x16xf32>,
            %swap3A_319 = vector.shape_cast %swap3A_318 : vector<1x16xf32> to vector<16xf32>
            %swap3A_320 = vector.shape_cast %get3A_315 : vector<16xf32> to vector<1x16xf32>
            tpu.vector_store %arg18[%swap3A_316, %swap3A_317], %swap3A_320 {strides = array<i32>} : memref<16x128xf32, #tpu.memory_space<vmem>>, vector<1x16xf32>,
            %mul3A_321 = arith.constant 16 : i32
            %mul3A_322 = arith.muli %add3A_217, %mul3A_321 : i32
            %add3A_323 = arith.constant 5 : i32
            %add3A_324 = arith.addi %mul3A_322, %add3A_323 : i32
            %mul3A_325 = arith.constant 2 : i32
            %mul3A_326 = arith.muli %mul3A_325, %add3A_217 : i32
            %add3A_327 = arith.constant 0 : i32
            %add3A_328 = arith.addi %mul3A_326, %add3A_327 : i32
            %slice3A_329 = vector.extract_strided_slice %mul3A_227 {offsets = [5], sizes = [1], strides = [1]} : vector<16xi32> to vector<1xi32>
            %squeeze3A_330 = vector.extract %slice3A_329[0] : i32 from vector<1xi32>
            %get3A_331 = arith.index_cast %add3A_324 : i32 to index
            %get3A_332 = arith.index_cast %squeeze3A_330 : i32 to index
            %get3A_333 = tpu.vector_load %arg14[%get3A_331, %get3A_332] {strides = array<i32>} : memref<128x128xf32, #tpu.memory_space<vmem>>, vector<1x16xf32>,
            %get3A_334 = vector.shape_cast %get3A_333 : vector<1x16xf32> to vector<16xf32>
            %swap3A_335 = arith.index_cast %add3A_328 : i32 to index
            %swap3A_336 = arith.constant 80 : index
            %swap3A_337 = tpu.vector_load %arg18[%swap3A_335, %swap3A_336] {strides = array<i32>} : memref<16x128xf32, #tpu.memory_space<vmem>>, vector<1x16xf32>,
            %swap3A_338 = vector.shape_cast %swap3A_337 : vector<1x16xf32> to vector<16xf32>
            %swap3A_339 = vector.shape_cast %get3A_334 : vector<16xf32> to vector<1x16xf32>
            tpu.vector_store %arg18[%swap3A_335, %swap3A_336], %swap3A_339 {strides = array<i32>} : memref<16x128xf32, #tpu.memory_space<vmem>>, vector<1x16xf32>,
            %mul3A_340 = arith.constant 16 : i32
            %mul3A_341 = arith.muli %add3A_217, %mul3A_340 : i32
            %add3A_342 = arith.constant 6 : i32
            %add3A_343 = arith.addi %mul3A_341, %add3A_342 : i32
            %mul3A_344 = arith.constant 2 : i32
            %mul3A_345 = arith.muli %mul3A_344, %add3A_217 : i32
            %add3A_346 = arith.constant 0 : i32
            %add3A_347 = arith.addi %mul3A_345, %add3A_346 : i32
            %slice3A_348 = vector.extract_strided_slice %mul3A_227 {offsets = [6], sizes = [1], strides = [1]} : vector<16xi32> to vector<1xi32>
            %squeeze3A_349 = vector.extract %slice3A_348[0] : i32 from vector<1xi32>
            %get3A_350 = arith.index_cast %add3A_343 : i32 to index
            %get3A_351 = arith.index_cast %squeeze3A_349 : i32 to index
            %get3A_352 = tpu.vector_load %arg14[%get3A_350, %get3A_351] {strides = array<i32>} : memref<128x128xf32, #tpu.memory_space<vmem>>, vector<1x16xf32>,
            %get3A_353 = vector.shape_cast %get3A_352 : vector<1x16xf32> to vector<16xf32>
            %swap3A_354 = arith.index_cast %add3A_347 : i32 to index
            %swap3A_355 = arith.constant 96 : index
            %swap3A_356 = tpu.vector_load %arg18[%swap3A_354, %swap3A_355] {strides = array<i32>} : memref<16x128xf32, #tpu.memory_space<vmem>>, vector<1x16xf32>,
            %swap3A_357 = vector.shape_cast %swap3A_356 : vector<1x16xf32> to vector<16xf32>
            %swap3A_358 = vector.shape_cast %get3A_353 : vector<16xf32> to vector<1x16xf32>
            tpu.vector_store %arg18[%swap3A_354, %swap3A_355], %swap3A_358 {strides = array<i32>} : memref<16x128xf32, #tpu.memory_space<vmem>>, vector<1x16xf32>,
            %mul3A_359 = arith.constant 16 : i32
            %mul3A_360 = arith.muli %add3A_217, %mul3A_359 : i32
            %add3A_361 = arith.constant 7 : i32
            %add3A_362 = arith.addi %mul3A_360, %add3A_361 : i32
            %mul3A_363 = arith.constant 2 : i32
            %mul3A_364 = arith.muli %mul3A_363, %add3A_217 : i32
            %add3A_365 = arith.constant 0 : i32
            %add3A_366 = arith.addi %mul3A_364, %add3A_365 : i32
            %slice3A_367 = vector.extract_strided_slice %mul3A_227 {offsets = [7], sizes = [1], strides = [1]} : vector<16xi32> to vector<1xi32>
            %squeeze3A_368 = vector.extract %slice3A_367[0] : i32 from vector<1xi32>
            %get3A_369 = arith.index_cast %add3A_362 : i32 to index
            %get3A_370 = arith.index_cast %squeeze3A_368 : i32 to index
            %get3A_371 = tpu.vector_load %arg14[%get3A_369, %get3A_370] {strides = array<i32>} : memref<128x128xf32, #tpu.memory_space<vmem>>, vector<1x16xf32>,
            %get3A_372 = vector.shape_cast %get3A_371 : vector<1x16xf32> to vector<16xf32>
            %swap3A_373 = arith.index_cast %add3A_366 : i32 to index
            %swap3A_374 = arith.constant 112 : index
            %swap3A_375 = tpu.vector_load %arg18[%swap3A_373, %swap3A_374] {strides = array<i32>} : memref<16x128xf32, #tpu.memory_space<vmem>>, vector<1x16xf32>,
            %swap3A_376 = vector.shape_cast %swap3A_375 : vector<1x16xf32> to vector<16xf32>
            %swap3A_377 = vector.shape_cast %get3A_372 : vector<16xf32> to vector<1x16xf32>
            tpu.vector_store %arg18[%swap3A_373, %swap3A_374], %swap3A_377 {strides = array<i32>} : memref<16x128xf32, #tpu.memory_space<vmem>>, vector<1x16xf32>,
            %mul3A_378 = arith.constant 16 : i32
            %mul3A_379 = arith.muli %add3A_217, %mul3A_378 : i32
            %add3A_380 = arith.constant 8 : i32
            %add3A_381 = arith.addi %mul3A_379, %add3A_380 : i32
            %mul3A_382 = arith.constant 2 : i32
            %mul3A_383 = arith.muli %mul3A_382, %add3A_217 : i32
            %add3A_384 = arith.constant 1 : i32
            %add3A_385 = arith.addi %mul3A_383, %add3A_384 : i32
            %slice3A_386 = vector.extract_strided_slice %mul3A_227 {offsets = [8], sizes = [1], strides = [1]} : vector<16xi32> to vector<1xi32>
            %squeeze3A_387 = vector.extract %slice3A_386[0] : i32 from vector<1xi32>
            %get3A_388 = arith.index_cast %add3A_381 : i32 to index
            %get3A_389 = arith.index_cast %squeeze3A_387 : i32 to index
            %get3A_390 = tpu.vector_load %arg14[%get3A_388, %get3A_389] {strides = array<i32>} : memref<128x128xf32, #tpu.memory_space<vmem>>, vector<1x16xf32>,
            %get3A_391 = vector.shape_cast %get3A_390 : vector<1x16xf32> to vector<16xf32>
            %swap3A_392 = arith.index_cast %add3A_385 : i32 to index
            %swap3A_393 = arith.constant 0 : index
            %swap3A_394 = tpu.vector_load %arg18[%swap3A_392, %swap3A_393] {strides = array<i32>} : memref<16x128xf32, #tpu.memory_space<vmem>>, vector<1x16xf32>,
            %swap3A_395 = vector.shape_cast %swap3A_394 : vector<1x16xf32> to vector<16xf32>
            %swap3A_396 = vector.shape_cast %get3A_391 : vector<16xf32> to vector<1x16xf32>
            tpu.vector_store %arg18[%swap3A_392, %swap3A_393], %swap3A_396 {strides = array<i32>} : memref<16x128xf32, #tpu.memory_space<vmem>>, vector<1x16xf32>,
            %mul3A_397 = arith.constant 16 : i32
            %mul3A_398 = arith.muli %add3A_217, %mul3A_397 : i32
            %add3A_399 = arith.constant 9 : i32
            %add3A_400 = arith.addi %mul3A_398, %add3A_399 : i32
            %mul3A_401 = arith.constant 2 : i32
            %mul3A_402 = arith.muli %mul3A_401, %add3A_217 : i32
            %add3A_403 = arith.constant 1 : i32
            %add3A_404 = arith.addi %mul3A_402, %add3A_403 : i32
            %slice3A_405 = vector.extract_strided_slice %mul3A_227 {offsets = [9], sizes = [1], strides = [1]} : vector<16xi32> to vector<1xi32>
            %squeeze3A_406 = vector.extract %slice3A_405[0] : i32 from vector<1xi32>
            %get3A_407 = arith.index_cast %add3A_400 : i32 to index
            %get3A_408 = arith.index_cast %squeeze3A_406 : i32 to index
            %get3A_409 = tpu.vector_load %arg14[%get3A_407, %get3A_408] {strides = array<i32>} : memref<128x128xf32, #tpu.memory_space<vmem>>, vector<1x16xf32>,
            %get3A_410 = vector.shape_cast %get3A_409 : vector<1x16xf32> to vector<16xf32>
            %swap3A_411 = arith.index_cast %add3A_404 : i32 to index
            %swap3A_412 = arith.constant 16 : index
            %swap3A_413 = tpu.vector_load %arg18[%swap3A_411, %swap3A_412] {strides = array<i32>} : memref<16x128xf32, #tpu.memory_space<vmem>>, vector<1x16xf32>,
            %swap3A_414 = vector.shape_cast %swap3A_413 : vector<1x16xf32> to vector<16xf32>
            %swap3A_415 = vector.shape_cast %get3A_410 : vector<16xf32> to vector<1x16xf32>
            tpu.vector_store %arg18[%swap3A_411, %swap3A_412], %swap3A_415 {strides = array<i32>} : memref<16x128xf32, #tpu.memory_space<vmem>>, vector<1x16xf32>,
            %mul3A_416 = arith.constant 16 : i32
            %mul3A_417 = arith.muli %add3A_217, %mul3A_416 : i32
            %add3A_418 = arith.constant 10 : i32
            %add3A_419 = arith.addi %mul3A_417, %add3A_418 : i32
            %mul3A_420 = arith.constant 2 : i32
            %mul3A_421 = arith.muli %mul3A_420, %add3A_217 : i32
            %add3A_422 = arith.constant 1 : i32
            %add3A_423 = arith.addi %mul3A_421, %add3A_422 : i32
            %slice3A_424 = vector.extract_strided_slice %mul3A_227 {offsets = [10], sizes = [1], strides = [1]} : vector<16xi32> to vector<1xi32>
            %squeeze3A_425 = vector.extract %slice3A_424[0] : i32 from vector<1xi32>
            %get3A_426 = arith.index_cast %add3A_419 : i32 to index
            %get3A_427 = arith.index_cast %squeeze3A_425 : i32 to index
            %get3A_428 = tpu.vector_load %arg14[%get3A_426, %get3A_427] {strides = array<i32>} : memref<128x128xf32, #tpu.memory_space<vmem>>, vector<1x16xf32>,
            %get3A_429 = vector.shape_cast %get3A_428 : vector<1x16xf32> to vector<16xf32>
            %swap3A_430 = arith.index_cast %add3A_423 : i32 to index
            %swap3A_431 = arith.constant 32 : index
            %swap3A_432 = tpu.vector_load %arg18[%swap3A_430, %swap3A_431] {strides = array<i32>} : memref<16x128xf32, #tpu.memory_space<vmem>>, vector<1x16xf32>,
            %swap3A_433 = vector.shape_cast %swap3A_432 : vector<1x16xf32> to vector<16xf32>
            %swap3A_434 = vector.shape_cast %get3A_429 : vector<16xf32> to vector<1x16xf32>
            tpu.vector_store %arg18[%swap3A_430, %swap3A_431], %swap3A_434 {strides = array<i32>} : memref<16x128xf32, #tpu.memory_space<vmem>>, vector<1x16xf32>,
            %mul3A_435 = arith.constant 16 : i32
            %mul3A_436 = arith.muli %add3A_217, %mul3A_435 : i32
            %add3A_437 = arith.constant 11 : i32
            %add3A_438 = arith.addi %mul3A_436, %add3A_437 : i32
            %mul3A_439 = arith.constant 2 : i32
            %mul3A_440 = arith.muli %mul3A_439, %add3A_217 : i32
            %add3A_441 = arith.constant 1 : i32
            %add3A_442 = arith.addi %mul3A_440, %add3A_441 : i32
            %slice3A_443 = vector.extract_strided_slice %mul3A_227 {offsets = [11], sizes = [1], strides = [1]} : vector<16xi32> to vector<1xi32>
            %squeeze3A_444 = vector.extract %slice3A_443[0] : i32 from vector<1xi32>
            %get3A_445 = arith.index_cast %add3A_438 : i32 to index
            %get3A_446 = arith.index_cast %squeeze3A_444 : i32 to index
            %get3A_447 = tpu.vector_load %arg14[%get3A_445, %get3A_446] {strides = array<i32>} : memref<128x128xf32, #tpu.memory_space<vmem>>, vector<1x16xf32>,
            %get3A_448 = vector.shape_cast %get3A_447 : vector<1x16xf32> to vector<16xf32>
            %swap3A_449 = arith.index_cast %add3A_442 : i32 to index
            %swap3A_450 = arith.constant 48 : index
            %swap3A_451 = tpu.vector_load %arg18[%swap3A_449, %swap3A_450] {strides = array<i32>} : memref<16x128xf32, #tpu.memory_space<vmem>>, vector<1x16xf32>,
            %swap3A_452 = vector.shape_cast %swap3A_451 : vector<1x16xf32> to vector<16xf32>
            %swap3A_453 = vector.shape_cast %get3A_448 : vector<16xf32> to vector<1x16xf32>
            tpu.vector_store %arg18[%swap3A_449, %swap3A_450], %swap3A_453 {strides = array<i32>} : memref<16x128xf32, #tpu.memory_space<vmem>>, vector<1x16xf32>,
            %mul3A_454 = arith.constant 16 : i32
            %mul3A_455 = arith.muli %add3A_217, %mul3A_454 : i32
            %add3A_456 = arith.constant 12 : i32
            %add3A_457 = arith.addi %mul3A_455, %add3A_456 : i32
            %mul3A_458 = arith.constant 2 : i32
            %mul3A_459 = arith.muli %mul3A_458, %add3A_217 : i32
            %add3A_460 = arith.constant 1 : i32
            %add3A_461 = arith.addi %mul3A_459, %add3A_460 : i32
            %slice3A_462 = vector.extract_strided_slice %mul3A_227 {offsets = [12], sizes = [1], strides = [1]} : vector<16xi32> to vector<1xi32>
            %squeeze3A_463 = vector.extract %slice3A_462[0] : i32 from vector<1xi32>
            %get3A_464 = arith.index_cast %add3A_457 : i32 to index
            %get3A_465 = arith.index_cast %squeeze3A_463 : i32 to index
            %get3A_466 = tpu.vector_load %arg14[%get3A_464, %get3A_465] {strides = array<i32>} : memref<128x128xf32, #tpu.memory_space<vmem>>, vector<1x16xf32>,
            %get3A_467 = vector.shape_cast %get3A_466 : vector<1x16xf32> to vector<16xf32>
            %swap3A_468 = arith.index_cast %add3A_461 : i32 to index
            %swap3A_469 = arith.constant 64 : index
            %swap3A_470 = tpu.vector_load %arg18[%swap3A_468, %swap3A_469] {strides = array<i32>} : memref<16x128xf32, #tpu.memory_space<vmem>>, vector<1x16xf32>,
            %swap3A_471 = vector.shape_cast %swap3A_470 : vector<1x16xf32> to vector<16xf32>
            %swap3A_472 = vector.shape_cast %get3A_467 : vector<16xf32> to vector<1x16xf32>
            tpu.vector_store %arg18[%swap3A_468, %swap3A_469], %swap3A_472 {strides = array<i32>} : memref<16x128xf32, #tpu.memory_space<vmem>>, vector<1x16xf32>,
            %mul3A_473 = arith.constant 16 : i32
            %mul3A_474 = arith.muli %add3A_217, %mul3A_473 : i32
            %add3A_475 = arith.constant 13 : i32
            %add3A_476 = arith.addi %mul3A_474, %add3A_475 : i32
            %mul3A_477 = arith.constant 2 : i32
            %mul3A_478 = arith.muli %mul3A_477, %add3A_217 : i32
            %add3A_479 = arith.constant 1 : i32
            %add3A_480 = arith.addi %mul3A_478, %add3A_479 : i32
            %slice3A_481 = vector.extract_strided_slice %mul3A_227 {offsets = [13], sizes = [1], strides = [1]} : vector<16xi32> to vector<1xi32>
            %squeeze3A_482 = vector.extract %slice3A_481[0] : i32 from vector<1xi32>
            %get3A_483 = arith.index_cast %add3A_476 : i32 to index
            %get3A_484 = arith.index_cast %squeeze3A_482 : i32 to index
            %get3A_485 = tpu.vector_load %arg14[%get3A_483, %get3A_484] {strides = array<i32>} : memref<128x128xf32, #tpu.memory_space<vmem>>, vector<1x16xf32>,
            %get3A_486 = vector.shape_cast %get3A_485 : vector<1x16xf32> to vector<16xf32>
            %swap3A_487 = arith.index_cast %add3A_480 : i32 to index
            %swap3A_488 = arith.constant 80 : index
            %swap3A_489 = tpu.vector_load %arg18[%swap3A_487, %swap3A_488] {strides = array<i32>} : memref<16x128xf32, #tpu.memory_space<vmem>>, vector<1x16xf32>,
            %swap3A_490 = vector.shape_cast %swap3A_489 : vector<1x16xf32> to vector<16xf32>
            %swap3A_491 = vector.shape_cast %get3A_486 : vector<16xf32> to vector<1x16xf32>
            tpu.vector_store %arg18[%swap3A_487, %swap3A_488], %swap3A_491 {strides = array<i32>} : memref<16x128xf32, #tpu.memory_space<vmem>>, vector<1x16xf32>,
            %mul3A_492 = arith.constant 16 : i32
            %mul3A_493 = arith.muli %add3A_217, %mul3A_492 : i32
            %add3A_494 = arith.constant 14 : i32
            %add3A_495 = arith.addi %mul3A_493, %add3A_494 : i32
            %mul3A_496 = arith.constant 2 : i32
            %mul3A_497 = arith.muli %mul3A_496, %add3A_217 : i32
            %add3A_498 = arith.constant 1 : i32
            %add3A_499 = arith.addi %mul3A_497, %add3A_498 : i32
            %slice3A_500 = vector.extract_strided_slice %mul3A_227 {offsets = [14], sizes = [1], strides = [1]} : vector<16xi32> to vector<1xi32>
            %squeeze3A_501 = vector.extract %slice3A_500[0] : i32 from vector<1xi32>
            %get3A_502 = arith.index_cast %add3A_495 : i32 to index
            %get3A_503 = arith.index_cast %squeeze3A_501 : i32 to index
            %get3A_504 = tpu.vector_load %arg14[%get3A_502, %get3A_503] {strides = array<i32>} : memref<128x128xf32, #tpu.memory_space<vmem>>, vector<1x16xf32>,
            %get3A_505 = vector.shape_cast %get3A_504 : vector<1x16xf32> to vector<16xf32>
            %swap3A_506 = arith.index_cast %add3A_499 : i32 to index
            %swap3A_507 = arith.constant 96 : index
            %swap3A_508 = tpu.vector_load %arg18[%swap3A_506, %swap3A_507] {strides = array<i32>} : memref<16x128xf32, #tpu.memory_space<vmem>>, vector<1x16xf32>,
            %swap3A_509 = vector.shape_cast %swap3A_508 : vector<1x16xf32> to vector<16xf32>
            %swap3A_510 = vector.shape_cast %get3A_505 : vector<16xf32> to vector<1x16xf32>
            tpu.vector_store %arg18[%swap3A_506, %swap3A_507], %swap3A_510 {strides = array<i32>} : memref<16x128xf32, #tpu.memory_space<vmem>>, vector<1x16xf32>,
            %mul3A_511 = arith.constant 16 : i32
            %mul3A_512 = arith.muli %add3A_217, %mul3A_511 : i32
            %add3A_513 = arith.constant 15 : i32
            %add3A_514 = arith.addi %mul3A_512, %add3A_513 : i32
            %mul3A_515 = arith.constant 2 : i32
            %mul3A_516 = arith.muli %mul3A_515, %add3A_217 : i32
            %add3A_517 = arith.constant 1 : i32
            %add3A_518 = arith.addi %mul3A_516, %add3A_517 : i32
            %slice3A_519 = vector.extract_strided_slice %mul3A_227 {offsets = [15], sizes = [1], strides = [1]} : vector<16xi32> to vector<1xi32>
            %squeeze3A_520 = vector.extract %slice3A_519[0] : i32 from vector<1xi32>
            %get3A_521 = arith.index_cast %add3A_514 : i32 to index
            %get3A_522 = arith.index_cast %squeeze3A_520 : i32 to index
            %get3A_523 = tpu.vector_load %arg14[%get3A_521, %get3A_522] {strides = array<i32>} : memref<128x128xf32, #tpu.memory_space<vmem>>, vector<1x16xf32>,
            %get3A_524 = vector.shape_cast %get3A_523 : vector<1x16xf32> to vector<16xf32>
            %swap3A_525 = arith.index_cast %add3A_518 : i32 to index
            %swap3A_526 = arith.constant 112 : index
            %swap3A_527 = tpu.vector_load %arg18[%swap3A_525, %swap3A_526] {strides = array<i32>} : memref<16x128xf32, #tpu.memory_space<vmem>>, vector<1x16xf32>,
            %swap3A_528 = vector.shape_cast %swap3A_527 : vector<1x16xf32> to vector<16xf32>
            %swap3A_529 = vector.shape_cast %get3A_524 : vector<16xf32> to vector<1x16xf32>
            tpu.vector_store %arg18[%swap3A_525, %swap3A_526], %swap3A_529 {strides = array<i32>} : memref<16x128xf32, #tpu.memory_space<vmem>>, vector<1x16xf32>,
          }
          %scan3A_198 = arith.constant 8 : i32
          %sub3A = arith.constant 2 : i32
          %sub3A_199 = arith.subi %add3A_79, %sub3A : i32
          %mul3A_200 = arith.constant 16 : i32
          %mul3A_201 = arith.muli %sub3A_199, %mul3A_200 : i32
          %add3A_202 = arith.addi %mul3A_4, %mul3A_201 : i32
          %dma_start3A_203 = arith.constant 0 : i32
          %dma_start3A_204 = tpu.memref_slice %arg4[%add3A_202, %dma_start3A_203] : memref<409600x128xf32, #tpu.memory_space<hbm>> -> memref<16x128xf32, #tpu.memory_space<hbm>>
          %dma_start3A_205 = arith.constant 0 : i32
          %dma_start3A_206 = tpu.memref_slice %arg4[%add3A_202, %dma_start3A_205] : memref<409600x128xf32, #tpu.memory_space<hbm>> -> memref<16x128xf32, #tpu.memory_space<hbm>>
          tpu.enqueue_dma source(%arg18 : memref<16x128xf32, #tpu.memory_space<vmem>>) target(%dma_start3A_206 : memref<16x128xf32, #tpu.memory_space<hbm>>) target_semaphore(%arg30 : memref<!tpu.dma_semaphore, #tpu.memory_space<semaphore_mem>>)
          %add3A_207 = arith.constant 2 : i32
          %add3A_208 = arith.addi %add3A_79, %add3A_207 : i32
          %lt3A = arith.constant 800 : i32
          %lt3A_209 = arith.cmpi slt, %add3A_208, %lt3A : i32
          %convert_element_type3A_210 = arith.extui %lt3A_209 : i1 to i32
          %cond3A_211 = arith.constant 0 : i32
          %cond3A_212 = arith.cmpi ne, %convert_element_type3A_210, %cond3A_211 : i32
          scf.if %cond3A_212 {
            %add3A_213 = arith.constant 2 : i32
            %add3A_214 = arith.addi %add3A_79, %add3A_213 : i32
            %mul3A_215 = arith.constant 128 : i32
            %mul3A_216 = arith.muli %add3A_214, %mul3A_215 : i32
            %add3A_217 = arith.addi %mul3A_2, %mul3A_216 : i32
            %dma_start3A_218 = tpu.memref_slice %arg3[%add3A_217] : memref<3276800xi32, #tpu.memory_space<hbm>> -> memref<128xi32, #tpu.memory_space<hbm>>
            %dma_start3A_219 = tpu.memref_slice %arg3[%add3A_217] : memref<3276800xi32, #tpu.memory_space<hbm>> -> memref<128xi32, #tpu.memory_space<hbm>>
            tpu.enqueue_dma source(%dma_start3A_219 : memref<128xi32, #tpu.memory_space<hbm>>) target(%arg6 : memref<128xi32, #tpu.memory_space<vmem>>) target_semaphore(%arg22 : memref<!tpu.dma_semaphore, #tpu.memory_space<semaphore_mem>>)
          } else {
          }
        } else {
        }
      } else {
      }
    }
    %scan3A_23 = arith.constant 800 : i32
    %dma_wait3A = arith.constant 0 : i32
    %dma_wait3A_24 = arith.constant 0 : i32
    %dma_wait3A_25 = tpu.memref_slice %arg2[%dma_wait3A, %dma_wait3A_24] : memref<125000x128xf32, #tpu.memory_space<hbm>> -> memref<125000x128xf32, #tpu.memory_space<hbm>>
    tpu.wait_indirect_dma semaphore(%arg27 : memref<!tpu.dma_semaphore, #tpu.memory_space<semaphore_mem>>) src(%dma_wait3A_25 : memref<125000x128xf32, #tpu.memory_space<hbm>>) dst(%arg15 : memref<128x128xf32, #tpu.memory_space<vmem>>)
    %scan3A_26 = arith.constant 0 : i32
    %scan3A_27 = arith.constant 8 : i32
    %scan3A_28 = arith.addi %scan3A_26, %scan3A_27 : i32
    %scan3A_29 = arith.constant 1 : i32
    scf.for %scan3A_75 = %scan3A_26 to %scan3A_28 step %scan3A_29  : i32 {
      %mul3A_76 = arith.constant 1 : i32
      %mul3A_77 = arith.muli %scan3A_75, %mul3A_76 : i32
      %add3A_78 = arith.constant 0 : i32
      %add3A_79 = arith.addi %add3A_78, %mul3A_77 : i32
      %mul3A_80 = arith.constant 16 : i32
      %mul3A_81 = arith.muli %add3A_79, %mul3A_80 : i32
      %get3A = arith.index_cast %mul3A_81 : i32 to index
      %get3A_82 = tpu.vector_load %arg7[%get3A] {strides = array<i32>} : memref<128xi32, #tpu.memory_space<vmem>>, vector<16xi32>,
      %get3A_83 = vector.shape_cast %get3A_82 : vector<16xi32> to vector<16xi32>
      %and3A = arith.constant 7 : i32
      %and3A_84 = vector.broadcast %and3A : i32 to vector<16xi32>
      %and3A_85 = arith.andi %get3A_83, %and3A_84 : vector<16xi32>
      %mul3A_86 = arith.constant 16 : i32
      %mul3A_87 = vector.broadcast %mul3A_86 : i32 to vector<16xi32>
      %mul3A_88 = arith.muli %and3A_85, %mul3A_87 : vector<16xi32>
      %mul3A_89 = arith.constant 16 : i32
      %mul3A_90 = arith.muli %add3A_79, %mul3A_89 : i32
      %add3A_91 = arith.constant 0 : i32
      %add3A_92 = arith.addi %mul3A_90, %add3A_91 : i32
      %mul3A_93 = arith.constant 2 : i32
      %mul3A_94 = arith.muli %mul3A_93, %add3A_79 : i32
      %add3A_95 = arith.constant 0 : i32
      %add3A_96 = arith.addi %mul3A_94, %add3A_95 : i32
      %slice3A = vector.extract_strided_slice %mul3A_88 {offsets = [0], sizes = [1], strides = [1]} : vector<16xi32> to vector<1xi32>
      %squeeze3A = vector.extract %slice3A[0] : i32 from vector<1xi32>
      %get3A_97 = arith.index_cast %add3A_92 : i32 to index
      %get3A_98 = arith.index_cast %squeeze3A : i32 to index
      %get3A_99 = tpu.vector_load %arg15[%get3A_97, %get3A_98] {strides = array<i32>} : memref<128x128xf32, #tpu.memory_space<vmem>>, vector<1x16xf32>,
      %get3A_100 = vector.shape_cast %get3A_99 : vector<1x16xf32> to vector<16xf32>
      %swap3A = arith.index_cast %add3A_96 : i32 to index
      %swap3A_101 = arith.constant 0 : index
      %swap3A_102 = tpu.vector_load %arg19[%swap3A, %swap3A_101] {strides = array<i32>} : memref<16x128xf32, #tpu.memory_space<vmem>>, vector<1x16xf32>,
      %swap3A_103 = vector.shape_cast %swap3A_102 : vector<1x16xf32> to vector<16xf32>
      %swap3A_104 = vector.shape_cast %get3A_100 : vector<16xf32> to vector<1x16xf32>
      tpu.vector_store %arg19[%swap3A, %swap3A_101], %swap3A_104 {strides = array<i32>} : memref<16x128xf32, #tpu.memory_space<vmem>>, vector<1x16xf32>,
      %mul3A_105 = arith.constant 16 : i32
      %mul3A_106 = arith.muli %add3A_79, %mul3A_105 : i32
      %add3A_107 = arith.constant 1 : i32
      %add3A_108 = arith.addi %mul3A_106, %add3A_107 : i32
      %mul3A_109 = arith.constant 2 : i32
      %mul3A_110 = arith.muli %mul3A_109, %add3A_79 : i32
      %add3A_111 = arith.constant 0 : i32
      %add3A_112 = arith.addi %mul3A_110, %add3A_111 : i32
      %slice3A_113 = vector.extract_strided_slice %mul3A_88 {offsets = [1], sizes = [1], strides = [1]} : vector<16xi32> to vector<1xi32>
      %squeeze3A_114 = vector.extract %slice3A_113[0] : i32 from vector<1xi32>
      %get3A_115 = arith.index_cast %add3A_108 : i32 to index
      %get3A_116 = arith.index_cast %squeeze3A_114 : i32 to index
      %get3A_117 = tpu.vector_load %arg15[%get3A_115, %get3A_116] {strides = array<i32>} : memref<128x128xf32, #tpu.memory_space<vmem>>, vector<1x16xf32>,
      %get3A_118 = vector.shape_cast %get3A_117 : vector<1x16xf32> to vector<16xf32>
      %swap3A_119 = arith.index_cast %add3A_112 : i32 to index
      %swap3A_120 = arith.constant 16 : index
      %swap3A_121 = tpu.vector_load %arg19[%swap3A_119, %swap3A_120] {strides = array<i32>} : memref<16x128xf32, #tpu.memory_space<vmem>>, vector<1x16xf32>,
      %swap3A_122 = vector.shape_cast %swap3A_121 : vector<1x16xf32> to vector<16xf32>
      %swap3A_123 = vector.shape_cast %get3A_118 : vector<16xf32> to vector<1x16xf32>
      tpu.vector_store %arg19[%swap3A_119, %swap3A_120], %swap3A_123 {strides = array<i32>} : memref<16x128xf32, #tpu.memory_space<vmem>>, vector<1x16xf32>,
      %mul3A_124 = arith.constant 16 : i32
      %mul3A_125 = arith.muli %add3A_79, %mul3A_124 : i32
      %add3A_126 = arith.constant 2 : i32
      %add3A_127 = arith.addi %mul3A_125, %add3A_126 : i32
      %mul3A_128 = arith.constant 2 : i32
      %mul3A_129 = arith.muli %mul3A_128, %add3A_79 : i32
      %add3A_130 = arith.constant 0 : i32
      %add3A_131 = arith.addi %mul3A_129, %add3A_130 : i32
      %slice3A_132 = vector.extract_strided_slice %mul3A_88 {offsets = [2], sizes = [1], strides = [1]} : vector<16xi32> to vector<1xi32>
      %squeeze3A_133 = vector.extract %slice3A_132[0] : i32 from vector<1xi32>
      %get3A_134 = arith.index_cast %add3A_127 : i32 to index
      %get3A_135 = arith.index_cast %squeeze3A_133 : i32 to index
      %get3A_136 = tpu.vector_load %arg15[%get3A_134, %get3A_135] {strides = array<i32>} : memref<128x128xf32, #tpu.memory_space<vmem>>, vector<1x16xf32>,
      %get3A_137 = vector.shape_cast %get3A_136 : vector<1x16xf32> to vector<16xf32>
      %swap3A_138 = arith.index_cast %add3A_131 : i32 to index
      %swap3A_139 = arith.constant 32 : index
      %swap3A_140 = tpu.vector_load %arg19[%swap3A_138, %swap3A_139] {strides = array<i32>} : memref<16x128xf32, #tpu.memory_space<vmem>>, vector<1x16xf32>,
      %swap3A_141 = vector.shape_cast %swap3A_140 : vector<1x16xf32> to vector<16xf32>
      %swap3A_142 = vector.shape_cast %get3A_137 : vector<16xf32> to vector<1x16xf32>
      tpu.vector_store %arg19[%swap3A_138, %swap3A_139], %swap3A_142 {strides = array<i32>} : memref<16x128xf32, #tpu.memory_space<vmem>>, vector<1x16xf32>,
      %mul3A_143 = arith.constant 16 : i32
      %mul3A_144 = arith.muli %add3A_79, %mul3A_143 : i32
      %add3A_145 = arith.constant 3 : i32
      %add3A_146 = arith.addi %mul3A_144, %add3A_145 : i32
      %mul3A_147 = arith.constant 2 : i32
      %mul3A_148 = arith.muli %mul3A_147, %add3A_79 : i32
      %add3A_149 = arith.constant 0 : i32
      %add3A_150 = arith.addi %mul3A_148, %add3A_149 : i32
      %slice3A_151 = vector.extract_strided_slice %mul3A_88 {offsets = [3], sizes = [1], strides = [1]} : vector<16xi32> to vector<1xi32>
      %squeeze3A_152 = vector.extract %slice3A_151[0] : i32 from vector<1xi32>
      %get3A_153 = arith.index_cast %add3A_146 : i32 to index
      %get3A_154 = arith.index_cast %squeeze3A_152 : i32 to index
      %get3A_155 = tpu.vector_load %arg15[%get3A_153, %get3A_154] {strides = array<i32>} : memref<128x128xf32, #tpu.memory_space<vmem>>, vector<1x16xf32>,
      %get3A_156 = vector.shape_cast %get3A_155 : vector<1x16xf32> to vector<16xf32>
      %swap3A_157 = arith.index_cast %add3A_150 : i32 to index
      %swap3A_158 = arith.constant 48 : index
      %swap3A_159 = tpu.vector_load %arg19[%swap3A_157, %swap3A_158] {strides = array<i32>} : memref<16x128xf32, #tpu.memory_space<vmem>>, vector<1x16xf32>,
      %swap3A_160 = vector.shape_cast %swap3A_159 : vector<1x16xf32> to vector<16xf32>
      %swap3A_161 = vector.shape_cast %get3A_156 : vector<16xf32> to vector<1x16xf32>
      tpu.vector_store %arg19[%swap3A_157, %swap3A_158], %swap3A_161 {strides = array<i32>} : memref<16x128xf32, #tpu.memory_space<vmem>>, vector<1x16xf32>,
      %mul3A_162 = arith.constant 16 : i32
      %mul3A_163 = arith.muli %add3A_79, %mul3A_162 : i32
      %add3A_164 = arith.constant 4 : i32
      %add3A_165 = arith.addi %mul3A_163, %add3A_164 : i32
      %mul3A_166 = arith.constant 2 : i32
      %mul3A_167 = arith.muli %mul3A_166, %add3A_79 : i32
      %add3A_168 = arith.constant 0 : i32
      %add3A_169 = arith.addi %mul3A_167, %add3A_168 : i32
      %slice3A_170 = vector.extract_strided_slice %mul3A_88 {offsets = [4], sizes = [1], strides = [1]} : vector<16xi32> to vector<1xi32>
      %squeeze3A_171 = vector.extract %slice3A_170[0] : i32 from vector<1xi32>
      %get3A_172 = arith.index_cast %add3A_165 : i32 to index
      %get3A_173 = arith.index_cast %squeeze3A_171 : i32 to index
      %get3A_174 = tpu.vector_load %arg15[%get3A_172, %get3A_173] {strides = array<i32>} : memref<128x128xf32, #tpu.memory_space<vmem>>, vector<1x16xf32>,
      %get3A_175 = vector.shape_cast %get3A_174 : vector<1x16xf32> to vector<16xf32>
      %swap3A_176 = arith.index_cast %add3A_169 : i32 to index
      %swap3A_177 = arith.constant 64 : index
      %swap3A_178 = tpu.vector_load %arg19[%swap3A_176, %swap3A_177] {strides = array<i32>} : memref<16x128xf32, #tpu.memory_space<vmem>>, vector<1x16xf32>,
      %swap3A_179 = vector.shape_cast %swap3A_178 : vector<1x16xf32> to vector<16xf32>
      %swap3A_180 = vector.shape_cast %get3A_175 : vector<16xf32> to vector<1x16xf32>
      tpu.vector_store %arg19[%swap3A_176, %swap3A_177], %swap3A_180 {strides = array<i32>} : memref<16x128xf32, #tpu.memory_space<vmem>>, vector<1x16xf32>,
      %mul3A_181 = arith.constant 16 : i32
      %mul3A_182 = arith.muli %add3A_79, %mul3A_181 : i32
      %add3A_183 = arith.constant 5 : i32
      %add3A_184 = arith.addi %mul3A_182, %add3A_183 : i32
      %mul3A_185 = arith.constant 2 : i32
      %mul3A_186 = arith.muli %mul3A_185, %add3A_79 : i32
      %add3A_187 = arith.constant 0 : i32
      %add3A_188 = arith.addi %mul3A_186, %add3A_187 : i32
      %slice3A_189 = vector.extract_strided_slice %mul3A_88 {offsets = [5], sizes = [1], strides = [1]} : vector<16xi32> to vector<1xi32>
      %squeeze3A_190 = vector.extract %slice3A_189[0] : i32 from vector<1xi32>
      %get3A_191 = arith.index_cast %add3A_184 : i32 to index
      %get3A_192 = arith.index_cast %squeeze3A_190 : i32 to index
      %get3A_193 = tpu.vector_load %arg15[%get3A_191, %get3A_192] {strides = array<i32>} : memref<128x128xf32, #tpu.memory_space<vmem>>, vector<1x16xf32>,
      %get3A_194 = vector.shape_cast %get3A_193 : vector<1x16xf32> to vector<16xf32>
      %swap3A_195 = arith.index_cast %add3A_188 : i32 to index
      %swap3A_196 = arith.constant 80 : index
      %swap3A_197 = tpu.vector_load %arg19[%swap3A_195, %swap3A_196] {strides = array<i32>} : memref<16x128xf32, #tpu.memory_space<vmem>>, vector<1x16xf32>,
      %swap3A_198 = vector.shape_cast %swap3A_197 : vector<1x16xf32> to vector<16xf32>
      %swap3A_199 = vector.shape_cast %get3A_194 : vector<16xf32> to vector<1x16xf32>
      tpu.vector_store %arg19[%swap3A_195, %swap3A_196], %swap3A_199 {strides = array<i32>} : memref<16x128xf32, #tpu.memory_space<vmem>>, vector<1x16xf32>,
      %mul3A_200 = arith.constant 16 : i32
      %mul3A_201 = arith.muli %add3A_79, %mul3A_200 : i32
      %add3A_202 = arith.constant 6 : i32
      %add3A_203 = arith.addi %mul3A_201, %add3A_202 : i32
      %mul3A_204 = arith.constant 2 : i32
      %mul3A_205 = arith.muli %mul3A_204, %add3A_79 : i32
      %add3A_206 = arith.constant 0 : i32
      %add3A_207 = arith.addi %mul3A_205, %add3A_206 : i32
      %slice3A_208 = vector.extract_strided_slice %mul3A_88 {offsets = [6], sizes = [1], strides = [1]} : vector<16xi32> to vector<1xi32>
      %squeeze3A_209 = vector.extract %slice3A_208[0] : i32 from vector<1xi32>
      %get3A_210 = arith.index_cast %add3A_203 : i32 to index
      %get3A_211 = arith.index_cast %squeeze3A_209 : i32 to index
      %get3A_212 = tpu.vector_load %arg15[%get3A_210, %get3A_211] {strides = array<i32>} : memref<128x128xf32, #tpu.memory_space<vmem>>, vector<1x16xf32>,
      %get3A_213 = vector.shape_cast %get3A_212 : vector<1x16xf32> to vector<16xf32>
      %swap3A_214 = arith.index_cast %add3A_207 : i32 to index
      %swap3A_215 = arith.constant 96 : index
      %swap3A_216 = tpu.vector_load %arg19[%swap3A_214, %swap3A_215] {strides = array<i32>} : memref<16x128xf32, #tpu.memory_space<vmem>>, vector<1x16xf32>,
      %swap3A_217 = vector.shape_cast %swap3A_216 : vector<1x16xf32> to vector<16xf32>
      %swap3A_218 = vector.shape_cast %get3A_213 : vector<16xf32> to vector<1x16xf32>
      tpu.vector_store %arg19[%swap3A_214, %swap3A_215], %swap3A_218 {strides = array<i32>} : memref<16x128xf32, #tpu.memory_space<vmem>>, vector<1x16xf32>,
      %mul3A_219 = arith.constant 16 : i32
      %mul3A_220 = arith.muli %add3A_79, %mul3A_219 : i32
      %add3A_221 = arith.constant 7 : i32
      %add3A_222 = arith.addi %mul3A_220, %add3A_221 : i32
      %mul3A_223 = arith.constant 2 : i32
      %mul3A_224 = arith.muli %mul3A_223, %add3A_79 : i32
      %add3A_225 = arith.constant 0 : i32
      %add3A_226 = arith.addi %mul3A_224, %add3A_225 : i32
      %slice3A_227 = vector.extract_strided_slice %mul3A_88 {offsets = [7], sizes = [1], strides = [1]} : vector<16xi32> to vector<1xi32>
      %squeeze3A_228 = vector.extract %slice3A_227[0] : i32 from vector<1xi32>
      %get3A_229 = arith.index_cast %add3A_222 : i32 to index
      %get3A_230 = arith.index_cast %squeeze3A_228 : i32 to index
      %get3A_231 = tpu.vector_load %arg15[%get3A_229, %get3A_230] {strides = array<i32>} : memref<128x128xf32, #tpu.memory_space<vmem>>, vector<1x16xf32>,
      %get3A_232 = vector.shape_cast %get3A_231 : vector<1x16xf32> to vector<16xf32>
      %swap3A_233 = arith.index_cast %add3A_226 : i32 to index
      %swap3A_234 = arith.constant 112 : index
      %swap3A_235 = tpu.vector_load %arg19[%swap3A_233, %swap3A_234] {strides = array<i32>} : memref<16x128xf32, #tpu.memory_space<vmem>>, vector<1x16xf32>,
      %swap3A_236 = vector.shape_cast %swap3A_235 : vector<1x16xf32> to vector<16xf32>
      %swap3A_237 = vector.shape_cast %get3A_232 : vector<16xf32> to vector<1x16xf32>
      tpu.vector_store %arg19[%swap3A_233, %swap3A_234], %swap3A_237 {strides = array<i32>} : memref<16x128xf32, #tpu.memory_space<vmem>>, vector<1x16xf32>,
      %mul3A_238 = arith.constant 16 : i32
      %mul3A_239 = arith.muli %add3A_79, %mul3A_238 : i32
      %add3A_240 = arith.constant 8 : i32
      %add3A_241 = arith.addi %mul3A_239, %add3A_240 : i32
      %mul3A_242 = arith.constant 2 : i32
      %mul3A_243 = arith.muli %mul3A_242, %add3A_79 : i32
      %add3A_244 = arith.constant 1 : i32
      %add3A_245 = arith.addi %mul3A_243, %add3A_244 : i32
      %slice3A_246 = vector.extract_strided_slice %mul3A_88 {offsets = [8], sizes = [1], strides = [1]} : vector<16xi32> to vector<1xi32>
      %squeeze3A_247 = vector.extract %slice3A_246[0] : i32 from vector<1xi32>
      %get3A_248 = arith.index_cast %add3A_241 : i32 to index
      %get3A_249 = arith.index_cast %squeeze3A_247 : i32 to index
      %get3A_250 = tpu.vector_load %arg15[%get3A_248, %get3A_249] {strides = array<i32>} : memref<128x128xf32, #tpu.memory_space<vmem>>, vector<1x16xf32>,
      %get3A_251 = vector.shape_cast %get3A_250 : vector<1x16xf32> to vector<16xf32>
      %swap3A_252 = arith.index_cast %add3A_245 : i32 to index
      %swap3A_253 = arith.constant 0 : index
      %swap3A_254 = tpu.vector_load %arg19[%swap3A_252, %swap3A_253] {strides = array<i32>} : memref<16x128xf32, #tpu.memory_space<vmem>>, vector<1x16xf32>,
      %swap3A_255 = vector.shape_cast %swap3A_254 : vector<1x16xf32> to vector<16xf32>
      %swap3A_256 = vector.shape_cast %get3A_251 : vector<16xf32> to vector<1x16xf32>
      tpu.vector_store %arg19[%swap3A_252, %swap3A_253], %swap3A_256 {strides = array<i32>} : memref<16x128xf32, #tpu.memory_space<vmem>>, vector<1x16xf32>,
      %mul3A_257 = arith.constant 16 : i32
      %mul3A_258 = arith.muli %add3A_79, %mul3A_257 : i32
      %add3A_259 = arith.constant 9 : i32
      %add3A_260 = arith.addi %mul3A_258, %add3A_259 : i32
      %mul3A_261 = arith.constant 2 : i32
      %mul3A_262 = arith.muli %mul3A_261, %add3A_79 : i32
      %add3A_263 = arith.constant 1 : i32
      %add3A_264 = arith.addi %mul3A_262, %add3A_263 : i32
      %slice3A_265 = vector.extract_strided_slice %mul3A_88 {offsets = [9], sizes = [1], strides = [1]} : vector<16xi32> to vector<1xi32>
      %squeeze3A_266 = vector.extract %slice3A_265[0] : i32 from vector<1xi32>
      %get3A_267 = arith.index_cast %add3A_260 : i32 to index
      %get3A_268 = arith.index_cast %squeeze3A_266 : i32 to index
      %get3A_269 = tpu.vector_load %arg15[%get3A_267, %get3A_268] {strides = array<i32>} : memref<128x128xf32, #tpu.memory_space<vmem>>, vector<1x16xf32>,
      %get3A_270 = vector.shape_cast %get3A_269 : vector<1x16xf32> to vector<16xf32>
      %swap3A_271 = arith.index_cast %add3A_264 : i32 to index
      %swap3A_272 = arith.constant 16 : index
      %swap3A_273 = tpu.vector_load %arg19[%swap3A_271, %swap3A_272] {strides = array<i32>} : memref<16x128xf32, #tpu.memory_space<vmem>>, vector<1x16xf32>,
      %swap3A_274 = vector.shape_cast %swap3A_273 : vector<1x16xf32> to vector<16xf32>
      %swap3A_275 = vector.shape_cast %get3A_270 : vector<16xf32> to vector<1x16xf32>
      tpu.vector_store %arg19[%swap3A_271, %swap3A_272], %swap3A_275 {strides = array<i32>} : memref<16x128xf32, #tpu.memory_space<vmem>>, vector<1x16xf32>,
      %mul3A_276 = arith.constant 16 : i32
      %mul3A_277 = arith.muli %add3A_79, %mul3A_276 : i32
      %add3A_278 = arith.constant 10 : i32
      %add3A_279 = arith.addi %mul3A_277, %add3A_278 : i32
      %mul3A_280 = arith.constant 2 : i32
      %mul3A_281 = arith.muli %mul3A_280, %add3A_79 : i32
      %add3A_282 = arith.constant 1 : i32
      %add3A_283 = arith.addi %mul3A_281, %add3A_282 : i32
      %slice3A_284 = vector.extract_strided_slice %mul3A_88 {offsets = [10], sizes = [1], strides = [1]} : vector<16xi32> to vector<1xi32>
      %squeeze3A_285 = vector.extract %slice3A_284[0] : i32 from vector<1xi32>
      %get3A_286 = arith.index_cast %add3A_279 : i32 to index
      %get3A_287 = arith.index_cast %squeeze3A_285 : i32 to index
      %get3A_288 = tpu.vector_load %arg15[%get3A_286, %get3A_287] {strides = array<i32>} : memref<128x128xf32, #tpu.memory_space<vmem>>, vector<1x16xf32>,
      %get3A_289 = vector.shape_cast %get3A_288 : vector<1x16xf32> to vector<16xf32>
      %swap3A_290 = arith.index_cast %add3A_283 : i32 to index
      %swap3A_291 = arith.constant 32 : index
      %swap3A_292 = tpu.vector_load %arg19[%swap3A_290, %swap3A_291] {strides = array<i32>} : memref<16x128xf32, #tpu.memory_space<vmem>>, vector<1x16xf32>,
      %swap3A_293 = vector.shape_cast %swap3A_292 : vector<1x16xf32> to vector<16xf32>
      %swap3A_294 = vector.shape_cast %get3A_289 : vector<16xf32> to vector<1x16xf32>
      tpu.vector_store %arg19[%swap3A_290, %swap3A_291], %swap3A_294 {strides = array<i32>} : memref<16x128xf32, #tpu.memory_space<vmem>>, vector<1x16xf32>,
      %mul3A_295 = arith.constant 16 : i32
      %mul3A_296 = arith.muli %add3A_79, %mul3A_295 : i32
      %add3A_297 = arith.constant 11 : i32
      %add3A_298 = arith.addi %mul3A_296, %add3A_297 : i32
      %mul3A_299 = arith.constant 2 : i32
      %mul3A_300 = arith.muli %mul3A_299, %add3A_79 : i32
      %add3A_301 = arith.constant 1 : i32
      %add3A_302 = arith.addi %mul3A_300, %add3A_301 : i32
      %slice3A_303 = vector.extract_strided_slice %mul3A_88 {offsets = [11], sizes = [1], strides = [1]} : vector<16xi32> to vector<1xi32>
      %squeeze3A_304 = vector.extract %slice3A_303[0] : i32 from vector<1xi32>
      %get3A_305 = arith.index_cast %add3A_298 : i32 to index
      %get3A_306 = arith.index_cast %squeeze3A_304 : i32 to index
      %get3A_307 = tpu.vector_load %arg15[%get3A_305, %get3A_306] {strides = array<i32>} : memref<128x128xf32, #tpu.memory_space<vmem>>, vector<1x16xf32>,
      %get3A_308 = vector.shape_cast %get3A_307 : vector<1x16xf32> to vector<16xf32>
      %swap3A_309 = arith.index_cast %add3A_302 : i32 to index
      %swap3A_310 = arith.constant 48 : index
      %swap3A_311 = tpu.vector_load %arg19[%swap3A_309, %swap3A_310] {strides = array<i32>} : memref<16x128xf32, #tpu.memory_space<vmem>>, vector<1x16xf32>,
      %swap3A_312 = vector.shape_cast %swap3A_311 : vector<1x16xf32> to vector<16xf32>
      %swap3A_313 = vector.shape_cast %get3A_308 : vector<16xf32> to vector<1x16xf32>
      tpu.vector_store %arg19[%swap3A_309, %swap3A_310], %swap3A_313 {strides = array<i32>} : memref<16x128xf32, #tpu.memory_space<vmem>>, vector<1x16xf32>,
      %mul3A_314 = arith.constant 16 : i32
      %mul3A_315 = arith.muli %add3A_79, %mul3A_314 : i32
      %add3A_316 = arith.constant 12 : i32
      %add3A_317 = arith.addi %mul3A_315, %add3A_316 : i32
      %mul3A_318 = arith.constant 2 : i32
      %mul3A_319 = arith.muli %mul3A_318, %add3A_79 : i32
      %add3A_320 = arith.constant 1 : i32
      %add3A_321 = arith.addi %mul3A_319, %add3A_320 : i32
      %slice3A_322 = vector.extract_strided_slice %mul3A_88 {offsets = [12], sizes = [1], strides = [1]} : vector<16xi32> to vector<1xi32>
      %squeeze3A_323 = vector.extract %slice3A_322[0] : i32 from vector<1xi32>
      %get3A_324 = arith.index_cast %add3A_317 : i32 to index
      %get3A_325 = arith.index_cast %squeeze3A_323 : i32 to index
      %get3A_326 = tpu.vector_load %arg15[%get3A_324, %get3A_325] {strides = array<i32>} : memref<128x128xf32, #tpu.memory_space<vmem>>, vector<1x16xf32>,
      %get3A_327 = vector.shape_cast %get3A_326 : vector<1x16xf32> to vector<16xf32>
      %swap3A_328 = arith.index_cast %add3A_321 : i32 to index
      %swap3A_329 = arith.constant 64 : index
      %swap3A_330 = tpu.vector_load %arg19[%swap3A_328, %swap3A_329] {strides = array<i32>} : memref<16x128xf32, #tpu.memory_space<vmem>>, vector<1x16xf32>,
      %swap3A_331 = vector.shape_cast %swap3A_330 : vector<1x16xf32> to vector<16xf32>
      %swap3A_332 = vector.shape_cast %get3A_327 : vector<16xf32> to vector<1x16xf32>
      tpu.vector_store %arg19[%swap3A_328, %swap3A_329], %swap3A_332 {strides = array<i32>} : memref<16x128xf32, #tpu.memory_space<vmem>>, vector<1x16xf32>,
      %mul3A_333 = arith.constant 16 : i32
      %mul3A_334 = arith.muli %add3A_79, %mul3A_333 : i32
      %add3A_335 = arith.constant 13 : i32
      %add3A_336 = arith.addi %mul3A_334, %add3A_335 : i32
      %mul3A_337 = arith.constant 2 : i32
      %mul3A_338 = arith.muli %mul3A_337, %add3A_79 : i32
      %add3A_339 = arith.constant 1 : i32
      %add3A_340 = arith.addi %mul3A_338, %add3A_339 : i32
      %slice3A_341 = vector.extract_strided_slice %mul3A_88 {offsets = [13], sizes = [1], strides = [1]} : vector<16xi32> to vector<1xi32>
      %squeeze3A_342 = vector.extract %slice3A_341[0] : i32 from vector<1xi32>
      %get3A_343 = arith.index_cast %add3A_336 : i32 to index
      %get3A_344 = arith.index_cast %squeeze3A_342 : i32 to index
      %get3A_345 = tpu.vector_load %arg15[%get3A_343, %get3A_344] {strides = array<i32>} : memref<128x128xf32, #tpu.memory_space<vmem>>, vector<1x16xf32>,
      %get3A_346 = vector.shape_cast %get3A_345 : vector<1x16xf32> to vector<16xf32>
      %swap3A_347 = arith.index_cast %add3A_340 : i32 to index
      %swap3A_348 = arith.constant 80 : index
      %swap3A_349 = tpu.vector_load %arg19[%swap3A_347, %swap3A_348] {strides = array<i32>} : memref<16x128xf32, #tpu.memory_space<vmem>>, vector<1x16xf32>,
      %swap3A_350 = vector.shape_cast %swap3A_349 : vector<1x16xf32> to vector<16xf32>
      %swap3A_351 = vector.shape_cast %get3A_346 : vector<16xf32> to vector<1x16xf32>
      tpu.vector_store %arg19[%swap3A_347, %swap3A_348], %swap3A_351 {strides = array<i32>} : memref<16x128xf32, #tpu.memory_space<vmem>>, vector<1x16xf32>,
      %mul3A_352 = arith.constant 16 : i32
      %mul3A_353 = arith.muli %add3A_79, %mul3A_352 : i32
      %add3A_354 = arith.constant 14 : i32
      %add3A_355 = arith.addi %mul3A_353, %add3A_354 : i32
      %mul3A_356 = arith.constant 2 : i32
      %mul3A_357 = arith.muli %mul3A_356, %add3A_79 : i32
      %add3A_358 = arith.constant 1 : i32
      %add3A_359 = arith.addi %mul3A_357, %add3A_358 : i32
      %slice3A_360 = vector.extract_strided_slice %mul3A_88 {offsets = [14], sizes = [1], strides = [1]} : vector<16xi32> to vector<1xi32>
      %squeeze3A_361 = vector.extract %slice3A_360[0] : i32 from vector<1xi32>
      %get3A_362 = arith.index_cast %add3A_355 : i32 to index
      %get3A_363 = arith.index_cast %squeeze3A_361 : i32 to index
      %get3A_364 = tpu.vector_load %arg15[%get3A_362, %get3A_363] {strides = array<i32>} : memref<128x128xf32, #tpu.memory_space<vmem>>, vector<1x16xf32>,
      %get3A_365 = vector.shape_cast %get3A_364 : vector<1x16xf32> to vector<16xf32>
      %swap3A_366 = arith.index_cast %add3A_359 : i32 to index
      %swap3A_367 = arith.constant 96 : index
      %swap3A_368 = tpu.vector_load %arg19[%swap3A_366, %swap3A_367] {strides = array<i32>} : memref<16x128xf32, #tpu.memory_space<vmem>>, vector<1x16xf32>,
      %swap3A_369 = vector.shape_cast %swap3A_368 : vector<1x16xf32> to vector<16xf32>
      %swap3A_370 = vector.shape_cast %get3A_365 : vector<16xf32> to vector<1x16xf32>
      tpu.vector_store %arg19[%swap3A_366, %swap3A_367], %swap3A_370 {strides = array<i32>} : memref<16x128xf32, #tpu.memory_space<vmem>>, vector<1x16xf32>,
      %mul3A_371 = arith.constant 16 : i32
      %mul3A_372 = arith.muli %add3A_79, %mul3A_371 : i32
      %add3A_373 = arith.constant 15 : i32
      %add3A_374 = arith.addi %mul3A_372, %add3A_373 : i32
      %mul3A_375 = arith.constant 2 : i32
      %mul3A_376 = arith.muli %mul3A_375, %add3A_79 : i32
      %add3A_377 = arith.constant 1 : i32
      %add3A_378 = arith.addi %mul3A_376, %add3A_377 : i32
      %slice3A_379 = vector.extract_strided_slice %mul3A_88 {offsets = [15], sizes = [1], strides = [1]} : vector<16xi32> to vector<1xi32>
      %squeeze3A_380 = vector.extract %slice3A_379[0] : i32 from vector<1xi32>
      %get3A_381 = arith.index_cast %add3A_374 : i32 to index
      %get3A_382 = arith.index_cast %squeeze3A_380 : i32 to index
      %get3A_383 = tpu.vector_load %arg15[%get3A_381, %get3A_382] {strides = array<i32>} : memref<128x128xf32, #tpu.memory_space<vmem>>, vector<1x16xf32>,
      %get3A_384 = vector.shape_cast %get3A_383 : vector<1x16xf32> to vector<16xf32>
      %swap3A_385 = arith.index_cast %add3A_378 : i32 to index
      %swap3A_386 = arith.constant 112 : index
      %swap3A_387 = tpu.vector_load %arg19[%swap3A_385, %swap3A_386] {strides = array<i32>} : memref<16x128xf32, #tpu.memory_space<vmem>>, vector<1x16xf32>,
      %swap3A_388 = vector.shape_cast %swap3A_387 : vector<1x16xf32> to vector<16xf32>
      %swap3A_389 = vector.shape_cast %get3A_384 : vector<16xf32> to vector<1x16xf32>
      tpu.vector_store %arg19[%swap3A_385, %swap3A_386], %swap3A_389 {strides = array<i32>} : memref<16x128xf32, #tpu.memory_space<vmem>>, vector<1x16xf32>,
    }
    %scan3A_30 = arith.constant 8 : i32
    %add3A_31 = arith.constant 12768 : i32
    %add3A_32 = arith.addi %mul3A_4, %add3A_31 : i32
    %dma_start3A_33 = arith.constant 0 : i32
    %dma_start3A_34 = tpu.memref_slice %arg4[%add3A_32, %dma_start3A_33] : memref<409600x128xf32, #tpu.memory_space<hbm>> -> memref<16x128xf32, #tpu.memory_space<hbm>>
    %dma_start3A_35 = arith.constant 0 : i32
    %dma_start3A_36 = tpu.memref_slice %arg4[%add3A_32, %dma_start3A_35] : memref<409600x128xf32, #tpu.memory_space<hbm>> -> memref<16x128xf32, #tpu.memory_space<hbm>>
    tpu.enqueue_dma source(%arg19 : memref<16x128xf32, #tpu.memory_space<vmem>>) target(%dma_start3A_36 : memref<16x128xf32, #tpu.memory_space<hbm>>) target_semaphore(%arg31 : memref<!tpu.dma_semaphore, #tpu.memory_space<semaphore_mem>>)
    %dma_wait3A_37 = arith.constant 0 : i32
    %dma_wait3A_38 = arith.constant 0 : i32
    %dma_wait3A_39 = tpu.memref_slice %arg2[%dma_wait3A_37, %dma_wait3A_38] : memref<125000x128xf32, #tpu.memory_space<hbm>> -> memref<125000x128xf32, #tpu.memory_space<hbm>>
    tpu.wait_indirect_dma semaphore(%arg28 : memref<!tpu.dma_semaphore, #tpu.memory_space<semaphore_mem>>) src(%dma_wait3A_39 : memref<125000x128xf32, #tpu.memory_space<hbm>>) dst(%arg16 : memref<128x128xf32, #tpu.memory_space<vmem>>)
    %scan3A_40 = arith.constant 0 : i32
    %scan3A_41 = arith.constant 8 : i32
    %scan3A_42 = arith.addi %scan3A_40, %scan3A_41 : i32
    %scan3A_43 = arith.constant 1 : i32
    scf.for %scan3A_75 = %scan3A_40 to %scan3A_42 step %scan3A_43  : i32 {
      %mul3A_76 = arith.constant 1 : i32
      %mul3A_77 = arith.muli %scan3A_75, %mul3A_76 : i32
      %add3A_78 = arith.constant 0 : i32
      %add3A_79 = arith.addi %add3A_78, %mul3A_77 : i32
      %mul3A_80 = arith.constant 16 : i32
      %mul3A_81 = arith.muli %add3A_79, %mul3A_80 : i32
      %get3A = arith.index_cast %mul3A_81 : i32 to index
      %get3A_82 = tpu.vector_load %arg8[%get3A] {strides = array<i32>} : memref<128xi32, #tpu.memory_space<vmem>>, vector<16xi32>,
      %get3A_83 = vector.shape_cast %get3A_82 : vector<16xi32> to vector<16xi32>
      %and3A = arith.constant 7 : i32
      %and3A_84 = vector.broadcast %and3A : i32 to vector<16xi32>
      %and3A_85 = arith.andi %get3A_83, %and3A_84 : vector<16xi32>
      %mul3A_86 = arith.constant 16 : i32
      %mul3A_87 = vector.broadcast %mul3A_86 : i32 to vector<16xi32>
      %mul3A_88 = arith.muli %and3A_85, %mul3A_87 : vector<16xi32>
      %mul3A_89 = arith.constant 16 : i32
      %mul3A_90 = arith.muli %add3A_79, %mul3A_89 : i32
      %add3A_91 = arith.constant 0 : i32
      %add3A_92 = arith.addi %mul3A_90, %add3A_91 : i32
      %mul3A_93 = arith.constant 2 : i32
      %mul3A_94 = arith.muli %mul3A_93, %add3A_79 : i32
      %add3A_95 = arith.constant 0 : i32
      %add3A_96 = arith.addi %mul3A_94, %add3A_95 : i32
      %slice3A = vector.extract_strided_slice %mul3A_88 {offsets = [0], sizes = [1], strides = [1]} : vector<16xi32> to vector<1xi32>
      %squeeze3A = vector.extract %slice3A[0] : i32 from vector<1xi32>
      %get3A_97 = arith.index_cast %add3A_92 : i32 to index
      %get3A_98 = arith.index_cast %squeeze3A : i32 to index
      %get3A_99 = tpu.vector_load %arg16[%get3A_97, %get3A_98] {strides = array<i32>} : memref<128x128xf32, #tpu.memory_space<vmem>>, vector<1x16xf32>,
      %get3A_100 = vector.shape_cast %get3A_99 : vector<1x16xf32> to vector<16xf32>
      %swap3A = arith.index_cast %add3A_96 : i32 to index
      %swap3A_101 = arith.constant 0 : index
      %swap3A_102 = tpu.vector_load %arg20[%swap3A, %swap3A_101] {strides = array<i32>} : memref<16x128xf32, #tpu.memory_space<vmem>>, vector<1x16xf32>,
      %swap3A_103 = vector.shape_cast %swap3A_102 : vector<1x16xf32> to vector<16xf32>
      %swap3A_104 = vector.shape_cast %get3A_100 : vector<16xf32> to vector<1x16xf32>
      tpu.vector_store %arg20[%swap3A, %swap3A_101], %swap3A_104 {strides = array<i32>} : memref<16x128xf32, #tpu.memory_space<vmem>>, vector<1x16xf32>,
      %mul3A_105 = arith.constant 16 : i32
      %mul3A_106 = arith.muli %add3A_79, %mul3A_105 : i32
      %add3A_107 = arith.constant 1 : i32
      %add3A_108 = arith.addi %mul3A_106, %add3A_107 : i32
      %mul3A_109 = arith.constant 2 : i32
      %mul3A_110 = arith.muli %mul3A_109, %add3A_79 : i32
      %add3A_111 = arith.constant 0 : i32
      %add3A_112 = arith.addi %mul3A_110, %add3A_111 : i32
      %slice3A_113 = vector.extract_strided_slice %mul3A_88 {offsets = [1], sizes = [1], strides = [1]} : vector<16xi32> to vector<1xi32>
      %squeeze3A_114 = vector.extract %slice3A_113[0] : i32 from vector<1xi32>
      %get3A_115 = arith.index_cast %add3A_108 : i32 to index
      %get3A_116 = arith.index_cast %squeeze3A_114 : i32 to index
      %get3A_117 = tpu.vector_load %arg16[%get3A_115, %get3A_116] {strides = array<i32>} : memref<128x128xf32, #tpu.memory_space<vmem>>, vector<1x16xf32>,
      %get3A_118 = vector.shape_cast %get3A_117 : vector<1x16xf32> to vector<16xf32>
      %swap3A_119 = arith.index_cast %add3A_112 : i32 to index
      %swap3A_120 = arith.constant 16 : index
      %swap3A_121 = tpu.vector_load %arg20[%swap3A_119, %swap3A_120] {strides = array<i32>} : memref<16x128xf32, #tpu.memory_space<vmem>>, vector<1x16xf32>,
      %swap3A_122 = vector.shape_cast %swap3A_121 : vector<1x16xf32> to vector<16xf32>
      %swap3A_123 = vector.shape_cast %get3A_118 : vector<16xf32> to vector<1x16xf32>
      tpu.vector_store %arg20[%swap3A_119, %swap3A_120], %swap3A_123 {strides = array<i32>} : memref<16x128xf32, #tpu.memory_space<vmem>>, vector<1x16xf32>,
      %mul3A_124 = arith.constant 16 : i32
      %mul3A_125 = arith.muli %add3A_79, %mul3A_124 : i32
      %add3A_126 = arith.constant 2 : i32
      %add3A_127 = arith.addi %mul3A_125, %add3A_126 : i32
      %mul3A_128 = arith.constant 2 : i32
      %mul3A_129 = arith.muli %mul3A_128, %add3A_79 : i32
      %add3A_130 = arith.constant 0 : i32
      %add3A_131 = arith.addi %mul3A_129, %add3A_130 : i32
      %slice3A_132 = vector.extract_strided_slice %mul3A_88 {offsets = [2], sizes = [1], strides = [1]} : vector<16xi32> to vector<1xi32>
      %squeeze3A_133 = vector.extract %slice3A_132[0] : i32 from vector<1xi32>
      %get3A_134 = arith.index_cast %add3A_127 : i32 to index
      %get3A_135 = arith.index_cast %squeeze3A_133 : i32 to index
      %get3A_136 = tpu.vector_load %arg16[%get3A_134, %get3A_135] {strides = array<i32>} : memref<128x128xf32, #tpu.memory_space<vmem>>, vector<1x16xf32>,
      %get3A_137 = vector.shape_cast %get3A_136 : vector<1x16xf32> to vector<16xf32>
      %swap3A_138 = arith.index_cast %add3A_131 : i32 to index
      %swap3A_139 = arith.constant 32 : index
      %swap3A_140 = tpu.vector_load %arg20[%swap3A_138, %swap3A_139] {strides = array<i32>} : memref<16x128xf32, #tpu.memory_space<vmem>>, vector<1x16xf32>,
      %swap3A_141 = vector.shape_cast %swap3A_140 : vector<1x16xf32> to vector<16xf32>
      %swap3A_142 = vector.shape_cast %get3A_137 : vector<16xf32> to vector<1x16xf32>
      tpu.vector_store %arg20[%swap3A_138, %swap3A_139], %swap3A_142 {strides = array<i32>} : memref<16x128xf32, #tpu.memory_space<vmem>>, vector<1x16xf32>,
      %mul3A_143 = arith.constant 16 : i32
      %mul3A_144 = arith.muli %add3A_79, %mul3A_143 : i32
      %add3A_145 = arith.constant 3 : i32
      %add3A_146 = arith.addi %mul3A_144, %add3A_145 : i32
      %mul3A_147 = arith.constant 2 : i32
      %mul3A_148 = arith.muli %mul3A_147, %add3A_79 : i32
      %add3A_149 = arith.constant 0 : i32
      %add3A_150 = arith.addi %mul3A_148, %add3A_149 : i32
      %slice3A_151 = vector.extract_strided_slice %mul3A_88 {offsets = [3], sizes = [1], strides = [1]} : vector<16xi32> to vector<1xi32>
      %squeeze3A_152 = vector.extract %slice3A_151[0] : i32 from vector<1xi32>
      %get3A_153 = arith.index_cast %add3A_146 : i32 to index
      %get3A_154 = arith.index_cast %squeeze3A_152 : i32 to index
      %get3A_155 = tpu.vector_load %arg16[%get3A_153, %get3A_154] {strides = array<i32>} : memref<128x128xf32, #tpu.memory_space<vmem>>, vector<1x16xf32>,
      %get3A_156 = vector.shape_cast %get3A_155 : vector<1x16xf32> to vector<16xf32>
      %swap3A_157 = arith.index_cast %add3A_150 : i32 to index
      %swap3A_158 = arith.constant 48 : index
      %swap3A_159 = tpu.vector_load %arg20[%swap3A_157, %swap3A_158] {strides = array<i32>} : memref<16x128xf32, #tpu.memory_space<vmem>>, vector<1x16xf32>,
      %swap3A_160 = vector.shape_cast %swap3A_159 : vector<1x16xf32> to vector<16xf32>
      %swap3A_161 = vector.shape_cast %get3A_156 : vector<16xf32> to vector<1x16xf32>
      tpu.vector_store %arg20[%swap3A_157, %swap3A_158], %swap3A_161 {strides = array<i32>} : memref<16x128xf32, #tpu.memory_space<vmem>>, vector<1x16xf32>,
      %mul3A_162 = arith.constant 16 : i32
      %mul3A_163 = arith.muli %add3A_79, %mul3A_162 : i32
      %add3A_164 = arith.constant 4 : i32
      %add3A_165 = arith.addi %mul3A_163, %add3A_164 : i32
      %mul3A_166 = arith.constant 2 : i32
      %mul3A_167 = arith.muli %mul3A_166, %add3A_79 : i32
      %add3A_168 = arith.constant 0 : i32
      %add3A_169 = arith.addi %mul3A_167, %add3A_168 : i32
      %slice3A_170 = vector.extract_strided_slice %mul3A_88 {offsets = [4], sizes = [1], strides = [1]} : vector<16xi32> to vector<1xi32>
      %squeeze3A_171 = vector.extract %slice3A_170[0] : i32 from vector<1xi32>
      %get3A_172 = arith.index_cast %add3A_165 : i32 to index
      %get3A_173 = arith.index_cast %squeeze3A_171 : i32 to index
      %get3A_174 = tpu.vector_load %arg16[%get3A_172, %get3A_173] {strides = array<i32>} : memref<128x128xf32, #tpu.memory_space<vmem>>, vector<1x16xf32>,
      %get3A_175 = vector.shape_cast %get3A_174 : vector<1x16xf32> to vector<16xf32>
      %swap3A_176 = arith.index_cast %add3A_169 : i32 to index
      %swap3A_177 = arith.constant 64 : index
      %swap3A_178 = tpu.vector_load %arg20[%swap3A_176, %swap3A_177] {strides = array<i32>} : memref<16x128xf32, #tpu.memory_space<vmem>>, vector<1x16xf32>,
      %swap3A_179 = vector.shape_cast %swap3A_178 : vector<1x16xf32> to vector<16xf32>
      %swap3A_180 = vector.shape_cast %get3A_175 : vector<16xf32> to vector<1x16xf32>
      tpu.vector_store %arg20[%swap3A_176, %swap3A_177], %swap3A_180 {strides = array<i32>} : memref<16x128xf32, #tpu.memory_space<vmem>>, vector<1x16xf32>,
      %mul3A_181 = arith.constant 16 : i32
      %mul3A_182 = arith.muli %add3A_79, %mul3A_181 : i32
      %add3A_183 = arith.constant 5 : i32
      %add3A_184 = arith.addi %mul3A_182, %add3A_183 : i32
      %mul3A_185 = arith.constant 2 : i32
      %mul3A_186 = arith.muli %mul3A_185, %add3A_79 : i32
      %add3A_187 = arith.constant 0 : i32
      %add3A_188 = arith.addi %mul3A_186, %add3A_187 : i32
      %slice3A_189 = vector.extract_strided_slice %mul3A_88 {offsets = [5], sizes = [1], strides = [1]} : vector<16xi32> to vector<1xi32>
      %squeeze3A_190 = vector.extract %slice3A_189[0] : i32 from vector<1xi32>
      %get3A_191 = arith.index_cast %add3A_184 : i32 to index
      %get3A_192 = arith.index_cast %squeeze3A_190 : i32 to index
      %get3A_193 = tpu.vector_load %arg16[%get3A_191, %get3A_192] {strides = array<i32>} : memref<128x128xf32, #tpu.memory_space<vmem>>, vector<1x16xf32>,
      %get3A_194 = vector.shape_cast %get3A_193 : vector<1x16xf32> to vector<16xf32>
      %swap3A_195 = arith.index_cast %add3A_188 : i32 to index
      %swap3A_196 = arith.constant 80 : index
      %swap3A_197 = tpu.vector_load %arg20[%swap3A_195, %swap3A_196] {strides = array<i32>} : memref<16x128xf32, #tpu.memory_space<vmem>>, vector<1x16xf32>,
      %swap3A_198 = vector.shape_cast %swap3A_197 : vector<1x16xf32> to vector<16xf32>
      %swap3A_199 = vector.shape_cast %get3A_194 : vector<16xf32> to vector<1x16xf32>
      tpu.vector_store %arg20[%swap3A_195, %swap3A_196], %swap3A_199 {strides = array<i32>} : memref<16x128xf32, #tpu.memory_space<vmem>>, vector<1x16xf32>,
      %mul3A_200 = arith.constant 16 : i32
      %mul3A_201 = arith.muli %add3A_79, %mul3A_200 : i32
      %add3A_202 = arith.constant 6 : i32
      %add3A_203 = arith.addi %mul3A_201, %add3A_202 : i32
      %mul3A_204 = arith.constant 2 : i32
      %mul3A_205 = arith.muli %mul3A_204, %add3A_79 : i32
      %add3A_206 = arith.constant 0 : i32
      %add3A_207 = arith.addi %mul3A_205, %add3A_206 : i32
      %slice3A_208 = vector.extract_strided_slice %mul3A_88 {offsets = [6], sizes = [1], strides = [1]} : vector<16xi32> to vector<1xi32>
      %squeeze3A_209 = vector.extract %slice3A_208[0] : i32 from vector<1xi32>
      %get3A_210 = arith.index_cast %add3A_203 : i32 to index
      %get3A_211 = arith.index_cast %squeeze3A_209 : i32 to index
      %get3A_212 = tpu.vector_load %arg16[%get3A_210, %get3A_211] {strides = array<i32>} : memref<128x128xf32, #tpu.memory_space<vmem>>, vector<1x16xf32>,
      %get3A_213 = vector.shape_cast %get3A_212 : vector<1x16xf32> to vector<16xf32>
      %swap3A_214 = arith.index_cast %add3A_207 : i32 to index
      %swap3A_215 = arith.constant 96 : index
      %swap3A_216 = tpu.vector_load %arg20[%swap3A_214, %swap3A_215] {strides = array<i32>} : memref<16x128xf32, #tpu.memory_space<vmem>>, vector<1x16xf32>,
      %swap3A_217 = vector.shape_cast %swap3A_216 : vector<1x16xf32> to vector<16xf32>
      %swap3A_218 = vector.shape_cast %get3A_213 : vector<16xf32> to vector<1x16xf32>
      tpu.vector_store %arg20[%swap3A_214, %swap3A_215], %swap3A_218 {strides = array<i32>} : memref<16x128xf32, #tpu.memory_space<vmem>>, vector<1x16xf32>,
      %mul3A_219 = arith.constant 16 : i32
      %mul3A_220 = arith.muli %add3A_79, %mul3A_219 : i32
      %add3A_221 = arith.constant 7 : i32
      %add3A_222 = arith.addi %mul3A_220, %add3A_221 : i32
      %mul3A_223 = arith.constant 2 : i32
      %mul3A_224 = arith.muli %mul3A_223, %add3A_79 : i32
      %add3A_225 = arith.constant 0 : i32
      %add3A_226 = arith.addi %mul3A_224, %add3A_225 : i32
      %slice3A_227 = vector.extract_strided_slice %mul3A_88 {offsets = [7], sizes = [1], strides = [1]} : vector<16xi32> to vector<1xi32>
      %squeeze3A_228 = vector.extract %slice3A_227[0] : i32 from vector<1xi32>
      %get3A_229 = arith.index_cast %add3A_222 : i32 to index
      %get3A_230 = arith.index_cast %squeeze3A_228 : i32 to index
      %get3A_231 = tpu.vector_load %arg16[%get3A_229, %get3A_230] {strides = array<i32>} : memref<128x128xf32, #tpu.memory_space<vmem>>, vector<1x16xf32>,
      %get3A_232 = vector.shape_cast %get3A_231 : vector<1x16xf32> to vector<16xf32>
      %swap3A_233 = arith.index_cast %add3A_226 : i32 to index
      %swap3A_234 = arith.constant 112 : index
      %swap3A_235 = tpu.vector_load %arg20[%swap3A_233, %swap3A_234] {strides = array<i32>} : memref<16x128xf32, #tpu.memory_space<vmem>>, vector<1x16xf32>,
      %swap3A_236 = vector.shape_cast %swap3A_235 : vector<1x16xf32> to vector<16xf32>
      %swap3A_237 = vector.shape_cast %get3A_232 : vector<16xf32> to vector<1x16xf32>
      tpu.vector_store %arg20[%swap3A_233, %swap3A_234], %swap3A_237 {strides = array<i32>} : memref<16x128xf32, #tpu.memory_space<vmem>>, vector<1x16xf32>,
      %mul3A_238 = arith.constant 16 : i32
      %mul3A_239 = arith.muli %add3A_79, %mul3A_238 : i32
      %add3A_240 = arith.constant 8 : i32
      %add3A_241 = arith.addi %mul3A_239, %add3A_240 : i32
      %mul3A_242 = arith.constant 2 : i32
      %mul3A_243 = arith.muli %mul3A_242, %add3A_79 : i32
      %add3A_244 = arith.constant 1 : i32
      %add3A_245 = arith.addi %mul3A_243, %add3A_244 : i32
      %slice3A_246 = vector.extract_strided_slice %mul3A_88 {offsets = [8], sizes = [1], strides = [1]} : vector<16xi32> to vector<1xi32>
      %squeeze3A_247 = vector.extract %slice3A_246[0] : i32 from vector<1xi32>
      %get3A_248 = arith.index_cast %add3A_241 : i32 to index
      %get3A_249 = arith.index_cast %squeeze3A_247 : i32 to index
      %get3A_250 = tpu.vector_load %arg16[%get3A_248, %get3A_249] {strides = array<i32>} : memref<128x128xf32, #tpu.memory_space<vmem>>, vector<1x16xf32>,
      %get3A_251 = vector.shape_cast %get3A_250 : vector<1x16xf32> to vector<16xf32>
      %swap3A_252 = arith.index_cast %add3A_245 : i32 to index
      %swap3A_253 = arith.constant 0 : index
      %swap3A_254 = tpu.vector_load %arg20[%swap3A_252, %swap3A_253] {strides = array<i32>} : memref<16x128xf32, #tpu.memory_space<vmem>>, vector<1x16xf32>,
      %swap3A_255 = vector.shape_cast %swap3A_254 : vector<1x16xf32> to vector<16xf32>
      %swap3A_256 = vector.shape_cast %get3A_251 : vector<16xf32> to vector<1x16xf32>
      tpu.vector_store %arg20[%swap3A_252, %swap3A_253], %swap3A_256 {strides = array<i32>} : memref<16x128xf32, #tpu.memory_space<vmem>>, vector<1x16xf32>,
      %mul3A_257 = arith.constant 16 : i32
      %mul3A_258 = arith.muli %add3A_79, %mul3A_257 : i32
      %add3A_259 = arith.constant 9 : i32
      %add3A_260 = arith.addi %mul3A_258, %add3A_259 : i32
      %mul3A_261 = arith.constant 2 : i32
      %mul3A_262 = arith.muli %mul3A_261, %add3A_79 : i32
      %add3A_263 = arith.constant 1 : i32
      %add3A_264 = arith.addi %mul3A_262, %add3A_263 : i32
      %slice3A_265 = vector.extract_strided_slice %mul3A_88 {offsets = [9], sizes = [1], strides = [1]} : vector<16xi32> to vector<1xi32>
      %squeeze3A_266 = vector.extract %slice3A_265[0] : i32 from vector<1xi32>
      %get3A_267 = arith.index_cast %add3A_260 : i32 to index
      %get3A_268 = arith.index_cast %squeeze3A_266 : i32 to index
      %get3A_269 = tpu.vector_load %arg16[%get3A_267, %get3A_268] {strides = array<i32>} : memref<128x128xf32, #tpu.memory_space<vmem>>, vector<1x16xf32>,
      %get3A_270 = vector.shape_cast %get3A_269 : vector<1x16xf32> to vector<16xf32>
      %swap3A_271 = arith.index_cast %add3A_264 : i32 to index
      %swap3A_272 = arith.constant 16 : index
      %swap3A_273 = tpu.vector_load %arg20[%swap3A_271, %swap3A_272] {strides = array<i32>} : memref<16x128xf32, #tpu.memory_space<vmem>>, vector<1x16xf32>,
      %swap3A_274 = vector.shape_cast %swap3A_273 : vector<1x16xf32> to vector<16xf32>
      %swap3A_275 = vector.shape_cast %get3A_270 : vector<16xf32> to vector<1x16xf32>
      tpu.vector_store %arg20[%swap3A_271, %swap3A_272], %swap3A_275 {strides = array<i32>} : memref<16x128xf32, #tpu.memory_space<vmem>>, vector<1x16xf32>,
      %mul3A_276 = arith.constant 16 : i32
      %mul3A_277 = arith.muli %add3A_79, %mul3A_276 : i32
      %add3A_278 = arith.constant 10 : i32
      %add3A_279 = arith.addi %mul3A_277, %add3A_278 : i32
      %mul3A_280 = arith.constant 2 : i32
      %mul3A_281 = arith.muli %mul3A_280, %add3A_79 : i32
      %add3A_282 = arith.constant 1 : i32
      %add3A_283 = arith.addi %mul3A_281, %add3A_282 : i32
      %slice3A_284 = vector.extract_strided_slice %mul3A_88 {offsets = [10], sizes = [1], strides = [1]} : vector<16xi32> to vector<1xi32>
      %squeeze3A_285 = vector.extract %slice3A_284[0] : i32 from vector<1xi32>
      %get3A_286 = arith.index_cast %add3A_279 : i32 to index
      %get3A_287 = arith.index_cast %squeeze3A_285 : i32 to index
      %get3A_288 = tpu.vector_load %arg16[%get3A_286, %get3A_287] {strides = array<i32>} : memref<128x128xf32, #tpu.memory_space<vmem>>, vector<1x16xf32>,
      %get3A_289 = vector.shape_cast %get3A_288 : vector<1x16xf32> to vector<16xf32>
      %swap3A_290 = arith.index_cast %add3A_283 : i32 to index
      %swap3A_291 = arith.constant 32 : index
      %swap3A_292 = tpu.vector_load %arg20[%swap3A_290, %swap3A_291] {strides = array<i32>} : memref<16x128xf32, #tpu.memory_space<vmem>>, vector<1x16xf32>,
      %swap3A_293 = vector.shape_cast %swap3A_292 : vector<1x16xf32> to vector<16xf32>
      %swap3A_294 = vector.shape_cast %get3A_289 : vector<16xf32> to vector<1x16xf32>
      tpu.vector_store %arg20[%swap3A_290, %swap3A_291], %swap3A_294 {strides = array<i32>} : memref<16x128xf32, #tpu.memory_space<vmem>>, vector<1x16xf32>,
      %mul3A_295 = arith.constant 16 : i32
      %mul3A_296 = arith.muli %add3A_79, %mul3A_295 : i32
      %add3A_297 = arith.constant 11 : i32
      %add3A_298 = arith.addi %mul3A_296, %add3A_297 : i32
      %mul3A_299 = arith.constant 2 : i32
      %mul3A_300 = arith.muli %mul3A_299, %add3A_79 : i32
      %add3A_301 = arith.constant 1 : i32
      %add3A_302 = arith.addi %mul3A_300, %add3A_301 : i32
      %slice3A_303 = vector.extract_strided_slice %mul3A_88 {offsets = [11], sizes = [1], strides = [1]} : vector<16xi32> to vector<1xi32>
      %squeeze3A_304 = vector.extract %slice3A_303[0] : i32 from vector<1xi32>
      %get3A_305 = arith.index_cast %add3A_298 : i32 to index
      %get3A_306 = arith.index_cast %squeeze3A_304 : i32 to index
      %get3A_307 = tpu.vector_load %arg16[%get3A_305, %get3A_306] {strides = array<i32>} : memref<128x128xf32, #tpu.memory_space<vmem>>, vector<1x16xf32>,
      %get3A_308 = vector.shape_cast %get3A_307 : vector<1x16xf32> to vector<16xf32>
      %swap3A_309 = arith.index_cast %add3A_302 : i32 to index
      %swap3A_310 = arith.constant 48 : index
      %swap3A_311 = tpu.vector_load %arg20[%swap3A_309, %swap3A_310] {strides = array<i32>} : memref<16x128xf32, #tpu.memory_space<vmem>>, vector<1x16xf32>,
      %swap3A_312 = vector.shape_cast %swap3A_311 : vector<1x16xf32> to vector<16xf32>
      %swap3A_313 = vector.shape_cast %get3A_308 : vector<16xf32> to vector<1x16xf32>
      tpu.vector_store %arg20[%swap3A_309, %swap3A_310], %swap3A_313 {strides = array<i32>} : memref<16x128xf32, #tpu.memory_space<vmem>>, vector<1x16xf32>,
      %mul3A_314 = arith.constant 16 : i32
      %mul3A_315 = arith.muli %add3A_79, %mul3A_314 : i32
      %add3A_316 = arith.constant 12 : i32
      %add3A_317 = arith.addi %mul3A_315, %add3A_316 : i32
      %mul3A_318 = arith.constant 2 : i32
      %mul3A_319 = arith.muli %mul3A_318, %add3A_79 : i32
      %add3A_320 = arith.constant 1 : i32
      %add3A_321 = arith.addi %mul3A_319, %add3A_320 : i32
      %slice3A_322 = vector.extract_strided_slice %mul3A_88 {offsets = [12], sizes = [1], strides = [1]} : vector<16xi32> to vector<1xi32>
      %squeeze3A_323 = vector.extract %slice3A_322[0] : i32 from vector<1xi32>
      %get3A_324 = arith.index_cast %add3A_317 : i32 to index
      %get3A_325 = arith.index_cast %squeeze3A_323 : i32 to index
      %get3A_326 = tpu.vector_load %arg16[%get3A_324, %get3A_325] {strides = array<i32>} : memref<128x128xf32, #tpu.memory_space<vmem>>, vector<1x16xf32>,
      %get3A_327 = vector.shape_cast %get3A_326 : vector<1x16xf32> to vector<16xf32>
      %swap3A_328 = arith.index_cast %add3A_321 : i32 to index
      %swap3A_329 = arith.constant 64 : index
      %swap3A_330 = tpu.vector_load %arg20[%swap3A_328, %swap3A_329] {strides = array<i32>} : memref<16x128xf32, #tpu.memory_space<vmem>>, vector<1x16xf32>,
      %swap3A_331 = vector.shape_cast %swap3A_330 : vector<1x16xf32> to vector<16xf32>
      %swap3A_332 = vector.shape_cast %get3A_327 : vector<16xf32> to vector<1x16xf32>
      tpu.vector_store %arg20[%swap3A_328, %swap3A_329], %swap3A_332 {strides = array<i32>} : memref<16x128xf32, #tpu.memory_space<vmem>>, vector<1x16xf32>,
      %mul3A_333 = arith.constant 16 : i32
      %mul3A_334 = arith.muli %add3A_79, %mul3A_333 : i32
      %add3A_335 = arith.constant 13 : i32
      %add3A_336 = arith.addi %mul3A_334, %add3A_335 : i32
      %mul3A_337 = arith.constant 2 : i32
      %mul3A_338 = arith.muli %mul3A_337, %add3A_79 : i32
      %add3A_339 = arith.constant 1 : i32
      %add3A_340 = arith.addi %mul3A_338, %add3A_339 : i32
      %slice3A_341 = vector.extract_strided_slice %mul3A_88 {offsets = [13], sizes = [1], strides = [1]} : vector<16xi32> to vector<1xi32>
      %squeeze3A_342 = vector.extract %slice3A_341[0] : i32 from vector<1xi32>
      %get3A_343 = arith.index_cast %add3A_336 : i32 to index
      %get3A_344 = arith.index_cast %squeeze3A_342 : i32 to index
      %get3A_345 = tpu.vector_load %arg16[%get3A_343, %get3A_344] {strides = array<i32>} : memref<128x128xf32, #tpu.memory_space<vmem>>, vector<1x16xf32>,
      %get3A_346 = vector.shape_cast %get3A_345 : vector<1x16xf32> to vector<16xf32>
      %swap3A_347 = arith.index_cast %add3A_340 : i32 to index
      %swap3A_348 = arith.constant 80 : index
      %swap3A_349 = tpu.vector_load %arg20[%swap3A_347, %swap3A_348] {strides = array<i32>} : memref<16x128xf32, #tpu.memory_space<vmem>>, vector<1x16xf32>,
      %swap3A_350 = vector.shape_cast %swap3A_349 : vector<1x16xf32> to vector<16xf32>
      %swap3A_351 = vector.shape_cast %get3A_346 : vector<16xf32> to vector<1x16xf32>
      tpu.vector_store %arg20[%swap3A_347, %swap3A_348], %swap3A_351 {strides = array<i32>} : memref<16x128xf32, #tpu.memory_space<vmem>>, vector<1x16xf32>,
      %mul3A_352 = arith.constant 16 : i32
      %mul3A_353 = arith.muli %add3A_79, %mul3A_352 : i32
      %add3A_354 = arith.constant 14 : i32
      %add3A_355 = arith.addi %mul3A_353, %add3A_354 : i32
      %mul3A_356 = arith.constant 2 : i32
      %mul3A_357 = arith.muli %mul3A_356, %add3A_79 : i32
      %add3A_358 = arith.constant 1 : i32
      %add3A_359 = arith.addi %mul3A_357, %add3A_358 : i32
      %slice3A_360 = vector.extract_strided_slice %mul3A_88 {offsets = [14], sizes = [1], strides = [1]} : vector<16xi32> to vector<1xi32>
      %squeeze3A_361 = vector.extract %slice3A_360[0] : i32 from vector<1xi32>
      %get3A_362 = arith.index_cast %add3A_355 : i32 to index
      %get3A_363 = arith.index_cast %squeeze3A_361 : i32 to index
      %get3A_364 = tpu.vector_load %arg16[%get3A_362, %get3A_363] {strides = array<i32>} : memref<128x128xf32, #tpu.memory_space<vmem>>, vector<1x16xf32>,
      %get3A_365 = vector.shape_cast %get3A_364 : vector<1x16xf32> to vector<16xf32>
      %swap3A_366 = arith.index_cast %add3A_359 : i32 to index
      %swap3A_367 = arith.constant 96 : index
      %swap3A_368 = tpu.vector_load %arg20[%swap3A_366, %swap3A_367] {strides = array<i32>} : memref<16x128xf32, #tpu.memory_space<vmem>>, vector<1x16xf32>,
      %swap3A_369 = vector.shape_cast %swap3A_368 : vector<1x16xf32> to vector<16xf32>
      %swap3A_370 = vector.shape_cast %get3A_365 : vector<16xf32> to vector<1x16xf32>
      tpu.vector_store %arg20[%swap3A_366, %swap3A_367], %swap3A_370 {strides = array<i32>} : memref<16x128xf32, #tpu.memory_space<vmem>>, vector<1x16xf32>,
      %mul3A_371 = arith.constant 16 : i32
      %mul3A_372 = arith.muli %add3A_79, %mul3A_371 : i32
      %add3A_373 = arith.constant 15 : i32
      %add3A_374 = arith.addi %mul3A_372, %add3A_373 : i32
      %mul3A_375 = arith.constant 2 : i32
      %mul3A_376 = arith.muli %mul3A_375, %add3A_79 : i32
      %add3A_377 = arith.constant 1 : i32
      %add3A_378 = arith.addi %mul3A_376, %add3A_377 : i32
      %slice3A_379 = vector.extract_strided_slice %mul3A_88 {offsets = [15], sizes = [1], strides = [1]} : vector<16xi32> to vector<1xi32>
      %squeeze3A_380 = vector.extract %slice3A_379[0] : i32 from vector<1xi32>
      %get3A_381 = arith.index_cast %add3A_374 : i32 to index
      %get3A_382 = arith.index_cast %squeeze3A_380 : i32 to index
      %get3A_383 = tpu.vector_load %arg16[%get3A_381, %get3A_382] {strides = array<i32>} : memref<128x128xf32, #tpu.memory_space<vmem>>, vector<1x16xf32>,
      %get3A_384 = vector.shape_cast %get3A_383 : vector<1x16xf32> to vector<16xf32>
      %swap3A_385 = arith.index_cast %add3A_378 : i32 to index
      %swap3A_386 = arith.constant 112 : index
      %swap3A_387 = tpu.vector_load %arg20[%swap3A_385, %swap3A_386] {strides = array<i32>} : memref<16x128xf32, #tpu.memory_space<vmem>>, vector<1x16xf32>,
      %swap3A_388 = vector.shape_cast %swap3A_387 : vector<1x16xf32> to vector<16xf32>
      %swap3A_389 = vector.shape_cast %get3A_384 : vector<16xf32> to vector<1x16xf32>
      tpu.vector_store %arg20[%swap3A_385, %swap3A_386], %swap3A_389 {strides = array<i32>} : memref<16x128xf32, #tpu.memory_space<vmem>>, vector<1x16xf32>,
    }
    %scan3A_44 = arith.constant 8 : i32
    %add3A_45 = arith.constant 12784 : i32
    %add3A_46 = arith.addi %mul3A_4, %add3A_45 : i32
    %dma_start3A_47 = arith.constant 0 : i32
    %dma_start3A_48 = tpu.memref_slice %arg4[%add3A_46, %dma_start3A_47] : memref<409600x128xf32, #tpu.memory_space<hbm>> -> memref<16x128xf32, #tpu.memory_space<hbm>>
    %dma_start3A_49 = arith.constant 0 : i32
    %dma_start3A_50 = tpu.memref_slice %arg4[%add3A_46, %dma_start3A_49] : memref<409600x128xf32, #tpu.memory_space<hbm>> -> memref<16x128xf32, #tpu.memory_space<hbm>>
    tpu.enqueue_dma source(%arg20 : memref<16x128xf32, #tpu.memory_space<vmem>>) target(%dma_start3A_50 : memref<16x128xf32, #tpu.memory_space<hbm>>) target_semaphore(%arg32 : memref<!tpu.dma_semaphore, #tpu.memory_space<semaphore_mem>>)
    %dma_wait3A_51 = arith.constant 0 : i32
    %dma_wait3A_52 = arith.constant 0 : i32
    %dma_wait3A_53 = tpu.memref_slice %arg4[%dma_wait3A_51, %dma_wait3A_52] : memref<409600x128xf32, #tpu.memory_space<hbm>> -> memref<16x128xf32, #tpu.memory_space<hbm>>
    %dma_wait3A_54 = arith.constant 0 : i32
    %dma_wait3A_55 = arith.constant 0 : i32
    %dma_wait3A_56 = tpu.memref_slice %arg4[%dma_wait3A_54, %dma_wait3A_55] : memref<409600x128xf32, #tpu.memory_space<hbm>> -> memref<16x128xf32, #tpu.memory_space<hbm>>
    tpu.wait_dma2 semaphore(%arg29 : memref<!tpu.dma_semaphore, #tpu.memory_space<semaphore_mem>>) src(%arg17 : memref<16x128xf32, #tpu.memory_space<vmem>>) dst(%dma_wait3A_56 : memref<16x128xf32, #tpu.memory_space<hbm>>)
    %dma_wait3A_57 = arith.constant 0 : i32
    %dma_wait3A_58 = arith.constant 0 : i32
    %dma_wait3A_59 = tpu.memref_slice %arg4[%dma_wait3A_57, %dma_wait3A_58] : memref<409600x128xf32, #tpu.memory_space<hbm>> -> memref<16x128xf32, #tpu.memory_space<hbm>>
    %dma_wait3A_60 = arith.constant 0 : i32
    %dma_wait3A_61 = arith.constant 0 : i32
    %dma_wait3A_62 = tpu.memref_slice %arg4[%dma_wait3A_60, %dma_wait3A_61] : memref<409600x128xf32, #tpu.memory_space<hbm>> -> memref<16x128xf32, #tpu.memory_space<hbm>>
    tpu.wait_dma2 semaphore(%arg30 : memref<!tpu.dma_semaphore, #tpu.memory_space<semaphore_mem>>) src(%arg18 : memref<16x128xf32, #tpu.memory_space<vmem>>) dst(%dma_wait3A_62 : memref<16x128xf32, #tpu.memory_space<hbm>>)
    %dma_wait3A_63 = arith.constant 0 : i32
    %dma_wait3A_64 = arith.constant 0 : i32
    %dma_wait3A_65 = tpu.memref_slice %arg4[%dma_wait3A_63, %dma_wait3A_64] : memref<409600x128xf32, #tpu.memory_space<hbm>> -> memref<16x128xf32, #tpu.memory_space<hbm>>
    %dma_wait3A_66 = arith.constant 0 : i32
    %dma_wait3A_67 = arith.constant 0 : i32
    %dma_wait3A_68 = tpu.memref_slice %arg4[%dma_wait3A_66, %dma_wait3A_67] : memref<409600x128xf32, #tpu.memory_space<hbm>> -> memref<16x128xf32, #tpu.memory_space<hbm>>
    tpu.wait_dma2 semaphore(%arg31 : memref<!tpu.dma_semaphore, #tpu.memory_space<semaphore_mem>>) src(%arg19 : memref<16x128xf32, #tpu.memory_space<vmem>>) dst(%dma_wait3A_68 : memref<16x128xf32, #tpu.memory_space<hbm>>)
    %dma_wait3A_69 = arith.constant 0 : i32
    %dma_wait3A_70 = arith.constant 0 : i32
    %dma_wait3A_71 = tpu.memref_slice %arg4[%dma_wait3A_69, %dma_wait3A_70] : memref<409600x128xf32, #tpu.memory_space<hbm>> -> memref<16x128xf32, #tpu.memory_space<hbm>>
    %dma_wait3A_72 = arith.constant 0 : i32
    %dma_wait3A_73 = arith.constant 0 : i32
    %dma_wait3A_74 = tpu.memref_slice %arg4[%dma_wait3A_72, %dma_wait3A_73] : memref<409600x128xf32, #tpu.memory_space<hbm>> -> memref<16x128xf32, #tpu.memory_space<hbm>>
    tpu.wait_dma2 semaphore(%arg32 : memref<!tpu.dma_semaphore, #tpu.memory_space<semaphore_mem>>) src(%arg20 : memref<16x128xf32, #tpu.memory_space<vmem>>) dst(%dma_wait3A_74 : memref<16x128xf32, #tpu.memory_space<hbm>>)
    return
  }
}

</mosaic_0001>

<sc_bundles>
// kernel: kernel.3.cloned.1.call-start
scs
__scs_entry_jumppad:
0x0: {  	(pc) =	sbr.rel $0x88, $3  }
0x1: {  	(tag) =	ssettag $0x0;
	lr =	simm.s32 $0x1  }
0x2: {  	[smem:$0x3F9F] =	sst lr;
	_ =	strace $0xD0000000  }
0x3: {  	_ = 	snop  }
0x4: {  	_ = 	snop  }
0x5: {  	_ = 	snop  }
0x6: {  	_ = 	snop  }
0x7: {  	_ = 	snop  }
__scs_overlays_trampoline_lowered:
0x8: {  	[smem:$0x3FAE] =	sst s0  }
0x9: {  	[smem:$0x3FAF] =	sst s1  }
0xa: {  	[smem:$0x3FB0] =	sst s2  }
0xb: {  	[smem:$0x3FB1] =	sst s3  }
0xc: {  	[smem:$0x3FB2] =	sst s4  }
0xd: {  	[smem:$0x3FB3] =	sst s5  }
0xe: {  	[smem:$0x3FB4] =	sst s6  }
0xf: {  	[smem:$0x3FB5] =	sst s7  }
0x10: {  	[smem:$0x3FB6] =	sst s8  }
0x11: {  	[smem:$0x3FB7] =	sst s9;
	s0 =	simm.s32 @!p0 $0x0  }
0x12: {  	s1 =	sld [smem:$0x3F9D];
	s0 =	simm.s32 @p0 $0x1  }
0x13: {  	[smem:$0x3FB8] =	sst s0;
	s0 =	simm.s32 @!p1 $0x0  }
0x14: {  	s2 =	sld [smem:$0x3F9C];
	s0 =	simm.s32 @p1 $0x1  }
0x15: {  	[smem:$0x3FB9] =	sst s0;
	s0 =	simm.s32 @!p2 $0x0  }
0x16: {  	s3 =	sld [smem:$0x3FDB];
	s0 =	simm.s32 @p2 $0x1  }
0x17: {  	s4 =	simm.s32 $0x1BF5;
	[smem:$0x3FBB] =	sst s0  }
0x18: {  	s0 =	sld [smem:$0x3F9E];
	_ =	swait.ge [sflag:s4], $0x0  }
0x19: {  	s7 =	sld [smem:$0x3F9F]  }
0x1a: {  	s8 =	sadd.s32 $0xFFFFE003, lr  }
0x1b: {  	s9 =	sadd.s32 $0xFFFFFEF7, lr;
	s5 =	simm.s32 $0xFFFFFFFF;
	p2 =	slt.u32 s8, $0xFFFFF086  }
0x1c: {  	p1 =	slt.u32 s9, $0xF7A;
	s5 =	simm.s32 @!p2 $0x0  }
0x1d: {  	s5 =	simm.s32 @p1 $0x1;
	p0 =	seq.s32 s7, s2  }
0x1e: {  	s7 =	smul.u32 @!p0 $0xF7A, s2;
	p2 =	seq.s32 @!p0 s5, $0x0  }
0x1f: {  	s9 =	smul.u32 $0xF7A, s1;
	s8 =	simm.s32 @!p0 $0x1BF5;
	p2 =	por !p2, p0  }
0x20: {  	[sflag:s8] =	ssyncset.s32 @!p0 $0xFFFFF086;
	s6 =	sadd.s32 @!p0 s3, s7;
	s7 =	simm.s32 @!p0 $0x108  }
0x21: {  	s3 =	sadd.s32 s3, s9;
	s6 =	sadd.s32 @!p0 $0x88, s6;
	s7 =	simm.s32 @p2 $0x1082  }
0x22: {  	[simem:s7], [sflag:s8] =	dma.local @!p0 [hbm:s6], $0xF7A  }
0x23: {  	s9 =	sor.u32 $0xD0000000, s2;
	s6 =	simm.s32 $0x108;
	_ =	swait.ge @!p0 [sflag:s8], $0x0  }
0x24: {  	s3 =	sadd.s32 $0x88, s3;
	s6 =	simm.s32 @!p1 $0x1082;
	[sflag:s4] =	ssyncset.s32 $0xFFFFF086  }
0x25: {  	[simem:s6], [sflag:s4] =	dma.local [hbm:s3], $0xF7A  }
0x26: {  	[smem:$0x3F9F] =	sst s1;
	(tag) =	ssettag s2;
	_ =	strace s9  }
0x27: {  	s1 =	sld [smem:$0x3FAF]  }
0x28: {  	s2 =	sld [smem:$0x3FB0]  }
0x29: {  	s4 =	sld [smem:$0x3FB2]  }
0x2a: {  	p0 =	seq.s32 s5, $0x0;
	s5 =	sld [smem:$0x3FB3]  }
0x2b: {  	s6 =	sld [smem:$0x3FB4]  }
0x2c: {  	s7 =	sld [smem:$0x3FB5]  }
0x2d: {  	s3 =	simm.s32 $0x108;
	s8 =	sld [smem:$0x3FB6]  }
0x2e: {  	s3 =	simm.s32 @!p0 $0x1082;
	s9 =	sld [smem:$0x3FB7]  }
0x2f: {  	lr =	sadd.s32 s0, s3;
	s0 =	sld [smem:$0x3FAE]  }
0x30: {  	s3 =	sld [smem:$0x3FB1]  }
0x31: {  	[smem:$0x3FBA] =	sst s10  }
0x32: {  	s10 =	sld [smem:$0x3FB8];
	_ =	sdelay $0x3  }
0x33: {  	p0 =	seq.s32 s10, $0x1;
	s10 =	sld [smem:$0x3FBA];
	_ =	sdelay $0x3  }
0x34: {  	[smem:$0x3FBA] =	sst s10  }
0x35: {  	s10 =	sld [smem:$0x3FB9];
	_ =	sdelay $0x3  }
0x36: {  	p1 =	seq.s32 s10, $0x1;
	s10 =	sld [smem:$0x3FBA];
	_ =	sdelay $0x3  }
0x37: {  	[smem:$0x3FBA] =	sst s10  }
0x38: {  	s10 =	sld [smem:$0x3FBB]  }
0x39: {  	_ = 	snop;
	(pc) =	sbr.ind lr, $3  }
0x3a: {  	_ = 	snop  }
0x3b: {  	_ = 	snop  }
0x3c: {  	p2 =	seq.s32 s10, $0x1;
	s10 =	sld [smem:$0x3FBA]  }
0x3d: {  	_ =	shalt  }
0x3e: {  	_ =	shalt  }
0x3f: {  	_ =	shalt  }
0x40: {  	_ =	shalt  }
0x41: {  	_ =	shalt  }
0x42: {  	_ =	shalt  }
0x43: {  	_ =	shalt  }
0x44: {  	_ =	shalt  }
0x45: {  	_ =	shalt  }
0x46: {  	_ =	shalt  }
0x47: {  	_ =	shalt  }
0x48: {  	_ =	shalt  }
0x49: {  	_ =	shalt  }
0x4a: {  	_ =	shalt  }
0x4b: {  	_ =	shalt  }
0x4c: {  	_ =	shalt  }
0x4d: {  	_ =	shalt  }
0x4e: {  	_ =	shalt  }
0x4f: {  	_ =	shalt  }
0x50: {  	_ =	shalt  }
0x51: {  	_ =	shalt  }
0x52: {  	_ =	shalt  }
0x53: {  	_ =	shalt  }
0x54: {  	_ =	shalt  }
0x55: {  	_ =	shalt  }
0x56: {  	_ =	shalt  }
0x57: {  	_ =	shalt  }
0x58: {  	_ =	shalt  }
0x59: {  	_ =	shalt  }
0x5a: {  	_ =	shalt  }
0x5b: {  	_ =	shalt  }
0x5c: {  	_ =	shalt  }
0x5d: {  	_ =	shalt  }
0x5e: {  	_ =	shalt  }
0x5f: {  	_ =	shalt  }
0x60: {  	_ =	shalt  }
0x61: {  	_ =	shalt  }
0x62: {  	_ =	shalt  }
0x63: {  	_ =	shalt  }
0x64: {  	_ =	shalt  }
0x65: {  	_ =	shalt  }
0x66: {  	_ =	shalt  }
0x67: {  	_ =	shalt  }
0x68: {  	_ =	shalt  }
0x69: {  	_ =	shalt  }
0x6a: {  	_ =	shalt  }
0x6b: {  	_ =	shalt  }
0x6c: {  	_ =	shalt  }
0x6d: {  	_ =	shalt  }
0x6e: {  	_ =	shalt  }
0x6f: {  	_ =	shalt  }
0x70: {  	_ =	shalt  }
0x71: {  	_ =	shalt  }
0x72: {  	_ =	shalt  }
0x73: {  	_ =	shalt  }
0x74: {  	_ =	shalt  }
0x75: {  	_ =	shalt  }
0x76: {  	_ =	shalt  }
0x77: {  	_ =	shalt  }
0x78: {  	_ =	shalt  }
0x79: {  	_ =	shalt  }
0x7a: {  	_ =	shalt  }
0x7b: {  	_ =	shalt  }
0x7c: {  	_ =	shalt  }
0x7d: {  	_ =	shalt  }
0x7e: {  	_ =	shalt  }
0x7f: {  	_ =	shalt  }
0x80: {  	_ =	shalt  }
0x81: {  	_ =	shalt  }
0x82: {  	_ =	shalt  }
0x83: {  	_ =	shalt  }
0x84: {  	_ =	shalt  }
0x85: {  	_ =	shalt  }
0x86: {  	_ =	shalt  }
0x87: {  	_ =	shalt  }
.Lfunc_end0:
.L_simem_size_0:
called_computation.1_lowered:
.L_overlay_start_0:
0x88: {  	s2 =	sld [smem:$0x3FD9]  }
0x89: {  	s3 =	sld [smem:$0x3FFE];
	_ =	sdelay $0x1  }
0x8a: {  	s1 =	srdreg.scid  }
0x8b: {  	s0 =	sand.u32 $0x1, s1  }
0x8c: {  	s17 =	sshll.u32 s0, $0xA;
	s2 =	sadd.s32 s3, s2  }
0x8d: {  	s2 =	sadd.s32 s2, s17  }
0x8e: {  	[smem:$0x3FC6] =	sst s2  }
0x8f: {  	_ = 	snop  }
0x90: {  	s2 =	sld [smem:$0x3FD0];
	(tm) =	ssettm $0x1  }
0x91: {  	s18 =	sld [smem:$0x3FFB];
	_ =	sdelay $0x3  }
0x92: {  	_ =	strace s18  }
0x93: {  	s3 =	sld [smem:$0x3FFC];
	_ =	sdelay $0x3  }
0x94: {  	_ =	strace s3  }
0x95: {  	s3 =	sld [smem:$0x3FFD];
	_ =	sdelay $0x3  }
0x96: {  	_ =	strace s3  }
0x97: {  	_ =	strace $0x8FFFFFFF  }
0x98: {  	s19 =	sld [smem:$0x3FDB];
	_ =	sdelay $0x1  }
0x99: {  	s4 =	simm.s32 $_scs_section_size  }
0x9a: {  	s5 =	simm.s32 $_size__tile_overlayer_lowered;
	s6 =	simm.s32 $_tile_overlayer_lowered  }
0x9b: {  	s22 =	simm.s32 $0x1BFF;
	s21 =	sshll.u32 s6, $0x1;
	s3 =	sadd.s32 s4, s19  }
0x9c: {  	s7 =	simm.s32 $0x0;
	s20 =	sshll.u32 s5, $0x1;
	s5 =	sadd.s32 s21, s3  }
0x9d: {  	[timem:s7], [sflag:s22] =	dma.local [hbm:s5], s20  }
0x9e: {  	_ =	swait.ge [sflag:s22], s20  }
0x9f: {  	s4 =	ssub.s32 $0x0, s20;
	[sflag:s22] =	ssyncset.done $0x0  }
0xa0: {  	[sflag:s22] =	ssyncadd.s32 s4;
	_ =	sdelay $0x1  }
0xa1: {  	s23 =	simm.s32 $0x1B8B  }
0xa2: {  	_ =	swait.ge [sflag:s23], $0x1  }
0xa3: {  	[sflag:s23] =	ssyncset.done $0x0  }
0xa4: {  	s25 =	simm.s32 $0x1B8E;
	s24 =	sld [smem:$0x3FFE];
	[sflag:s23] =	ssyncadd.s32 $0xFFFFFFFF  }
0xa5: {  	s26 =	simm.s32 $execute0_lowered;
	[smem:$0x3FD2] =	sst s25  }
0xa6: {  	s5 =	sshll.u32 s26, $0x1;
	_ =	strace $0x80000046;
	[dreg:$0x1] =	wrdreg $0xFFFFFFFF  }
0xa7: {  	s28 =	simm.s32 $_size_execute0_lowered;
	s3 =	sadd.s32 s3, s5;
	[dreg:$0x0] =	wrdreg $0x0  }
0xa8: {  	s5 =	sshll.u32 s28, $0x1;
	[dreg:$0x2] =	wrdreg s3  }
0xa9: {  	[dreg:$0x3] =	wrdreg s5  }
0xaa: {  	[dreg:$0x4] =	wrdreg $0xC0  }
0xab: {  	_ =	task [dreg:s7], $0x5FFFF  }
0xac: {  	[dreg:$0x1] =	wrdreg $0xFFFFFFFF  }
0xad: {  	[dreg:$0x0] =	wrdreg $0x60  }
0xae: {  	[dreg:$0x2] =	wrdreg s24  }
0xaf: {  	[dreg:$0x3] =	wrdreg s2  }
0xb0: {  	[dreg:$0x4] =	wrdreg $0x9  }
0xb1: {  	_ =	task.clear_ibuf [dreg:s7], $0x5FFFF;
	_ =	strace $0x90000046  }
0xb2: {  	s29 =	simm.s32 $0x9;
	_ =	strace $0x80000048  }
0xb3: {  	_ =	swait.ge [sflag:s29], $0x1  }
0xb4: {  	[sflag:s29] =	ssyncadd.s32 $0xFFFFFFFF  }
0xb5: {  	_ =	strace $0x90000048  }
0xb6: {  	_ =	sfence  }
0xb7: {  	s30 =	sld [smem:$0x0];
	_ =	sdelay $0x2  }
0xb8: {  	s31 =	sshll.u32 s1, $0xD;
	s1 =	sshrl.u32 s1, $0x2  }
0xb9: {  	s3 =	sand.u32 $0x4000, s31;
	s1 =	sadd.s32 s1, s30  }
0xba: {  	s0 =	sor.u32 s3, s0;
	s1 =	sshll.u32 s1, $0x11  }
0xbb: {  	s0 =	sor.u32 s1, s0  }
0xbc: {  	s0 =	sadd.s32 $0x8F2B, s0  }
0xbd: {  	[sflag:s0] =	ssyncadd.remote.s32 $0x1  }
0xbe: {  	_ =	sfence.sel $0xFFFF  }
0xbf: {  	[dreg:$0x0] =	wrdreg $0xFFFFFFFF;
	(pc) =	sbr.abs _section_cstart, $3  }
0xc0: {  	[dreg:$0x1] =	wrdreg $0xFFFFFFFF  }
0xc1: {  	_ =	task.clear_ibuf [dreg:s7], $0x2FFFF;
	_ =	strace $0x9FFFFFFF  }
0xc2: {  	(tm) =	ssettm $0x7FFFFFFF  }
0xc3: {  	_ =	shalt  }
tec
execute0_lowered:
.L_overlay_start_1:
0x0: {  	(tag) =	ssettag $0x1  }
0x1: {  	s0 =	rddreg [dreg:$0x0];
	s1 =	srdreg.scid  }
0x2: {  	s2 =	stileid.u32;
	s4 =	rddreg [dreg:$0x1];
	s14 =	simm.s32 $0x80  }
0x3: {  	s17 =	simm.s32 $0x1;
	s18 =	simm.s32 $0x200;
	s19 =	simm.s32 $0x400  }
0x4: {  	s20 =	simm.s32 $0x7;
	s21 =	simm.s32 $0x11400;
	s22 =	simm.s32 $0x2  }
0x5: {  	s23 =	simm.s32 $0x280;
	s15 =	simm.s32 $0x8400;
	s16 =	simm.s32 $0x5  }
0x6: {  	s11 =	simm.s32 $0x6;
	s1 =	sand.u32 $0x1, s1;
	s3 =	sshll.u32 s2, $0x1  }
0x7: {  	s12 =	simm.s32 $0x10C00;
	s2 =	simm.s32 $0x0;
	s6 =	sor.u32 s1, s3  }
0x8: {  	[smem:$0x7FF] =	sst s2;
	s1 =	ssub.s32 $0x2, s1;
	s7 =	smul.u32 $0x19000, s6  }
0x9: {  	s3 =	sadd.s32 $0x800, s0;
	s8 =	sshrl.u32 s1, $0x1;
	s9 =	smul.u32 $0x190000, s6  }
0xa: {  	_ =	strace $0x80000047;
	s6 =	smul.u32 $0x32000, s6;
	s24 =	ssub.s32 s1, s8  }
0xb: {  	s8 =	simm.s32 $0x380;
	s5 =	sshrl.u32 s7, $0x3;
	s28 =	sshrl.u32 s9, $0x3  }
0xc: {  	s9 =	sor.u32 $0x100, s7;
	s31 =	sadd.s32 s4, s6;
	s10 =	sadd.s32 s3, s5  }
0xd: {  	s5 =	sadd.s32 $0xFA6C00, s0;
	s0 =	smax.u32 s24, $0x1;
	[dreg:$0x3] =	wrdreg s10  }
0xe: {  	s7 =	simm.s32 $0x4;
	s25 =	sadd.s32 $0x10, s10;
	[dreg:$0x9] =	wrdreg s0  }
0xf: {  	s1 =	sadd.s32 s4, s28;
	s26 =	sadd.s32 $0x20, s10;
	[dreg:$0x4] =	wrdreg s25  }
0x10: {  	s13 =	sadd.s32 $0xFFFFFE00, s31;
	s29 =	sadd.s32 $0x30, s10;
	[dreg:$0x5] =	wrdreg s26  }
0x11: {  	s24 =	simm.s32 $0x4400;
	s30 =	sadd.s32 $0x31E00, s1;
	[dreg:$0x6] =	wrdreg s29  }
0x12: {  	s4 =	simm.s32 $0x0;
	s1 =	sadd.s32 $0x31F00, s1;
	[dreg:$0x7] =	wrdreg s30  }
0x13: {  	s0 =	simm.s32 $0x300;
	s10 =	simm.s32 $0xC400;
	[dreg:$0x8] =	wrdreg s1  }
0x14: {  	s25 =	simm.s32 $0x8;
	s26 =	simm.s32 $0x11C00;
	s1 =	simm.s32 $0x3  }
.LBB2_1:
0x15: {  	s6 =	rddreg [dreg:$0x3]  }
0x16: {  	[tilespmem:s2], [sflag:$0x1] =	stream.linear.gather [hbm4b:s6+s2], $0x80, $0x38;
	[tilespmem:$0x12400] =	vst v63  }
0x17: {  	s29 =	rddreg [dreg:$0x4]  }
0x18: {  	[tilespmem:s14], [sflag:$0x2] =	stream.linear.gather [hbm4b:s29+s2], $0x80, $0x38;
	[tilespmem:$0x12400] =	vst v63  }
.Ltmp0:
0x19: {  	s30 =	rddreg [dreg:$0x5];
	s28 =	simm.s32 $0x100;
	(pc) =	sbr.rel .LBB2_2-.Ltmp0, $4  }
0x1a: {  	[tilespmem:s28], [sflag:$0x3] =	stream.linear.gather [hbm4b:s30+s2], $0x80, $0x38;
	[tilespmem:$0x12400] =	vst v63  }
0x1b: {  	s31 =	rddreg [dreg:$0x6];
	s28 =	simm.s32 $0x180  }
0x1c: {  	[tilespmem:s28], [sflag:$0x4] =	stream.linear.gather [hbm4b:s31+s2], $0x80, $0x38;
	[tilespmem:$0x12400] =	vst v63  }
0x1d: {  	s28 =	simm.s32 $0x0  }
.LBB2_20:
0x1e: {  	s6 =	sshll.u32 s28, $0x8  }
0x1f: {  	[tilespmem:s30+$0x70] =	vst v0;
	p0 =	sgt.u32 s28, $0x31D;
	s6 =	sadd.s32 s13, s6  }
0x20: {  	[hbm4b:s6+s2] =	stream.linear.scatter [tilespmem:s12], [sflag:$0xA], $0x800, $0x38;
	[tilespmem:$0x12400] =	vst v63  }
0x21: {  	s6 =	sshll.u32 @!p0 s28, $0x7  }
0x22: {  	s6 =	sadd.s32 @!p0 s6, s9  }
0x23: {  	s6 =	sshrl.u32 @!p0 s6, $0x3  }
0x24: {  	s29 =	simm.s32 @!p0 $0x0;
	s30 =	simm.s32 @!p0 $0x80;
	s6 =	sadd.s32 @!p0 s3, s6  }
0x25: {  	[tilespmem:s30], [sflag:$0x2] =	stream.linear.gather @!p0 [hbm4b:s6+s29], $0x80, $0x38;
	[tilespmem:$0x12400] =	vst v63  }
.LBB2_21:
0x26: {  	s28 =	sadd.s32 $0x1, s28  }
0x27: {  	p0 =	sne.s32 s28, $0x320  }
.Ltmp1:
0x28: {  	_ = 	snop;
	(pc) =	sbr.rel @!p0 .LBB2_22-.Ltmp1, $1  }
0x29: {  	_ =	sdelay $0x3  }
.LBB2_2:
0x2a: {  	s29 =	sand.u32 $0x3, s28  }
0x2b: {  	p0 =	sgt.s32 s29, $0x1  }
.Ltmp2:
0x2c: {  	_ = 	snop;
	(pc) =	sbr.rel @p0 .LBB2_16-.Ltmp2, $1  }
0x2d: {  	_ =	sdelay $0x3  }
0x2e: {  	p0 =	seq.s32 s29, $0x0  }
.Ltmp3:
0x2f: {  	_ = 	snop;
	(pc) =	sbr.rel @!p0 .LBB2_8-.Ltmp3, $1  }
0x30: {  	_ =	sdelay $0x3  }
0x31: {  	p0 =	slt.u32 s28, $0x4  }
0x32: {  	s29 =	simm.s32 @!p0 $0x9  }
0x33: {  	_ =	swait.ge @!p0 [sflag:s29], $0x800  }
0x34: {  	[sflag:s29] =	ssyncset.done @!p0 $0x0  }
0x35: {  	[sflag:s29] =	ssyncadd.s32 @!p0 $0xFFFFF800  }
0x36: {  	_ =	swait.ge [sflag:s17], $0x80  }
0x37: {  	[sflag:s17] =	ssyncset.done $0x0  }
0x38: {  	[sflag:s17] =	ssyncadd.s32 $0xFFFFFF80  }
0x39: {  	v0 =	vld [tilespmem:$0x0]  }
0x3a: {  	v1 =	vld [tilespmem:$0x10]  }
0x3b: {  	v2 =	vld [tilespmem:$0x20]  }
0x3c: {  	v3 =	vld [tilespmem:$0x30]  }
0x3d: {  	v4 =	vld [tilespmem:$0x40]  }
0x3e: {  	v5 =	vld [tilespmem:$0x50];
	v0 =	vshra.s32 v0, $0x3  }
0x3f: {  	v56 =	vld [tilespmem:$0x60];
	v55 =	vshra.s32 v1, $0x3;
	[tilespmem:$0x200] =	vst v0  }
0x40: {  	v58 =	vld [tilespmem:$0x70];
	v57 =	vshra.s32 v2, $0x3;
	[tilespmem:$0x210] =	vst v55  }
0x41: {  	v59 =	vshra.s32 v3, $0x3;
	[tilespmem:$0x220] =	vst v57  }
0x42: {  	p0 =	slt.u32 s28, $0x2;
	v60 =	vshra.s32 v4, $0x3;
	[tilespmem:$0x230] =	vst v59  }
.Ltmp4:
0x43: {  	v61 =	vshra.s32 v5, $0x3;
	[tilespmem:$0x240] =	vst v60;
	(pc) =	sbr.rel @p0 .LBB2_21-.Ltmp4, $4  }
0x44: {  	v62 =	vshra.s32 v56, $0x3;
	[tilespmem:$0x250] =	vst v61  }
0x45: {  	v63 =	vshra.s32 v58, $0x3;
	[tilespmem:$0x260] =	vst v62  }
0x46: {  	[tilespmem:$0x270] =	vst v63  }
0x47: {  	[tilespmem:s19], [sflag:$0x5] =	stream.indirect.gather [hbm4b:s5+s14], $0x80, s18, s14, $0xb8;
	[tilespmem:$0x12400] =	vst v63  }
0x48: {  	_ =	swait.ge [sflag:s20], $0x4000  }
0x49: {  	[sflag:s20] =	ssyncset.done $0x0  }
0x4a: {  	s29 =	simm.s32 $0x100;
	[sflag:s20] =	ssyncadd.s32 $0xFFFFC000  }
0x4b: {  	v0 =	vld [tilespmem:s29+$0x0];
	_ =	sdelay $0x4  }
0x4c: {  	v0 =	vshll.u32 v0, $0x4  }
0x4d: {  	s30 =	simm.s32 $0x0;
	v0 =	vand.u32 $0x70, v0  }
0x4e: {  	v0 =	vadd.s32 s30, v0  }
0x4f: {  	(v2sf) =	vpush v0, $0x0;
	_ =	sdelay $0x5  }
0x50: {  	(v2sf) =	vpush v0, $0x1;
	_ =	sdelay $0x5  }
0x51: {  	(v2sf) =	vpush v0, $0x2;
	_ =	sdelay $0x2  }
0x52: {  	s30 =	spop (v2sf)  }
0x53: {  	v1 =	vld [tilespmem:s30+$0x8400];
	_ =	sdelay $0x1  }
0x54: {  	(v2sf) =	vpush v0, $0x3;
	_ =	sdelay $0x1  }
0x55: {  	s30 =	simm.s32 $0x11480  }
0x56: {  	s31 =	spop (v2sf);
	[tilespmem:s30+$0xFFFFFF80] =	vst v1  }
0x57: {  	v1 =	vld [tilespmem:s31+$0x8480];
	_ =	sdelay $0x1  }
0x58: {  	(v2sf) =	vpush v0, $0x4;
	_ =	sdelay $0x2  }
0x59: {  	s31 =	spop (v2sf);
	[tilespmem:s30+$0xFFFFFF90] =	vst v1  }
0x5a: {  	v1 =	vld [tilespmem:s31+$0x8500];
	_ =	sdelay $0x1  }
0x5b: {  	(v2sf) =	vpush v0, $0x5;
	_ =	sdelay $0x2  }
0x5c: {  	s31 =	spop (v2sf);
	[tilespmem:s30+$0xFFFFFFA0] =	vst v1  }
0x5d: {  	v1 =	vld [tilespmem:s31+$0x8580];
	_ =	sdelay $0x1  }
0x5e: {  	(v2sf) =	vpush v0, $0x6;
	_ =	sdelay $0x2  }
0x5f: {  	s31 =	spop (v2sf);
	[tilespmem:s30+$0xFFFFFFB0] =	vst v1  }
0x60: {  	v1 =	vld [tilespmem:s31+$0x8600];
	_ =	sdelay $0x1  }
0x61: {  	(v2sf) =	vpush v0, $0x7;
	_ =	sdelay $0x2  }
0x62: {  	s31 =	spop (v2sf);
	[tilespmem:s30+$0xFFFFFFC0] =	vst v1  }
0x63: {  	v1 =	vld [tilespmem:s31+$0x8680];
	_ =	sdelay $0x1  }
0x64: {  	(v2sf) =	vpush v0, $0x8;
	_ =	sdelay $0x2  }
0x65: {  	s31 =	spop (v2sf);
	[tilespmem:s30+$0xFFFFFFD0] =	vst v1  }
0x66: {  	v1 =	vld [tilespmem:s31+$0x8700];
	_ =	sdelay $0x1  }
0x67: {  	(v2sf) =	vpush v0, $0x9;
	_ =	sdelay $0x2  }
0x68: {  	s31 =	spop (v2sf);
	[tilespmem:s30+$0xFFFFFFE0] =	vst v1  }
0x69: {  	v1 =	vld [tilespmem:s31+$0x8780];
	_ =	sdelay $0x1  }
0x6a: {  	(v2sf) =	vpush v0, $0xA;
	_ =	sdelay $0x2  }
0x6b: {  	s31 =	spop (v2sf);
	[tilespmem:s30+$0xFFFFFFF0] =	vst v1  }
0x6c: {  	v1 =	vld [tilespmem:s31+$0x8800];
	_ =	sdelay $0x1  }
0x6d: {  	(v2sf) =	vpush v0, $0xB;
	_ =	sdelay $0x2  }
0x6e: {  	s31 =	spop (v2sf);
	[tilespmem:s30+$0x0] =	vst v1  }
0x6f: {  	v1 =	vld [tilespmem:s31+$0x8880];
	_ =	sdelay $0x1  }
0x70: {  	(v2sf) =	vpush v0, $0xC;
	_ =	sdelay $0x2  }
0x71: {  	s31 =	spop (v2sf);
	[tilespmem:s30+$0x10] =	vst v1  }
0x72: {  	v1 =	vld [tilespmem:s31+$0x8900];
	_ =	sdelay $0x1  }
0x73: {  	(v2sf) =	vpush v0, $0xD;
	_ =	sdelay $0x2  }
0x74: {  	s31 =	spop (v2sf);
	[tilespmem:s30+$0x20] =	vst v1  }
0x75: {  	v1 =	vld [tilespmem:s31+$0x8980];
	_ =	sdelay $0x1  }
0x76: {  	(v2sf) =	vpush v0, $0xE;
	_ =	sdelay $0x2  }
0x77: {  	s31 =	spop (v2sf);
	[tilespmem:s30+$0x30] =	vst v1  }
0x78: {  	v1 =	vld [tilespmem:s31+$0x8A00];
	_ =	sdelay $0x1  }
0x79: {  	(v2sf) =	vpush v0, $0xF;
	_ =	sdelay $0x2  }
0x7a: {  	s31 =	spop (v2sf);
	[tilespmem:s30+$0x40] =	vst v1  }
0x7b: {  	v0 =	vld [tilespmem:s31+$0x8A80];
	_ =	sdelay $0x4  }
0x7c: {  	s31 =	spop (v2sf);
	[tilespmem:s30+$0x50] =	vst v0  }
0x7d: {  	v0 =	vld [tilespmem:s31+$0x8B00];
	_ =	sdelay $0x4  }
0x7e: {  	s6 =	spop (v2sf);
	[tilespmem:s30+$0x60] =	vst v0  }
0x7f: {  	s31 =	simm.s32 $0x2000;
	v0 =	vld [tilespmem:s6+$0x8B80]  }
.LBB2_6:
0x80: {  	_ =	sdelay $0x3  }
0x81: {  	p0 =	sne.s32 s31, $0xE000;
	s29 =	sadd.s32 $0x10, s29;
	[tilespmem:s30+$0x70] =	vst v0;
	s30 =	sadd.s32 $0x100, s30  }
0x82: {  	s6 =	smov.u32 s31;
	s31 =	sadd.s32 $0x2000, s31;
	v0 =	vld [tilespmem:s29+$0x0];
	_ =	sdelay $0x4  }
0x83: {  	v0 =	vshll.u32 v0, $0x4  }
0x84: {  	s6 =	sshra.s32 s6, $0x2;
	v0 =	vand.u32 $0x70, v0  }
0x85: {  	v0 =	vadd.s32 s6, v0  }
0x86: {  	(v2sf) =	vpush v0, $0x0;
	_ =	sdelay $0x5  }
0x87: {  	(v2sf) =	vpush v0, $0x1;
	_ =	sdelay $0x5  }
0x88: {  	(v2sf) =	vpush v0, $0x2;
	_ =	sdelay $0x2  }
0x89: {  	s6 =	spop (v2sf)  }
0x8a: {  	v1 =	vld [tilespmem:s6+$0x8400];
	_ =	sdelay $0x1  }
0x8b: {  	(v2sf) =	vpush v0, $0x3;
	_ =	sdelay $0x2  }
0x8c: {  	[tilespmem:s30+$0xFFFFFF80] =	vst v1;
	s6 =	spop (v2sf)  }
0x8d: {  	v1 =	vld [tilespmem:s6+$0x8480];
	_ =	sdelay $0x1  }
0x8e: {  	(v2sf) =	vpush v0, $0x4;
	_ =	sdelay $0x2  }
0x8f: {  	[tilespmem:s30+$0xFFFFFF90] =	vst v1;
	s6 =	spop (v2sf)  }
0x90: {  	v1 =	vld [tilespmem:s6+$0x8500];
	_ =	sdelay $0x1  }
0x91: {  	(v2sf) =	vpush v0, $0x5;
	_ =	sdelay $0x2  }
0x92: {  	[tilespmem:s30+$0xFFFFFFA0] =	vst v1;
	s6 =	spop (v2sf)  }
0x93: {  	v1 =	vld [tilespmem:s6+$0x8580];
	_ =	sdelay $0x1  }
0x94: {  	(v2sf) =	vpush v0, $0x6;
	_ =	sdelay $0x2  }
0x95: {  	[tilespmem:s30+$0xFFFFFFB0] =	vst v1;
	s6 =	spop (v2sf)  }
0x96: {  	v1 =	vld [tilespmem:s6+$0x8600];
	_ =	sdelay $0x1  }
0x97: {  	(v2sf) =	vpush v0, $0x7;
	_ =	sdelay $0x2  }
0x98: {  	[tilespmem:s30+$0xFFFFFFC0] =	vst v1;
	s6 =	spop (v2sf)  }
0x99: {  	v1 =	vld [tilespmem:s6+$0x8680];
	_ =	sdelay $0x1  }
0x9a: {  	(v2sf) =	vpush v0, $0x8;
	_ =	sdelay $0x2  }
0x9b: {  	[tilespmem:s30+$0xFFFFFFD0] =	vst v1;
	s6 =	spop (v2sf)  }
0x9c: {  	v1 =	vld [tilespmem:s6+$0x8700];
	_ =	sdelay $0x1  }
0x9d: {  	(v2sf) =	vpush v0, $0x9;
	_ =	sdelay $0x2  }
0x9e: {  	[tilespmem:s30+$0xFFFFFFE0] =	vst v1;
	s6 =	spop (v2sf)  }
0x9f: {  	v1 =	vld [tilespmem:s6+$0x8780];
	_ =	sdelay $0x1  }
0xa0: {  	(v2sf) =	vpush v0, $0xA;
	_ =	sdelay $0x2  }
0xa1: {  	[tilespmem:s30+$0xFFFFFFF0] =	vst v1;
	s6 =	spop (v2sf)  }
0xa2: {  	v1 =	vld [tilespmem:s6+$0x8800];
	_ =	sdelay $0x1  }
0xa3: {  	(v2sf) =	vpush v0, $0xB;
	_ =	sdelay $0x2  }
0xa4: {  	[tilespmem:s30+$0x0] =	vst v1;
	s6 =	spop (v2sf)  }
0xa5: {  	v1 =	vld [tilespmem:s6+$0x8880];
	_ =	sdelay $0x1  }
0xa6: {  	(v2sf) =	vpush v0, $0xC;
	_ =	sdelay $0x2  }
0xa7: {  	[tilespmem:s30+$0x10] =	vst v1;
	s6 =	spop (v2sf)  }
0xa8: {  	v1 =	vld [tilespmem:s6+$0x8900];
	_ =	sdelay $0x1  }
0xa9: {  	(v2sf) =	vpush v0, $0xD;
	_ =	sdelay $0x2  }
0xaa: {  	[tilespmem:s30+$0x20] =	vst v1;
	s6 =	spop (v2sf)  }
0xab: {  	v1 =	vld [tilespmem:s6+$0x8980];
	_ =	sdelay $0x1  }
0xac: {  	(v2sf) =	vpush v0, $0xE;
	_ =	sdelay $0x2  }
0xad: {  	[tilespmem:s30+$0x30] =	vst v1;
	s6 =	spop (v2sf)  }
0xae: {  	v1 =	vld [tilespmem:s6+$0x8A00];
	_ =	sdelay $0x1  }
0xaf: {  	(v2sf) =	vpush v0, $0xF;
	_ =	sdelay $0x2  }
0xb0: {  	[tilespmem:s30+$0x40] =	vst v1;
	s6 =	spop (v2sf)  }
0xb1: {  	v0 =	vld [tilespmem:s6+$0x8A80];
	_ =	sdelay $0x4  }
0xb2: {  	[tilespmem:s30+$0x50] =	vst v0;
	s6 =	spop (v2sf)  }
0xb3: {  	v0 =	vld [tilespmem:s6+$0x8B00];
	_ =	sdelay $0x1  }
.Ltmp5:
0xb4: {  	(pc) =	sbr.rel @p0 .LBB2_6-.Ltmp5, $3  }
0xb5: {  	_ =	sdelay $0x1  }
0xb6: {  	[tilespmem:s30+$0x60] =	vst v0;
	s6 =	spop (v2sf)  }
0xb7: {  	v0 =	vld [tilespmem:s6+$0x8B80]  }
0xb8: {  	_ =	sdelay $0x2  }
0xb9: {  	s6 =	sshll.u32 s28, $0x8  }
0xba: {  	p0 =	sgt.u32 s28, $0x31D;
	s6 =	sadd.s32 s13, s6;
	[tilespmem:s30+$0x70] =	vst v0  }
0xbb: {  	[hbm4b:s6+s2] =	stream.linear.scatter [tilespmem:s21], [sflag:$0xB], $0x800, $0x38;
	[tilespmem:$0x12400] =	vst v63  }
.Ltmp6:
0xbc: {  	s6 =	sshll.u32 @!p0 s28, $0x7;
	(pc) =	sbr.rel .LBB2_21-.Ltmp6, $4  }
0xbd: {  	s6 =	sadd.s32 @!p0 s6, s9  }
0xbe: {  	s6 =	sshrl.u32 @!p0 s6, $0x3  }
0xbf: {  	s29 =	simm.s32 @!p0 $0x0;
	s30 =	simm.s32 @!p0 $0x100;
	s6 =	sadd.s32 @!p0 s3, s6  }
0xc0: {  	[tilespmem:s30], [sflag:$0x3] =	stream.linear.gather @!p0 [hbm4b:s6+s29], $0x80, $0x38;
	[tilespmem:$0x12400] =	vst v63  }
.LBB2_16:
0xc1: {  	p1 =	seq.s32 s29, $0x2  }
.Ltmp7:
0xc2: {  	_ = 	snop;
	(pc) =	sbr.rel @!p1 .LBB2_17-.Ltmp7, $2  }
0xc3: {  	_ =	sdelay $0x2  }
0xc4: {  	p0 =	slt.u32 s28, $0x4  }
0xc5: {  	s6 =	simm.s32 @!p0 $0xB  }
0xc6: {  	_ =	swait.ge @!p0 [sflag:s6], $0x800  }
0xc7: {  	[sflag:s6] =	ssyncset.done @!p0 $0x0  }
0xc8: {  	[sflag:s6] =	ssyncadd.s32 @!p0 $0xFFFFF800  }
0xc9: {  	_ =	swait.ge [sflag:s1], $0x80  }
0xca: {  	[sflag:s1] =	ssyncset.done $0x0  }
0xcb: {  	[sflag:s1] =	ssyncadd.s32 $0xFFFFFF80  }
0xcc: {  	v0 =	vld [tilespmem:$0x100]  }
0xcd: {  	v1 =	vld [tilespmem:$0x110]  }
0xce: {  	v2 =	vld [tilespmem:$0x120]  }
0xcf: {  	v3 =	vld [tilespmem:$0x130]  }
0xd0: {  	v4 =	vld [tilespmem:$0x140]  }
0xd1: {  	v5 =	vld [tilespmem:$0x150];
	v0 =	vshra.s32 v0, $0x3  }
0xd2: {  	v56 =	vld [tilespmem:$0x160];
	v55 =	vshra.s32 v1, $0x3;
	[tilespmem:$0x300] =	vst v0  }
0xd3: {  	v58 =	vld [tilespmem:$0x170];
	v57 =	vshra.s32 v2, $0x3;
	[tilespmem:$0x310] =	vst v55  }
0xd4: {  	v59 =	vshra.s32 v3, $0x3;
	[tilespmem:$0x320] =	vst v57  }
0xd5: {  	p0 =	slt.u32 s28, $0x2;
	v60 =	vshra.s32 v4, $0x3;
	[tilespmem:$0x330] =	vst v59  }
.Ltmp8:
0xd6: {  	v61 =	vshra.s32 v5, $0x3;
	[tilespmem:$0x340] =	vst v60;
	(pc) =	sbr.rel @p0 .LBB2_21-.Ltmp8, $4  }
0xd7: {  	v62 =	vshra.s32 v56, $0x3;
	[tilespmem:$0x350] =	vst v61  }
0xd8: {  	v63 =	vshra.s32 v58, $0x3;
	[tilespmem:$0x360] =	vst v62  }
0xd9: {  	[tilespmem:$0x370] =	vst v63  }
0xda: {  	[tilespmem:s15], [sflag:$0x7] =	stream.indirect.gather [hbm4b:s5+s14], $0x80, s0, s14, $0xb8;
	[tilespmem:$0x12400] =	vst v63  }
0xdb: {  	_ =	swait.ge [sflag:s16], $0x4000  }
0xdc: {  	[sflag:s16] =	ssyncset.done $0x0  }
0xdd: {  	s29 =	simm.s32 $0x0;
	[sflag:s16] =	ssyncadd.s32 $0xFFFFC000  }
0xde: {  	v0 =	vld [tilespmem:s29+$0x0];
	_ =	sdelay $0x4  }
0xdf: {  	v0 =	vshll.u32 v0, $0x4  }
0xe0: {  	s6 =	simm.s32 $0x0;
	v0 =	vand.u32 $0x70, v0  }
0xe1: {  	v0 =	vadd.s32 s6, v0  }
0xe2: {  	(v2sf) =	vpush v0, $0x0;
	_ =	sdelay $0x5  }
0xe3: {  	(v2sf) =	vpush v0, $0x1;
	_ =	sdelay $0x5  }
0xe4: {  	(v2sf) =	vpush v0, $0x2;
	_ =	sdelay $0x2  }
0xe5: {  	s6 =	spop (v2sf)  }
0xe6: {  	v1 =	vld [tilespmem:s6+$0x400];
	_ =	sdelay $0x1  }
0xe7: {  	(v2sf) =	vpush v0, $0x3;
	_ =	sdelay $0x1  }
0xe8: {  	s30 =	simm.s32 $0x10480  }
0xe9: {  	s6 =	spop (v2sf);
	[tilespmem:s30+$0xFFFFFF80] =	vst v1  }
0xea: {  	v1 =	vld [tilespmem:s6+$0x480];
	_ =	sdelay $0x1  }
0xeb: {  	(v2sf) =	vpush v0, $0x4;
	_ =	sdelay $0x2  }
0xec: {  	s6 =	spop (v2sf);
	[tilespmem:s30+$0xFFFFFF90] =	vst v1  }
0xed: {  	v1 =	vld [tilespmem:s6+$0x500];
	_ =	sdelay $0x1  }
0xee: {  	(v2sf) =	vpush v0, $0x5;
	_ =	sdelay $0x2  }
0xef: {  	s6 =	spop (v2sf);
	[tilespmem:s30+$0xFFFFFFA0] =	vst v1  }
0xf0: {  	v1 =	vld [tilespmem:s6+$0x580];
	_ =	sdelay $0x1  }
0xf1: {  	(v2sf) =	vpush v0, $0x6;
	_ =	sdelay $0x2  }
0xf2: {  	s6 =	spop (v2sf);
	[tilespmem:s30+$0xFFFFFFB0] =	vst v1  }
0xf3: {  	v1 =	vld [tilespmem:s6+$0x600];
	_ =	sdelay $0x1  }
0xf4: {  	(v2sf) =	vpush v0, $0x7;
	_ =	sdelay $0x2  }
0xf5: {  	s6 =	spop (v2sf);
	[tilespmem:s30+$0xFFFFFFC0] =	vst v1  }
0xf6: {  	v1 =	vld [tilespmem:s6+$0x680];
	_ =	sdelay $0x1  }
0xf7: {  	(v2sf) =	vpush v0, $0x8;
	_ =	sdelay $0x2  }
0xf8: {  	s6 =	spop (v2sf);
	[tilespmem:s30+$0xFFFFFFD0] =	vst v1  }
0xf9: {  	v1 =	vld [tilespmem:s6+$0x700];
	_ =	sdelay $0x1  }
0xfa: {  	(v2sf) =	vpush v0, $0x9;
	_ =	sdelay $0x2  }
0xfb: {  	s6 =	spop (v2sf);
	[tilespmem:s30+$0xFFFFFFE0] =	vst v1  }
0xfc: {  	v1 =	vld [tilespmem:s6+$0x780];
	_ =	sdelay $0x1  }
0xfd: {  	(v2sf) =	vpush v0, $0xA;
	_ =	sdelay $0x2  }
0xfe: {  	s6 =	spop (v2sf);
	[tilespmem:s30+$0xFFFFFFF0] =	vst v1  }
0xff: {  	v1 =	vld [tilespmem:s6+$0x800];
	_ =	sdelay $0x1  }
0x100: {  	(v2sf) =	vpush v0, $0xB;
	_ =	sdelay $0x2  }
0x101: {  	s6 =	spop (v2sf);
	[tilespmem:s30+$0x0] =	vst v1  }
0x102: {  	v1 =	vld [tilespmem:s6+$0x880];
	_ =	sdelay $0x1  }
0x103: {  	(v2sf) =	vpush v0, $0xC;
	_ =	sdelay $0x2  }
0x104: {  	s6 =	spop (v2sf);
	[tilespmem:s30+$0x10] =	vst v1  }
0x105: {  	v1 =	vld [tilespmem:s6+$0x900];
	_ =	sdelay $0x1  }
0x106: {  	(v2sf) =	vpush v0, $0xD;
	_ =	sdelay $0x2  }
0x107: {  	s6 =	spop (v2sf);
	[tilespmem:s30+$0x20] =	vst v1  }
0x108: {  	v1 =	vld [tilespmem:s6+$0x980];
	_ =	sdelay $0x1  }
0x109: {  	(v2sf) =	vpush v0, $0xE;
	_ =	sdelay $0x2  }
0x10a: {  	s6 =	spop (v2sf);
	[tilespmem:s30+$0x30] =	vst v1  }
0x10b: {  	v1 =	vld [tilespmem:s6+$0xA00];
	_ =	sdelay $0x1  }
0x10c: {  	(v2sf) =	vpush v0, $0xF;
	_ =	sdelay $0x2  }
0x10d: {  	s6 =	spop (v2sf);
	[tilespmem:s30+$0x40] =	vst v1  }
0x10e: {  	v0 =	vld [tilespmem:s6+$0xA80];
	_ =	sdelay $0x4  }
0x10f: {  	s6 =	spop (v2sf);
	[tilespmem:s30+$0x50] =	vst v0  }
0x110: {  	v0 =	vld [tilespmem:s6+$0xB00];
	_ =	sdelay $0x4  }
0x111: {  	s6 =	spop (v2sf);
	[tilespmem:s30+$0x60] =	vst v0  }
0x112: {  	s31 =	simm.s32 $0x2000;
	v0 =	vld [tilespmem:s6+$0xB80]  }
.LBB2_14:
0x113: {  	_ =	sdelay $0x3  }
0x114: {  	p0 =	sne.s32 s31, $0xE000;
	s29 =	sadd.s32 $0x10, s29;
	[tilespmem:s30+$0x70] =	vst v0;
	s30 =	sadd.s32 $0x100, s30  }
0x115: {  	s6 =	smov.u32 s31;
	s31 =	sadd.s32 $0x2000, s31;
	v0 =	vld [tilespmem:s29+$0x0];
	_ =	sdelay $0x4  }
0x116: {  	v0 =	vshll.u32 v0, $0x4  }
0x117: {  	s6 =	sshra.s32 s6, $0x2;
	v0 =	vand.u32 $0x70, v0  }
0x118: {  	v0 =	vadd.s32 s6, v0  }
0x119: {  	(v2sf) =	vpush v0, $0x0;
	_ =	sdelay $0x5  }
0x11a: {  	(v2sf) =	vpush v0, $0x1;
	_ =	sdelay $0x5  }
0x11b: {  	(v2sf) =	vpush v0, $0x2;
	_ =	sdelay $0x2  }
0x11c: {  	s6 =	spop (v2sf)  }
0x11d: {  	v1 =	vld [tilespmem:s6+$0x400];
	_ =	sdelay $0x1  }
0x11e: {  	(v2sf) =	vpush v0, $0x3;
	_ =	sdelay $0x2  }
0x11f: {  	[tilespmem:s30+$0xFFFFFF80] =	vst v1;
	s6 =	spop (v2sf)  }
0x120: {  	v1 =	vld [tilespmem:s6+$0x480];
	_ =	sdelay $0x1  }
0x121: {  	(v2sf) =	vpush v0, $0x4;
	_ =	sdelay $0x2  }
0x122: {  	[tilespmem:s30+$0xFFFFFF90] =	vst v1;
	s6 =	spop (v2sf)  }
0x123: {  	v1 =	vld [tilespmem:s6+$0x500];
	_ =	sdelay $0x1  }
0x124: {  	(v2sf) =	vpush v0, $0x5;
	_ =	sdelay $0x2  }
0x125: {  	[tilespmem:s30+$0xFFFFFFA0] =	vst v1;
	s6 =	spop (v2sf)  }
0x126: {  	v1 =	vld [tilespmem:s6+$0x580];
	_ =	sdelay $0x1  }
0x127: {  	(v2sf) =	vpush v0, $0x6;
	_ =	sdelay $0x2  }
0x128: {  	[tilespmem:s30+$0xFFFFFFB0] =	vst v1;
	s6 =	spop (v2sf)  }
0x129: {  	v1 =	vld [tilespmem:s6+$0x600];
	_ =	sdelay $0x1  }
0x12a: {  	(v2sf) =	vpush v0, $0x7;
	_ =	sdelay $0x2  }
0x12b: {  	[tilespmem:s30+$0xFFFFFFC0] =	vst v1;
	s6 =	spop (v2sf)  }
0x12c: {  	v1 =	vld [tilespmem:s6+$0x680];
	_ =	sdelay $0x1  }
0x12d: {  	(v2sf) =	vpush v0, $0x8;
	_ =	sdelay $0x2  }
0x12e: {  	[tilespmem:s30+$0xFFFFFFD0] =	vst v1;
	s6 =	spop (v2sf)  }
0x12f: {  	v1 =	vld [tilespmem:s6+$0x700];
	_ =	sdelay $0x1  }
0x130: {  	(v2sf) =	vpush v0, $0x9;
	_ =	sdelay $0x2  }
0x131: {  	[tilespmem:s30+$0xFFFFFFE0] =	vst v1;
	s6 =	spop (v2sf)  }
0x132: {  	v1 =	vld [tilespmem:s6+$0x780];
	_ =	sdelay $0x1  }
0x133: {  	(v2sf) =	vpush v0, $0xA;
	_ =	sdelay $0x2  }
0x134: {  	[tilespmem:s30+$0xFFFFFFF0] =	vst v1;
	s6 =	spop (v2sf)  }
0x135: {  	v1 =	vld [tilespmem:s6+$0x800];
	_ =	sdelay $0x1  }
0x136: {  	(v2sf) =	vpush v0, $0xB;
	_ =	sdelay $0x2  }
0x137: {  	[tilespmem:s30+$0x0] =	vst v1;
	s6 =	spop (v2sf)  }
0x138: {  	v1 =	vld [tilespmem:s6+$0x880];
	_ =	sdelay $0x1  }
0x139: {  	(v2sf) =	vpush v0, $0xC;
	_ =	sdelay $0x2  }
0x13a: {  	[tilespmem:s30+$0x10] =	vst v1;
	s6 =	spop (v2sf)  }
0x13b: {  	v1 =	vld [tilespmem:s6+$0x900];
	_ =	sdelay $0x1  }
0x13c: {  	(v2sf) =	vpush v0, $0xD;
	_ =	sdelay $0x2  }
0x13d: {  	[tilespmem:s30+$0x20] =	vst v1;
	s6 =	spop (v2sf)  }
0x13e: {  	v1 =	vld [tilespmem:s6+$0x980];
	_ =	sdelay $0x1  }
0x13f: {  	(v2sf) =	vpush v0, $0xE;
	_ =	sdelay $0x2  }
0x140: {  	[tilespmem:s30+$0x30] =	vst v1;
	s6 =	spop (v2sf)  }
0x141: {  	v1 =	vld [tilespmem:s6+$0xA00];
	_ =	sdelay $0x1  }
0x142: {  	(v2sf) =	vpush v0, $0xF;
	_ =	sdelay $0x2  }
0x143: {  	[tilespmem:s30+$0x40] =	vst v1;
	s6 =	spop (v2sf)  }
0x144: {  	v0 =	vld [tilespmem:s6+$0xA80];
	_ =	sdelay $0x4  }
0x145: {  	[tilespmem:s30+$0x50] =	vst v0;
	s6 =	spop (v2sf)  }
0x146: {  	v0 =	vld [tilespmem:s6+$0xB00];
	_ =	sdelay $0x1  }
.Ltmp9:
0x147: {  	(pc) =	sbr.rel @p0 .LBB2_14-.Ltmp9, $3  }
0x148: {  	_ =	sdelay $0x1  }
0x149: {  	[tilespmem:s30+$0x60] =	vst v0;
	s6 =	spop (v2sf)  }
0x14a: {  	v0 =	vld [tilespmem:s6+$0xB80]  }
0x14b: {  	_ =	sdelay $0x2  }
0x14c: {  	s6 =	sshll.u32 s28, $0x8  }
0x14d: {  	s29 =	simm.s32 $0x10400;
	p0 =	sgt.u32 s28, $0x31D;
	s6 =	sadd.s32 s13, s6;
	[tilespmem:s30+$0x70] =	vst v0  }
0x14e: {  	[hbm4b:s6+s2] =	stream.linear.scatter [tilespmem:s29], [sflag:$0x9], $0x800, $0x38;
	[tilespmem:$0x12400] =	vst v63  }
.Ltmp10:
0x14f: {  	s6 =	sshll.u32 @!p0 s28, $0x7;
	(pc) =	sbr.rel .LBB2_21-.Ltmp10, $4  }
0x150: {  	s6 =	sadd.s32 @!p0 s6, s9  }
0x151: {  	s6 =	sshrl.u32 @!p0 s6, $0x3  }
0x152: {  	s29 =	simm.s32 @!p0 $0x0;
	s6 =	sadd.s32 @!p0 s3, s6  }
0x153: {  	[tilespmem:s29], [sflag:$0x1] =	stream.linear.gather @!p0 [hbm4b:s6+s29], $0x80, $0x38;
	[tilespmem:$0x12400] =	vst v63  }
.LBB2_8:
0x154: {  	p0 =	slt.u32 s28, $0x4  }
0x155: {  	s6 =	simm.s32 @!p0 $0xA  }
0x156: {  	_ =	swait.ge @!p0 [sflag:s6], $0x800  }
0x157: {  	[sflag:s6] =	ssyncset.done @!p0 $0x0  }
0x158: {  	[sflag:s6] =	ssyncadd.s32 @!p0 $0xFFFFF800  }
0x159: {  	_ =	swait.ge [sflag:s22], $0x80  }
0x15a: {  	[sflag:s22] =	ssyncset.done $0x0  }
0x15b: {  	[sflag:s22] =	ssyncadd.s32 $0xFFFFFF80  }
0x15c: {  	v0 =	vld [tilespmem:$0x80]  }
0x15d: {  	v1 =	vld [tilespmem:$0x90]  }
0x15e: {  	v2 =	vld [tilespmem:$0xA0]  }
0x15f: {  	v3 =	vld [tilespmem:$0xB0]  }
0x160: {  	v4 =	vld [tilespmem:$0xC0]  }
0x161: {  	v5 =	vld [tilespmem:$0xD0];
	v0 =	vshra.s32 v0, $0x3  }
0x162: {  	v56 =	vld [tilespmem:$0xE0];
	v55 =	vshra.s32 v1, $0x3;
	[tilespmem:$0x280] =	vst v0  }
0x163: {  	v58 =	vld [tilespmem:$0xF0];
	v57 =	vshra.s32 v2, $0x3;
	[tilespmem:$0x290] =	vst v55  }
0x164: {  	v59 =	vshra.s32 v3, $0x3;
	[tilespmem:$0x2A0] =	vst v57  }
0x165: {  	p0 =	slt.u32 s28, $0x2;
	v60 =	vshra.s32 v4, $0x3;
	[tilespmem:$0x2B0] =	vst v59  }
.Ltmp11:
0x166: {  	v61 =	vshra.s32 v5, $0x3;
	[tilespmem:$0x2C0] =	vst v60;
	(pc) =	sbr.rel @p0 .LBB2_21-.Ltmp11, $4  }
0x167: {  	v62 =	vshra.s32 v56, $0x3;
	[tilespmem:$0x2D0] =	vst v61  }
0x168: {  	v63 =	vshra.s32 v58, $0x3;
	[tilespmem:$0x2E0] =	vst v62  }
0x169: {  	[tilespmem:$0x2F0] =	vst v63  }
0x16a: {  	[tilespmem:s24], [sflag:$0x6] =	stream.indirect.gather [hbm4b:s5+s14], $0x80, s23, s14, $0xb8;
	[tilespmem:$0x12400] =	vst v63  }
0x16b: {  	_ =	swait.ge [sflag:s25], $0x4000  }
0x16c: {  	[sflag:s25] =	ssyncset.done $0x0  }
0x16d: {  	s29 =	simm.s32 $0x180;
	[sflag:s25] =	ssyncadd.s32 $0xFFFFC000  }
0x16e: {  	v0 =	vld [tilespmem:s29+$0x0];
	_ =	sdelay $0x4  }
0x16f: {  	v0 =	vshll.u32 v0, $0x4  }
0x170: {  	s6 =	simm.s32 $0x0;
	v0 =	vand.u32 $0x70, v0  }
0x171: {  	v0 =	vadd.s32 s6, v0  }
0x172: {  	(v2sf) =	vpush v0, $0x0;
	_ =	sdelay $0x5  }
0x173: {  	(v2sf) =	vpush v0, $0x1;
	_ =	sdelay $0x5  }
0x174: {  	(v2sf) =	vpush v0, $0x2;
	_ =	sdelay $0x2  }
0x175: {  	s6 =	spop (v2sf)  }
0x176: {  	v1 =	vld [tilespmem:s6+$0xC400];
	_ =	sdelay $0x1  }
0x177: {  	(v2sf) =	vpush v0, $0x3;
	_ =	sdelay $0x1  }
0x178: {  	s30 =	simm.s32 $0x11C80  }
0x179: {  	s6 =	spop (v2sf);
	[tilespmem:s30+$0xFFFFFF80] =	vst v1  }
0x17a: {  	v1 =	vld [tilespmem:s6+$0xC480];
	_ =	sdelay $0x1  }
0x17b: {  	(v2sf) =	vpush v0, $0x4;
	_ =	sdelay $0x2  }
0x17c: {  	s6 =	spop (v2sf);
	[tilespmem:s30+$0xFFFFFF90] =	vst v1  }
0x17d: {  	v1 =	vld [tilespmem:s6+$0xC500];
	_ =	sdelay $0x1  }
0x17e: {  	(v2sf) =	vpush v0, $0x5;
	_ =	sdelay $0x2  }
0x17f: {  	s6 =	spop (v2sf);
	[tilespmem:s30+$0xFFFFFFA0] =	vst v1  }
0x180: {  	v1 =	vld [tilespmem:s6+$0xC580];
	_ =	sdelay $0x1  }
0x181: {  	(v2sf) =	vpush v0, $0x6;
	_ =	sdelay $0x2  }
0x182: {  	s6 =	spop (v2sf);
	[tilespmem:s30+$0xFFFFFFB0] =	vst v1  }
0x183: {  	v1 =	vld [tilespmem:s6+$0xC600];
	_ =	sdelay $0x1  }
0x184: {  	(v2sf) =	vpush v0, $0x7;
	_ =	sdelay $0x2  }
0x185: {  	s6 =	spop (v2sf);
	[tilespmem:s30+$0xFFFFFFC0] =	vst v1  }
0x186: {  	v1 =	vld [tilespmem:s6+$0xC680];
	_ =	sdelay $0x1  }
0x187: {  	(v2sf) =	vpush v0, $0x8;
	_ =	sdelay $0x2  }
0x188: {  	s6 =	spop (v2sf);
	[tilespmem:s30+$0xFFFFFFD0] =	vst v1  }
0x189: {  	v1 =	vld [tilespmem:s6+$0xC700];
	_ =	sdelay $0x1  }
0x18a: {  	(v2sf) =	vpush v0, $0x9;
	_ =	sdelay $0x2  }
0x18b: {  	s6 =	spop (v2sf);
	[tilespmem:s30+$0xFFFFFFE0] =	vst v1  }
0x18c: {  	v1 =	vld [tilespmem:s6+$0xC780];
	_ =	sdelay $0x1  }
0x18d: {  	(v2sf) =	vpush v0, $0xA;
	_ =	sdelay $0x2  }
0x18e: {  	s6 =	spop (v2sf);
	[tilespmem:s30+$0xFFFFFFF0] =	vst v1  }
0x18f: {  	v1 =	vld [tilespmem:s6+$0xC800];
	_ =	sdelay $0x1  }
0x190: {  	(v2sf) =	vpush v0, $0xB;
	_ =	sdelay $0x2  }
0x191: {  	s6 =	spop (v2sf);
	[tilespmem:s30+$0x0] =	vst v1  }
0x192: {  	v1 =	vld [tilespmem:s6+$0xC880];
	_ =	sdelay $0x1  }
0x193: {  	(v2sf) =	vpush v0, $0xC;
	_ =	sdelay $0x2  }
0x194: {  	s6 =	spop (v2sf);
	[tilespmem:s30+$0x10] =	vst v1  }
0x195: {  	v1 =	vld [tilespmem:s6+$0xC900];
	_ =	sdelay $0x1  }
0x196: {  	(v2sf) =	vpush v0, $0xD;
	_ =	sdelay $0x2  }
0x197: {  	s6 =	spop (v2sf);
	[tilespmem:s30+$0x20] =	vst v1  }
0x198: {  	v1 =	vld [tilespmem:s6+$0xC980];
	_ =	sdelay $0x1  }
0x199: {  	(v2sf) =	vpush v0, $0xE;
	_ =	sdelay $0x2  }
0x19a: {  	s6 =	spop (v2sf);
	[tilespmem:s30+$0x30] =	vst v1  }
0x19b: {  	v1 =	vld [tilespmem:s6+$0xCA00];
	_ =	sdelay $0x1  }
0x19c: {  	(v2sf) =	vpush v0, $0xF;
	_ =	sdelay $0x2  }
0x19d: {  	s6 =	spop (v2sf);
	[tilespmem:s30+$0x40] =	vst v1  }
0x19e: {  	v0 =	vld [tilespmem:s6+$0xCA80];
	_ =	sdelay $0x4  }
0x19f: {  	s6 =	spop (v2sf);
	[tilespmem:s30+$0x50] =	vst v0  }
0x1a0: {  	v0 =	vld [tilespmem:s6+$0xCB00];
	_ =	sdelay $0x4  }
0x1a1: {  	s6 =	spop (v2sf);
	[tilespmem:s30+$0x60] =	vst v0  }
0x1a2: {  	s31 =	simm.s32 $0x2000;
	v0 =	vld [tilespmem:s6+$0xCB80]  }
.LBB2_10:
0x1a3: {  	_ =	sdelay $0x3  }
0x1a4: {  	p0 =	sne.s32 s31, $0xE000;
	s29 =	sadd.s32 $0x10, s29;
	[tilespmem:s30+$0x70] =	vst v0;
	s30 =	sadd.s32 $0x100, s30  }
0x1a5: {  	s6 =	smov.u32 s31;
	s31 =	sadd.s32 $0x2000, s31;
	v0 =	vld [tilespmem:s29+$0x0];
	_ =	sdelay $0x4  }
0x1a6: {  	v0 =	vshll.u32 v0, $0x4  }
0x1a7: {  	s6 =	sshra.s32 s6, $0x2;
	v0 =	vand.u32 $0x70, v0  }
0x1a8: {  	v0 =	vadd.s32 s6, v0  }
0x1a9: {  	(v2sf) =	vpush v0, $0x0;
	_ =	sdelay $0x5  }
0x1aa: {  	(v2sf) =	vpush v0, $0x1;
	_ =	sdelay $0x5  }
0x1ab: {  	(v2sf) =	vpush v0, $0x2;
	_ =	sdelay $0x2  }
0x1ac: {  	s6 =	spop (v2sf)  }
0x1ad: {  	v1 =	vld [tilespmem:s6+$0xC400];
	_ =	sdelay $0x1  }
0x1ae: {  	(v2sf) =	vpush v0, $0x3;
	_ =	sdelay $0x2  }
0x1af: {  	[tilespmem:s30+$0xFFFFFF80] =	vst v1;
	s6 =	spop (v2sf)  }
0x1b0: {  	v1 =	vld [tilespmem:s6+$0xC480];
	_ =	sdelay $0x1  }
0x1b1: {  	(v2sf) =	vpush v0, $0x4;
	_ =	sdelay $0x2  }
0x1b2: {  	[tilespmem:s30+$0xFFFFFF90] =	vst v1;
	s6 =	spop (v2sf)  }
0x1b3: {  	v1 =	vld [tilespmem:s6+$0xC500];
	_ =	sdelay $0x1  }
0x1b4: {  	(v2sf) =	vpush v0, $0x5;
	_ =	sdelay $0x2  }
0x1b5: {  	[tilespmem:s30+$0xFFFFFFA0] =	vst v1;
	s6 =	spop (v2sf)  }
0x1b6: {  	v1 =	vld [tilespmem:s6+$0xC580];
	_ =	sdelay $0x1  }
0x1b7: {  	(v2sf) =	vpush v0, $0x6;
	_ =	sdelay $0x2  }
0x1b8: {  	[tilespmem:s30+$0xFFFFFFB0] =	vst v1;
	s6 =	spop (v2sf)  }
0x1b9: {  	v1 =	vld [tilespmem:s6+$0xC600];
	_ =	sdelay $0x1  }
0x1ba: {  	(v2sf) =	vpush v0, $0x7;
	_ =	sdelay $0x2  }
0x1bb: {  	[tilespmem:s30+$0xFFFFFFC0] =	vst v1;
	s6 =	spop (v2sf)  }
0x1bc: {  	v1 =	vld [tilespmem:s6+$0xC680];
	_ =	sdelay $0x1  }
0x1bd: {  	(v2sf) =	vpush v0, $0x8;
	_ =	sdelay $0x2  }
0x1be: {  	[tilespmem:s30+$0xFFFFFFD0] =	vst v1;
	s6 =	spop (v2sf)  }
0x1bf: {  	v1 =	vld [tilespmem:s6+$0xC700];
	_ =	sdelay $0x1  }
0x1c0: {  	(v2sf) =	vpush v0, $0x9;
	_ =	sdelay $0x2  }
0x1c1: {  	[tilespmem:s30+$0xFFFFFFE0] =	vst v1;
	s6 =	spop (v2sf)  }
0x1c2: {  	v1 =	vld [tilespmem:s6+$0xC780];
	_ =	sdelay $0x1  }
0x1c3: {  	(v2sf) =	vpush v0, $0xA;
	_ =	sdelay $0x2  }
0x1c4: {  	[tilespmem:s30+$0xFFFFFFF0] =	vst v1;
	s6 =	spop (v2sf)  }
0x1c5: {  	v1 =	vld [tilespmem:s6+$0xC800];
	_ =	sdelay $0x1  }
0x1c6: {  	(v2sf) =	vpush v0, $0xB;
	_ =	sdelay $0x2  }
0x1c7: {  	[tilespmem:s30+$0x0] =	vst v1;
	s6 =	spop (v2sf)  }
0x1c8: {  	v1 =	vld [tilespmem:s6+$0xC880];
	_ =	sdelay $0x1  }
0x1c9: {  	(v2sf) =	vpush v0, $0xC;
	_ =	sdelay $0x2  }
0x1ca: {  	[tilespmem:s30+$0x10] =	vst v1;
	s6 =	spop (v2sf)  }
0x1cb: {  	v1 =	vld [tilespmem:s6+$0xC900];
	_ =	sdelay $0x1  }
0x1cc: {  	(v2sf) =	vpush v0, $0xD;
	_ =	sdelay $0x2  }
0x1cd: {  	[tilespmem:s30+$0x20] =	vst v1;
	s6 =	spop (v2sf)  }
0x1ce: {  	v1 =	vld [tilespmem:s6+$0xC980];
	_ =	sdelay $0x1  }
0x1cf: {  	(v2sf) =	vpush v0, $0xE;
	_ =	sdelay $0x2  }
0x1d0: {  	[tilespmem:s30+$0x30] =	vst v1;
	s6 =	spop (v2sf)  }
0x1d1: {  	v1 =	vld [tilespmem:s6+$0xCA00];
	_ =	sdelay $0x1  }
0x1d2: {  	(v2sf) =	vpush v0, $0xF;
	_ =	sdelay $0x2  }
0x1d3: {  	[tilespmem:s30+$0x40] =	vst v1;
	s6 =	spop (v2sf)  }
0x1d4: {  	v0 =	vld [tilespmem:s6+$0xCA80];
	_ =	sdelay $0x4  }
0x1d5: {  	[tilespmem:s30+$0x50] =	vst v0;
	s6 =	spop (v2sf)  }
0x1d6: {  	v0 =	vld [tilespmem:s6+$0xCB00];
	_ =	sdelay $0x1  }
.Ltmp12:
0x1d7: {  	(pc) =	sbr.rel @p0 .LBB2_10-.Ltmp12, $3  }
0x1d8: {  	_ =	sdelay $0x1  }
0x1d9: {  	[tilespmem:s30+$0x60] =	vst v0;
	s6 =	spop (v2sf)  }
0x1da: {  	v0 =	vld [tilespmem:s6+$0xCB80]  }
0x1db: {  	_ =	sdelay $0x2  }
0x1dc: {  	s6 =	sshll.u32 s28, $0x8  }
0x1dd: {  	p0 =	sgt.u32 s28, $0x31D;
	s6 =	sadd.s32 s13, s6;
	[tilespmem:s30+$0x70] =	vst v0  }
0x1de: {  	[hbm4b:s6+s2] =	stream.linear.scatter [tilespmem:s26], [sflag:$0xC], $0x800, $0x38;
	[tilespmem:$0x12400] =	vst v63  }
.Ltmp13:
0x1df: {  	s6 =	sshll.u32 @!p0 s28, $0x7;
	(pc) =	sbr.rel .LBB2_21-.Ltmp13, $4  }
0x1e0: {  	s6 =	sadd.s32 @!p0 s6, s9  }
0x1e1: {  	s6 =	sshrl.u32 @!p0 s6, $0x3  }
0x1e2: {  	s29 =	simm.s32 @!p0 $0x0;
	s30 =	simm.s32 @!p0 $0x180;
	s6 =	sadd.s32 @!p0 s3, s6  }
0x1e3: {  	[tilespmem:s30], [sflag:$0x4] =	stream.linear.gather @!p0 [hbm4b:s6+s29], $0x80, $0x38;
	[tilespmem:$0x12400] =	vst v63  }
.LBB2_17:
0x1e4: {  	s6 =	simm.s32 @!p0 $0xC  }
0x1e5: {  	_ =	swait.ge @!p0 [sflag:s6], $0x800  }
0x1e6: {  	[sflag:s6] =	ssyncset.done @!p0 $0x0  }
0x1e7: {  	[sflag:s6] =	ssyncadd.s32 @!p0 $0xFFFFF800  }
0x1e8: {  	_ =	swait.ge [sflag:s7], $0x80  }
0x1e9: {  	[sflag:s7] =	ssyncset.done $0x0  }
0x1ea: {  	[sflag:s7] =	ssyncadd.s32 $0xFFFFFF80  }
0x1eb: {  	v0 =	vld [tilespmem:$0x180]  }
0x1ec: {  	v1 =	vld [tilespmem:$0x190]  }
0x1ed: {  	v2 =	vld [tilespmem:$0x1A0]  }
0x1ee: {  	v3 =	vld [tilespmem:$0x1B0]  }
0x1ef: {  	v4 =	vld [tilespmem:$0x1C0]  }
0x1f0: {  	v5 =	vld [tilespmem:$0x1D0];
	v0 =	vshra.s32 v0, $0x3  }
0x1f1: {  	v56 =	vld [tilespmem:$0x1E0];
	v55 =	vshra.s32 v1, $0x3;
	[tilespmem:$0x380] =	vst v0  }
0x1f2: {  	v58 =	vld [tilespmem:$0x1F0];
	v57 =	vshra.s32 v2, $0x3;
	[tilespmem:$0x390] =	vst v55  }
0x1f3: {  	v59 =	vshra.s32 v3, $0x3;
	[tilespmem:$0x3A0] =	vst v57  }
0x1f4: {  	p0 =	slt.u32 s28, $0x2;
	v60 =	vshra.s32 v4, $0x3;
	[tilespmem:$0x3B0] =	vst v59  }
.Ltmp14:
0x1f5: {  	v61 =	vshra.s32 v5, $0x3;
	[tilespmem:$0x3C0] =	vst v60;
	(pc) =	sbr.rel @p0 .LBB2_21-.Ltmp14, $4  }
0x1f6: {  	v62 =	vshra.s32 v56, $0x3;
	[tilespmem:$0x3D0] =	vst v61  }
0x1f7: {  	v63 =	vshra.s32 v58, $0x3;
	[tilespmem:$0x3E0] =	vst v62  }
0x1f8: {  	[tilespmem:$0x3F0] =	vst v63  }
0x1f9: {  	[tilespmem:s10], [sflag:$0x8] =	stream.indirect.gather [hbm4b:s5+s14], $0x80, s8, s14, $0xb8;
	[tilespmem:$0x12400] =	vst v63  }
0x1fa: {  	_ =	swait.ge [sflag:s11], $0x4000  }
0x1fb: {  	[sflag:s11] =	ssyncset.done $0x0  }
0x1fc: {  	s29 =	simm.s32 $0x80;
	[sflag:s11] =	ssyncadd.s32 $0xFFFFC000  }
0x1fd: {  	v0 =	vld [tilespmem:s29+$0x0];
	_ =	sdelay $0x4  }
0x1fe: {  	v0 =	vshll.u32 v0, $0x4  }
0x1ff: {  	s6 =	simm.s32 $0x0;
	v0 =	vand.u32 $0x70, v0  }
0x200: {  	v0 =	vadd.s32 s6, v0  }
0x201: {  	(v2sf) =	vpush v0, $0x0;
	_ =	sdelay $0x5  }
0x202: {  	(v2sf) =	vpush v0, $0x1;
	_ =	sdelay $0x5  }
0x203: {  	(v2sf) =	vpush v0, $0x2;
	_ =	sdelay $0x2  }
0x204: {  	s6 =	spop (v2sf)  }
0x205: {  	v1 =	vld [tilespmem:s6+$0x4400];
	_ =	sdelay $0x1  }
0x206: {  	(v2sf) =	vpush v0, $0x3;
	_ =	sdelay $0x1  }
0x207: {  	s30 =	simm.s32 $0x10C80  }
0x208: {  	s6 =	spop (v2sf);
	[tilespmem:s30+$0xFFFFFF80] =	vst v1  }
0x209: {  	v1 =	vld [tilespmem:s6+$0x4480];
	_ =	sdelay $0x1  }
0x20a: {  	(v2sf) =	vpush v0, $0x4;
	_ =	sdelay $0x2  }
0x20b: {  	s6 =	spop (v2sf);
	[tilespmem:s30+$0xFFFFFF90] =	vst v1  }
0x20c: {  	v1 =	vld [tilespmem:s6+$0x4500];
	_ =	sdelay $0x1  }
0x20d: {  	(v2sf) =	vpush v0, $0x5;
	_ =	sdelay $0x2  }
0x20e: {  	s6 =	spop (v2sf);
	[tilespmem:s30+$0xFFFFFFA0] =	vst v1  }
0x20f: {  	v1 =	vld [tilespmem:s6+$0x4580];
	_ =	sdelay $0x1  }
0x210: {  	(v2sf) =	vpush v0, $0x6;
	_ =	sdelay $0x2  }
0x211: {  	s6 =	spop (v2sf);
	[tilespmem:s30+$0xFFFFFFB0] =	vst v1  }
0x212: {  	v1 =	vld [tilespmem:s6+$0x4600];
	_ =	sdelay $0x1  }
0x213: {  	(v2sf) =	vpush v0, $0x7;
	_ =	sdelay $0x2  }
0x214: {  	s6 =	spop (v2sf);
	[tilespmem:s30+$0xFFFFFFC0] =	vst v1  }
0x215: {  	v1 =	vld [tilespmem:s6+$0x4680];
	_ =	sdelay $0x1  }
0x216: {  	(v2sf) =	vpush v0, $0x8;
	_ =	sdelay $0x2  }
0x217: {  	s6 =	spop (v2sf);
	[tilespmem:s30+$0xFFFFFFD0] =	vst v1  }
0x218: {  	v1 =	vld [tilespmem:s6+$0x4700];
	_ =	sdelay $0x1  }
0x219: {  	(v2sf) =	vpush v0, $0x9;
	_ =	sdelay $0x2  }
0x21a: {  	s6 =	spop (v2sf);
	[tilespmem:s30+$0xFFFFFFE0] =	vst v1  }
0x21b: {  	v1 =	vld [tilespmem:s6+$0x4780];
	_ =	sdelay $0x1  }
0x21c: {  	(v2sf) =	vpush v0, $0xA;
	_ =	sdelay $0x2  }
0x21d: {  	s6 =	spop (v2sf);
	[tilespmem:s30+$0xFFFFFFF0] =	vst v1  }
0x21e: {  	v1 =	vld [tilespmem:s6+$0x4800];
	_ =	sdelay $0x1  }
0x21f: {  	(v2sf) =	vpush v0, $0xB;
	_ =	sdelay $0x2  }
0x220: {  	s6 =	spop (v2sf);
	[tilespmem:s30+$0x0] =	vst v1  }
0x221: {  	v1 =	vld [tilespmem:s6+$0x4880];
	_ =	sdelay $0x1  }
0x222: {  	(v2sf) =	vpush v0, $0xC;
	_ =	sdelay $0x2  }
0x223: {  	s6 =	spop (v2sf);
	[tilespmem:s30+$0x10] =	vst v1  }
0x224: {  	v1 =	vld [tilespmem:s6+$0x4900];
	_ =	sdelay $0x1  }
0x225: {  	(v2sf) =	vpush v0, $0xD;
	_ =	sdelay $0x2  }
0x226: {  	s6 =	spop (v2sf);
	[tilespmem:s30+$0x20] =	vst v1  }
0x227: {  	v1 =	vld [tilespmem:s6+$0x4980];
	_ =	sdelay $0x1  }
0x228: {  	(v2sf) =	vpush v0, $0xE;
	_ =	sdelay $0x2  }
0x229: {  	s6 =	spop (v2sf);
	[tilespmem:s30+$0x30] =	vst v1  }
0x22a: {  	v1 =	vld [tilespmem:s6+$0x4A00];
	_ =	sdelay $0x1  }
0x22b: {  	(v2sf) =	vpush v0, $0xF;
	_ =	sdelay $0x2  }
0x22c: {  	s6 =	spop (v2sf);
	[tilespmem:s30+$0x40] =	vst v1  }
0x22d: {  	v0 =	vld [tilespmem:s6+$0x4A80];
	_ =	sdelay $0x4  }
0x22e: {  	s6 =	spop (v2sf);
	[tilespmem:s30+$0x50] =	vst v0  }
0x22f: {  	v0 =	vld [tilespmem:s6+$0x4B00];
	_ =	sdelay $0x4  }
0x230: {  	s6 =	spop (v2sf);
	[tilespmem:s30+$0x60] =	vst v0  }
0x231: {  	v0 =	vld [tilespmem:s6+$0x4B80];
	_ =	sdelay $0x3  }
0x232: {  	s31 =	simm.s32 $0x2000  }
.LBB2_19:
0x233: {  	p0 =	sne.s32 s31, $0xE000;
	[tilespmem:s30+$0x70] =	vst v0;
	s29 =	sadd.s32 $0x10, s29;
	s30 =	sadd.s32 $0x100, s30  }
0x234: {  	s6 =	smov.u32 s31;
	s31 =	sadd.s32 $0x2000, s31;
	v0 =	vld [tilespmem:s29+$0x0];
	_ =	sdelay $0x4  }
0x235: {  	v0 =	vshll.u32 v0, $0x4  }
0x236: {  	s6 =	sshra.s32 s6, $0x2;
	v0 =	vand.u32 $0x70, v0  }
0x237: {  	v0 =	vadd.s32 s6, v0  }
0x238: {  	(v2sf) =	vpush v0, $0x0;
	_ =	sdelay $0x5  }
0x239: {  	(v2sf) =	vpush v0, $0x1;
	_ =	sdelay $0x5  }
0x23a: {  	(v2sf) =	vpush v0, $0x2;
	_ =	sdelay $0x2  }
0x23b: {  	s6 =	spop (v2sf)  }
0x23c: {  	v1 =	vld [tilespmem:s6+$0x4400];
	_ =	sdelay $0x1  }
0x23d: {  	(v2sf) =	vpush v0, $0x3;
	_ =	sdelay $0x2  }
0x23e: {  	[tilespmem:s30+$0xFFFFFF80] =	vst v1;
	s6 =	spop (v2sf)  }
0x23f: {  	v1 =	vld [tilespmem:s6+$0x4480];
	_ =	sdelay $0x1  }
0x240: {  	(v2sf) =	vpush v0, $0x4;
	_ =	sdelay $0x2  }
0x241: {  	[tilespmem:s30+$0xFFFFFF90] =	vst v1;
	s6 =	spop (v2sf)  }
0x242: {  	v1 =	vld [tilespmem:s6+$0x4500];
	_ =	sdelay $0x1  }
0x243: {  	(v2sf) =	vpush v0, $0x5;
	_ =	sdelay $0x2  }
0x244: {  	[tilespmem:s30+$0xFFFFFFA0] =	vst v1;
	s6 =	spop (v2sf)  }
0x245: {  	v1 =	vld [tilespmem:s6+$0x4580];
	_ =	sdelay $0x1  }
0x246: {  	(v2sf) =	vpush v0, $0x6;
	_ =	sdelay $0x2  }
0x247: {  	[tilespmem:s30+$0xFFFFFFB0] =	vst v1;
	s6 =	spop (v2sf)  }
0x248: {  	v1 =	vld [tilespmem:s6+$0x4600];
	_ =	sdelay $0x1  }
0x249: {  	(v2sf) =	vpush v0, $0x7;
	_ =	sdelay $0x2  }
0x24a: {  	[tilespmem:s30+$0xFFFFFFC0] =	vst v1;
	s6 =	spop (v2sf)  }
0x24b: {  	v1 =	vld [tilespmem:s6+$0x4680];
	_ =	sdelay $0x1  }
0x24c: {  	(v2sf) =	vpush v0, $0x8;
	_ =	sdelay $0x2  }
0x24d: {  	[tilespmem:s30+$0xFFFFFFD0] =	vst v1;
	s6 =	spop (v2sf)  }
0x24e: {  	v1 =	vld [tilespmem:s6+$0x4700];
	_ =	sdelay $0x1  }
0x24f: {  	(v2sf) =	vpush v0, $0x9;
	_ =	sdelay $0x2  }
0x250: {  	[tilespmem:s30+$0xFFFFFFE0] =	vst v1;
	s6 =	spop (v2sf)  }
0x251: {  	v1 =	vld [tilespmem:s6+$0x4780];
	_ =	sdelay $0x1  }
0x252: {  	(v2sf) =	vpush v0, $0xA;
	_ =	sdelay $0x2  }
0x253: {  	[tilespmem:s30+$0xFFFFFFF0] =	vst v1;
	s6 =	spop (v2sf)  }
0x254: {  	v1 =	vld [tilespmem:s6+$0x4800];
	_ =	sdelay $0x1  }
0x255: {  	(v2sf) =	vpush v0, $0xB;
	_ =	sdelay $0x2  }
0x256: {  	[tilespmem:s30+$0x0] =	vst v1;
	s6 =	spop (v2sf)  }
0x257: {  	v1 =	vld [tilespmem:s6+$0x4880];
	_ =	sdelay $0x1  }
0x258: {  	(v2sf) =	vpush v0, $0xC;
	_ =	sdelay $0x2  }
0x259: {  	[tilespmem:s30+$0x10] =	vst v1;
	s6 =	spop (v2sf)  }
0x25a: {  	v1 =	vld [tilespmem:s6+$0x4900];
	_ =	sdelay $0x1  }
0x25b: {  	(v2sf) =	vpush v0, $0xD;
	_ =	sdelay $0x2  }
0x25c: {  	[tilespmem:s30+$0x20] =	vst v1;
	s6 =	spop (v2sf)  }
0x25d: {  	v1 =	vld [tilespmem:s6+$0x4980];
	_ =	sdelay $0x1  }
0x25e: {  	(v2sf) =	vpush v0, $0xE;
	_ =	sdelay $0x2  }
0x25f: {  	[tilespmem:s30+$0x30] =	vst v1;
	s6 =	spop (v2sf)  }
0x260: {  	v1 =	vld [tilespmem:s6+$0x4A00];
	_ =	sdelay $0x1  }
0x261: {  	(v2sf) =	vpush v0, $0xF;
	_ =	sdelay $0x2  }
0x262: {  	[tilespmem:s30+$0x40] =	vst v1;
	s6 =	spop (v2sf)  }
0x263: {  	v0 =	vld [tilespmem:s6+$0x4A80];
	_ =	sdelay $0x4  }
0x264: {  	[tilespmem:s30+$0x50] =	vst v0;
	s6 =	spop (v2sf)  }
0x265: {  	v0 =	vld [tilespmem:s6+$0x4B00];
	_ =	sdelay $0x1  }
.Ltmp15:
0x266: {  	(pc) =	sbr.rel @p0 .LBB2_19-.Ltmp15, $3  }
0x267: {  	_ =	sdelay $0x1  }
0x268: {  	[tilespmem:s30+$0x60] =	vst v0;
	s6 =	spop (v2sf)  }
0x269: {  	v0 =	vld [tilespmem:s6+$0x4B80]  }
.Ltmp16:
0x26a: {  	_ = 	snop;
	(pc) =	sbr.rel .LBB2_20-.Ltmp16, $1  }
0x26b: {  	_ =	sdelay $0x3  }
.LBB2_22:
0x26c: {  	_ =	swait.ge [sflag:s20], $0x4000  }
0x26d: {  	[sflag:s20] =	ssyncset.done $0x0  }
0x26e: {  	s28 =	simm.s32 $0x100;
	[sflag:s20] =	ssyncadd.s32 $0xFFFFC000  }
0x26f: {  	v0 =	vld [tilespmem:s28+$0x0];
	_ =	sdelay $0x4  }
0x270: {  	v0 =	vshll.u32 v0, $0x4  }
0x271: {  	s6 =	simm.s32 $0x0;
	v0 =	vand.u32 $0x70, v0  }
0x272: {  	v0 =	vadd.s32 s6, v0  }
0x273: {  	(v2sf) =	vpush v0, $0x0;
	_ =	sdelay $0x5  }
0x274: {  	(v2sf) =	vpush v0, $0x1;
	_ =	sdelay $0x5  }
0x275: {  	(v2sf) =	vpush v0, $0x2;
	_ =	sdelay $0x2  }
0x276: {  	s31 =	spop (v2sf)  }
0x277: {  	v1 =	vld [tilespmem:s31+$0x8400];
	_ =	sdelay $0x1  }
0x278: {  	(v2sf) =	vpush v0, $0x3;
	_ =	sdelay $0x1  }
0x279: {  	s29 =	simm.s32 $0x11480  }
0x27a: {  	s31 =	spop (v2sf);
	[tilespmem:s29+$0xFFFFFF80] =	vst v1  }
0x27b: {  	v1 =	vld [tilespmem:s31+$0x8480];
	_ =	sdelay $0x1  }
0x27c: {  	(v2sf) =	vpush v0, $0x4;
	_ =	sdelay $0x2  }
0x27d: {  	s31 =	spop (v2sf);
	[tilespmem:s29+$0xFFFFFF90] =	vst v1  }
0x27e: {  	v1 =	vld [tilespmem:s31+$0x8500];
	_ =	sdelay $0x1  }
0x27f: {  	(v2sf) =	vpush v0, $0x5;
	_ =	sdelay $0x2  }
0x280: {  	s31 =	spop (v2sf);
	[tilespmem:s29+$0xFFFFFFA0] =	vst v1  }
0x281: {  	v1 =	vld [tilespmem:s31+$0x8580];
	_ =	sdelay $0x1  }
0x282: {  	(v2sf) =	vpush v0, $0x6;
	_ =	sdelay $0x2  }
0x283: {  	s31 =	spop (v2sf);
	[tilespmem:s29+$0xFFFFFFB0] =	vst v1  }
0x284: {  	v1 =	vld [tilespmem:s31+$0x8600];
	_ =	sdelay $0x1  }
0x285: {  	(v2sf) =	vpush v0, $0x7;
	_ =	sdelay $0x2  }
0x286: {  	s31 =	spop (v2sf);
	[tilespmem:s29+$0xFFFFFFC0] =	vst v1  }
0x287: {  	v1 =	vld [tilespmem:s31+$0x8680];
	_ =	sdelay $0x1  }
0x288: {  	(v2sf) =	vpush v0, $0x8;
	_ =	sdelay $0x2  }
0x289: {  	s31 =	spop (v2sf);
	[tilespmem:s29+$0xFFFFFFD0] =	vst v1  }
0x28a: {  	v1 =	vld [tilespmem:s31+$0x8700];
	_ =	sdelay $0x1  }
0x28b: {  	(v2sf) =	vpush v0, $0x9;
	_ =	sdelay $0x2  }
0x28c: {  	s31 =	spop (v2sf);
	[tilespmem:s29+$0xFFFFFFE0] =	vst v1  }
0x28d: {  	v1 =	vld [tilespmem:s31+$0x8780];
	_ =	sdelay $0x1  }
0x28e: {  	(v2sf) =	vpush v0, $0xA;
	_ =	sdelay $0x2  }
0x28f: {  	s31 =	spop (v2sf);
	[tilespmem:s29+$0xFFFFFFF0] =	vst v1  }
0x290: {  	v1 =	vld [tilespmem:s31+$0x8800];
	_ =	sdelay $0x1  }
0x291: {  	(v2sf) =	vpush v0, $0xB;
	_ =	sdelay $0x2  }
0x292: {  	s31 =	spop (v2sf);
	[tilespmem:s29+$0x0] =	vst v1  }
0x293: {  	v1 =	vld [tilespmem:s31+$0x8880];
	_ =	sdelay $0x1  }
0x294: {  	(v2sf) =	vpush v0, $0xC;
	_ =	sdelay $0x2  }
0x295: {  	s31 =	spop (v2sf);
	[tilespmem:s29+$0x10] =	vst v1  }
0x296: {  	v1 =	vld [tilespmem:s31+$0x8900];
	_ =	sdelay $0x1  }
0x297: {  	(v2sf) =	vpush v0, $0xD;
	_ =	sdelay $0x2  }
0x298: {  	s31 =	spop (v2sf);
	[tilespmem:s29+$0x20] =	vst v1  }
0x299: {  	v1 =	vld [tilespmem:s31+$0x8980];
	_ =	sdelay $0x1  }
0x29a: {  	(v2sf) =	vpush v0, $0xE;
	_ =	sdelay $0x2  }
0x29b: {  	s31 =	spop (v2sf);
	[tilespmem:s29+$0x30] =	vst v1  }
0x29c: {  	v1 =	vld [tilespmem:s31+$0x8A00];
	_ =	sdelay $0x1  }
0x29d: {  	(v2sf) =	vpush v0, $0xF;
	_ =	sdelay $0x2  }
0x29e: {  	s31 =	spop (v2sf);
	[tilespmem:s29+$0x40] =	vst v1  }
0x29f: {  	v0 =	vld [tilespmem:s31+$0x8A80];
	_ =	sdelay $0x4  }
0x2a0: {  	s31 =	spop (v2sf);
	[tilespmem:s29+$0x50] =	vst v0  }
0x2a1: {  	v0 =	vld [tilespmem:s31+$0x8B00];
	_ =	sdelay $0x4  }
0x2a2: {  	s31 =	spop (v2sf);
	[tilespmem:s29+$0x60] =	vst v0  }
0x2a3: {  	s30 =	simm.s32 $0x2000;
	v0 =	vld [tilespmem:s31+$0x8B80]  }
.LBB2_23:
0x2a4: {  	_ =	sdelay $0x3  }
0x2a5: {  	p0 =	sne.s32 s30, $0xE000;
	s28 =	sadd.s32 $0x10, s28;
	[tilespmem:s29+$0x70] =	vst v0;
	s29 =	sadd.s32 $0x100, s29  }
0x2a6: {  	s6 =	smov.u32 s30;
	s30 =	sadd.s32 $0x2000, s30;
	v0 =	vld [tilespmem:s28+$0x0];
	_ =	sdelay $0x4  }
0x2a7: {  	v0 =	vshll.u32 v0, $0x4  }
0x2a8: {  	s6 =	sshra.s32 s6, $0x2;
	v0 =	vand.u32 $0x70, v0  }
0x2a9: {  	v0 =	vadd.s32 s6, v0  }
0x2aa: {  	(v2sf) =	vpush v0, $0x0;
	_ =	sdelay $0x5  }
0x2ab: {  	(v2sf) =	vpush v0, $0x1;
	_ =	sdelay $0x5  }
0x2ac: {  	(v2sf) =	vpush v0, $0x2;
	_ =	sdelay $0x2  }
0x2ad: {  	s6 =	spop (v2sf)  }
0x2ae: {  	v1 =	vld [tilespmem:s6+$0x8400];
	_ =	sdelay $0x1  }
0x2af: {  	(v2sf) =	vpush v0, $0x3;
	_ =	sdelay $0x2  }
0x2b0: {  	[tilespmem:s29+$0xFFFFFF80] =	vst v1;
	s6 =	spop (v2sf)  }
0x2b1: {  	v1 =	vld [tilespmem:s6+$0x8480];
	_ =	sdelay $0x1  }
0x2b2: {  	(v2sf) =	vpush v0, $0x4;
	_ =	sdelay $0x2  }
0x2b3: {  	[tilespmem:s29+$0xFFFFFF90] =	vst v1;
	s6 =	spop (v2sf)  }
0x2b4: {  	v1 =	vld [tilespmem:s6+$0x8500];
	_ =	sdelay $0x1  }
0x2b5: {  	(v2sf) =	vpush v0, $0x5;
	_ =	sdelay $0x2  }
0x2b6: {  	[tilespmem:s29+$0xFFFFFFA0] =	vst v1;
	s6 =	spop (v2sf)  }
0x2b7: {  	v1 =	vld [tilespmem:s6+$0x8580];
	_ =	sdelay $0x1  }
0x2b8: {  	(v2sf) =	vpush v0, $0x6;
	_ =	sdelay $0x2  }
0x2b9: {  	[tilespmem:s29+$0xFFFFFFB0] =	vst v1;
	s6 =	spop (v2sf)  }
0x2ba: {  	v1 =	vld [tilespmem:s6+$0x8600];
	_ =	sdelay $0x1  }
0x2bb: {  	(v2sf) =	vpush v0, $0x7;
	_ =	sdelay $0x2  }
0x2bc: {  	[tilespmem:s29+$0xFFFFFFC0] =	vst v1;
	s6 =	spop (v2sf)  }
0x2bd: {  	v1 =	vld [tilespmem:s6+$0x8680];
	_ =	sdelay $0x1  }
0x2be: {  	(v2sf) =	vpush v0, $0x8;
	_ =	sdelay $0x2  }
0x2bf: {  	[tilespmem:s29+$0xFFFFFFD0] =	vst v1;
	s6 =	spop (v2sf)  }
0x2c0: {  	v1 =	vld [tilespmem:s6+$0x8700];
	_ =	sdelay $0x1  }
0x2c1: {  	(v2sf) =	vpush v0, $0x9;
	_ =	sdelay $0x2  }
0x2c2: {  	[tilespmem:s29+$0xFFFFFFE0] =	vst v1;
	s6 =	spop (v2sf)  }
0x2c3: {  	v1 =	vld [tilespmem:s6+$0x8780];
	_ =	sdelay $0x1  }
0x2c4: {  	(v2sf) =	vpush v0, $0xA;
	_ =	sdelay $0x2  }
0x2c5: {  	[tilespmem:s29+$0xFFFFFFF0] =	vst v1;
	s6 =	spop (v2sf)  }
0x2c6: {  	v1 =	vld [tilespmem:s6+$0x8800];
	_ =	sdelay $0x1  }
0x2c7: {  	(v2sf) =	vpush v0, $0xB;
	_ =	sdelay $0x2  }
0x2c8: {  	[tilespmem:s29+$0x0] =	vst v1;
	s6 =	spop (v2sf)  }
0x2c9: {  	v1 =	vld [tilespmem:s6+$0x8880];
	_ =	sdelay $0x1  }
0x2ca: {  	(v2sf) =	vpush v0, $0xC;
	_ =	sdelay $0x2  }
0x2cb: {  	[tilespmem:s29+$0x10] =	vst v1;
	s6 =	spop (v2sf)  }
0x2cc: {  	v1 =	vld [tilespmem:s6+$0x8900];
	_ =	sdelay $0x1  }
0x2cd: {  	(v2sf) =	vpush v0, $0xD;
	_ =	sdelay $0x2  }
0x2ce: {  	[tilespmem:s29+$0x20] =	vst v1;
	s6 =	spop (v2sf)  }
0x2cf: {  	v1 =	vld [tilespmem:s6+$0x8980];
	_ =	sdelay $0x1  }
0x2d0: {  	(v2sf) =	vpush v0, $0xE;
	_ =	sdelay $0x2  }
0x2d1: {  	[tilespmem:s29+$0x30] =	vst v1;
	s6 =	spop (v2sf)  }
0x2d2: {  	v1 =	vld [tilespmem:s6+$0x8A00];
	_ =	sdelay $0x1  }
0x2d3: {  	(v2sf) =	vpush v0, $0xF;
	_ =	sdelay $0x2  }
0x2d4: {  	[tilespmem:s29+$0x40] =	vst v1;
	s6 =	spop (v2sf)  }
0x2d5: {  	v0 =	vld [tilespmem:s6+$0x8A80];
	_ =	sdelay $0x4  }
0x2d6: {  	[tilespmem:s29+$0x50] =	vst v0;
	s6 =	spop (v2sf)  }
0x2d7: {  	v0 =	vld [tilespmem:s6+$0x8B00];
	_ =	sdelay $0x1  }
.Ltmp17:
0x2d8: {  	(pc) =	sbr.rel @p0 .LBB2_23-.Ltmp17, $3  }
0x2d9: {  	_ =	sdelay $0x1  }
0x2da: {  	[tilespmem:s29+$0x60] =	vst v0;
	s6 =	spop (v2sf)  }
0x2db: {  	v0 =	vld [tilespmem:s6+$0x8B80]  }
0x2dc: {  	_ =	sdelay $0x3  }
0x2dd: {  	s6 =	simm.s32 $0x0;
	s28 =	rddreg [dreg:$0x7];
	[tilespmem:s29+$0x70] =	vst v0  }
0x2de: {  	[hbm4b:s28+s6] =	stream.linear.scatter [tilespmem:s21], [sflag:$0xB], $0x800, $0x38;
	[tilespmem:$0x12400] =	vst v63  }
0x2df: {  	_ =	swait.ge [sflag:s25], $0x4000  }
0x2e0: {  	[sflag:s25] =	ssyncset.done $0x0  }
0x2e1: {  	s28 =	simm.s32 $0x180;
	[sflag:s25] =	ssyncadd.s32 $0xFFFFC000  }
0x2e2: {  	v0 =	vld [tilespmem:s28+$0x0];
	_ =	sdelay $0x4  }
0x2e3: {  	v0 =	vshll.u32 v0, $0x4  }
0x2e4: {  	s31 =	simm.s32 $0x0;
	v0 =	vand.u32 $0x70, v0  }
0x2e5: {  	v0 =	vadd.s32 s31, v0  }
0x2e6: {  	(v2sf) =	vpush v0, $0x0;
	_ =	sdelay $0x5  }
0x2e7: {  	(v2sf) =	vpush v0, $0x1;
	_ =	sdelay $0x5  }
0x2e8: {  	(v2sf) =	vpush v0, $0x2;
	_ =	sdelay $0x2  }
0x2e9: {  	s31 =	spop (v2sf)  }
0x2ea: {  	v1 =	vld [tilespmem:s31+$0xC400];
	_ =	sdelay $0x1  }
0x2eb: {  	(v2sf) =	vpush v0, $0x3;
	_ =	sdelay $0x1  }
0x2ec: {  	s29 =	simm.s32 $0x11C80  }
0x2ed: {  	s31 =	spop (v2sf);
	[tilespmem:s29+$0xFFFFFF80] =	vst v1  }
0x2ee: {  	v1 =	vld [tilespmem:s31+$0xC480];
	_ =	sdelay $0x1  }
0x2ef: {  	(v2sf) =	vpush v0, $0x4;
	_ =	sdelay $0x2  }
0x2f0: {  	s31 =	spop (v2sf);
	[tilespmem:s29+$0xFFFFFF90] =	vst v1  }
0x2f1: {  	v1 =	vld [tilespmem:s31+$0xC500];
	_ =	sdelay $0x1  }
0x2f2: {  	(v2sf) =	vpush v0, $0x5;
	_ =	sdelay $0x2  }
0x2f3: {  	s31 =	spop (v2sf);
	[tilespmem:s29+$0xFFFFFFA0] =	vst v1  }
0x2f4: {  	v1 =	vld [tilespmem:s31+$0xC580];
	_ =	sdelay $0x1  }
0x2f5: {  	(v2sf) =	vpush v0, $0x6;
	_ =	sdelay $0x2  }
0x2f6: {  	s31 =	spop (v2sf);
	[tilespmem:s29+$0xFFFFFFB0] =	vst v1  }
0x2f7: {  	v1 =	vld [tilespmem:s31+$0xC600];
	_ =	sdelay $0x1  }
0x2f8: {  	(v2sf) =	vpush v0, $0x7;
	_ =	sdelay $0x2  }
0x2f9: {  	s31 =	spop (v2sf);
	[tilespmem:s29+$0xFFFFFFC0] =	vst v1  }
0x2fa: {  	v1 =	vld [tilespmem:s31+$0xC680];
	_ =	sdelay $0x1  }
0x2fb: {  	(v2sf) =	vpush v0, $0x8;
	_ =	sdelay $0x2  }
0x2fc: {  	s31 =	spop (v2sf);
	[tilespmem:s29+$0xFFFFFFD0] =	vst v1  }
0x2fd: {  	v1 =	vld [tilespmem:s31+$0xC700];
	_ =	sdelay $0x1  }
0x2fe: {  	(v2sf) =	vpush v0, $0x9;
	_ =	sdelay $0x2  }
0x2ff: {  	s31 =	spop (v2sf);
	[tilespmem:s29+$0xFFFFFFE0] =	vst v1  }
0x300: {  	v1 =	vld [tilespmem:s31+$0xC780];
	_ =	sdelay $0x1  }
0x301: {  	(v2sf) =	vpush v0, $0xA;
	_ =	sdelay $0x2  }
0x302: {  	s31 =	spop (v2sf);
	[tilespmem:s29+$0xFFFFFFF0] =	vst v1  }
0x303: {  	v1 =	vld [tilespmem:s31+$0xC800];
	_ =	sdelay $0x1  }
0x304: {  	(v2sf) =	vpush v0, $0xB;
	_ =	sdelay $0x2  }
0x305: {  	s31 =	spop (v2sf);
	[tilespmem:s29+$0x0] =	vst v1  }
0x306: {  	v1 =	vld [tilespmem:s31+$0xC880];
	_ =	sdelay $0x1  }
0x307: {  	(v2sf) =	vpush v0, $0xC;
	_ =	sdelay $0x2  }
0x308: {  	s31 =	spop (v2sf);
	[tilespmem:s29+$0x10] =	vst v1  }
0x309: {  	v1 =	vld [tilespmem:s31+$0xC900];
	_ =	sdelay $0x1  }
0x30a: {  	(v2sf) =	vpush v0, $0xD;
	_ =	sdelay $0x2  }
0x30b: {  	s31 =	spop (v2sf);
	[tilespmem:s29+$0x20] =	vst v1  }
0x30c: {  	v1 =	vld [tilespmem:s31+$0xC980];
	_ =	sdelay $0x1  }
0x30d: {  	(v2sf) =	vpush v0, $0xE;
	_ =	sdelay $0x2  }
0x30e: {  	s31 =	spop (v2sf);
	[tilespmem:s29+$0x30] =	vst v1  }
0x30f: {  	v1 =	vld [tilespmem:s31+$0xCA00];
	_ =	sdelay $0x1  }
0x310: {  	(v2sf) =	vpush v0, $0xF;
	_ =	sdelay $0x2  }
0x311: {  	s31 =	spop (v2sf);
	[tilespmem:s29+$0x40] =	vst v1  }
0x312: {  	v0 =	vld [tilespmem:s31+$0xCA80];
	_ =	sdelay $0x4  }
0x313: {  	s31 =	spop (v2sf);
	[tilespmem:s29+$0x50] =	vst v0  }
0x314: {  	v0 =	vld [tilespmem:s31+$0xCB00];
	_ =	sdelay $0x4  }
0x315: {  	s31 =	spop (v2sf);
	[tilespmem:s29+$0x60] =	vst v0  }
0x316: {  	s30 =	simm.s32 $0x2000;
	v0 =	vld [tilespmem:s31+$0xCB80]  }
.LBB2_25:
0x317: {  	_ =	sdelay $0x3  }
0x318: {  	p0 =	sne.s32 s30, $0xE000;
	s28 =	sadd.s32 $0x10, s28;
	[tilespmem:s29+$0x70] =	vst v0;
	s29 =	sadd.s32 $0x100, s29  }
0x319: {  	s6 =	smov.u32 s30;
	s30 =	sadd.s32 $0x2000, s30;
	v0 =	vld [tilespmem:s28+$0x0];
	_ =	sdelay $0x4  }
0x31a: {  	v0 =	vshll.u32 v0, $0x4  }
0x31b: {  	s6 =	sshra.s32 s6, $0x2;
	v0 =	vand.u32 $0x70, v0  }
0x31c: {  	v0 =	vadd.s32 s6, v0  }
0x31d: {  	(v2sf) =	vpush v0, $0x0;
	_ =	sdelay $0x5  }
0x31e: {  	(v2sf) =	vpush v0, $0x1;
	_ =	sdelay $0x5  }
0x31f: {  	(v2sf) =	vpush v0, $0x2;
	_ =	sdelay $0x2  }
0x320: {  	s6 =	spop (v2sf)  }
0x321: {  	v1 =	vld [tilespmem:s6+$0xC400];
	_ =	sdelay $0x1  }
0x322: {  	(v2sf) =	vpush v0, $0x3;
	_ =	sdelay $0x2  }
0x323: {  	[tilespmem:s29+$0xFFFFFF80] =	vst v1;
	s6 =	spop (v2sf)  }
0x324: {  	v1 =	vld [tilespmem:s6+$0xC480];
	_ =	sdelay $0x1  }
0x325: {  	(v2sf) =	vpush v0, $0x4;
	_ =	sdelay $0x2  }
0x326: {  	[tilespmem:s29+$0xFFFFFF90] =	vst v1;
	s6 =	spop (v2sf)  }
0x327: {  	v1 =	vld [tilespmem:s6+$0xC500];
	_ =	sdelay $0x1  }
0x328: {  	(v2sf) =	vpush v0, $0x5;
	_ =	sdelay $0x2  }
0x329: {  	[tilespmem:s29+$0xFFFFFFA0] =	vst v1;
	s6 =	spop (v2sf)  }
0x32a: {  	v1 =	vld [tilespmem:s6+$0xC580];
	_ =	sdelay $0x1  }
0x32b: {  	(v2sf) =	vpush v0, $0x6;
	_ =	sdelay $0x2  }
0x32c: {  	[tilespmem:s29+$0xFFFFFFB0] =	vst v1;
	s6 =	spop (v2sf)  }
0x32d: {  	v1 =	vld [tilespmem:s6+$0xC600];
	_ =	sdelay $0x1  }
0x32e: {  	(v2sf) =	vpush v0, $0x7;
	_ =	sdelay $0x2  }
0x32f: {  	[tilespmem:s29+$0xFFFFFFC0] =	vst v1;
	s6 =	spop (v2sf)  }
0x330: {  	v1 =	vld [tilespmem:s6+$0xC680];
	_ =	sdelay $0x1  }
0x331: {  	(v2sf) =	vpush v0, $0x8;
	_ =	sdelay $0x2  }
0x332: {  	[tilespmem:s29+$0xFFFFFFD0] =	vst v1;
	s6 =	spop (v2sf)  }
0x333: {  	v1 =	vld [tilespmem:s6+$0xC700];
	_ =	sdelay $0x1  }
0x334: {  	(v2sf) =	vpush v0, $0x9;
	_ =	sdelay $0x2  }
0x335: {  	[tilespmem:s29+$0xFFFFFFE0] =	vst v1;
	s6 =	spop (v2sf)  }
0x336: {  	v1 =	vld [tilespmem:s6+$0xC780];
	_ =	sdelay $0x1  }
0x337: {  	(v2sf) =	vpush v0, $0xA;
	_ =	sdelay $0x2  }
0x338: {  	[tilespmem:s29+$0xFFFFFFF0] =	vst v1;
	s6 =	spop (v2sf)  }
0x339: {  	v1 =	vld [tilespmem:s6+$0xC800];
	_ =	sdelay $0x1  }
0x33a: {  	(v2sf) =	vpush v0, $0xB;
	_ =	sdelay $0x2  }
0x33b: {  	[tilespmem:s29+$0x0] =	vst v1;
	s6 =	spop (v2sf)  }
0x33c: {  	v1 =	vld [tilespmem:s6+$0xC880];
	_ =	sdelay $0x1  }
0x33d: {  	(v2sf) =	vpush v0, $0xC;
	_ =	sdelay $0x2  }
0x33e: {  	[tilespmem:s29+$0x10] =	vst v1;
	s6 =	spop (v2sf)  }
0x33f: {  	v1 =	vld [tilespmem:s6+$0xC900];
	_ =	sdelay $0x1  }
0x340: {  	(v2sf) =	vpush v0, $0xD;
	_ =	sdelay $0x2  }
0x341: {  	[tilespmem:s29+$0x20] =	vst v1;
	s6 =	spop (v2sf)  }
0x342: {  	v1 =	vld [tilespmem:s6+$0xC980];
	_ =	sdelay $0x1  }
0x343: {  	(v2sf) =	vpush v0, $0xE;
	_ =	sdelay $0x2  }
0x344: {  	[tilespmem:s29+$0x30] =	vst v1;
	s6 =	spop (v2sf)  }
0x345: {  	v1 =	vld [tilespmem:s6+$0xCA00];
	_ =	sdelay $0x1  }
0x346: {  	(v2sf) =	vpush v0, $0xF;
	_ =	sdelay $0x2  }
0x347: {  	[tilespmem:s29+$0x40] =	vst v1;
	s6 =	spop (v2sf)  }
0x348: {  	v0 =	vld [tilespmem:s6+$0xCA80];
	_ =	sdelay $0x4  }
0x349: {  	[tilespmem:s29+$0x50] =	vst v0;
	s6 =	spop (v2sf)  }
0x34a: {  	v0 =	vld [tilespmem:s6+$0xCB00];
	_ =	sdelay $0x1  }
.Ltmp18:
0x34b: {  	(pc) =	sbr.rel @p0 .LBB2_25-.Ltmp18, $3  }
0x34c: {  	_ =	sdelay $0x1  }
0x34d: {  	[tilespmem:s29+$0x60] =	vst v0;
	s6 =	spop (v2sf)  }
0x34e: {  	v0 =	vld [tilespmem:s6+$0xCB80]  }
0x34f: {  	_ =	sdelay $0x3  }
0x350: {  	s6 =	rddreg [dreg:$0x8];
	s28 =	simm.s32 $0x9;
	[tilespmem:s29+$0x70] =	vst v0  }
0x351: {  	[hbm4b:s6+s2] =	stream.linear.scatter [tilespmem:s26], [sflag:$0xC], $0x800, $0x38;
	[tilespmem:$0x12400] =	vst v63  }
0x352: {  	_ =	swait.ge [sflag:s28], $0x800  }
0x353: {  	[sflag:s28] =	ssyncset.done $0x0  }
0x354: {  	s29 =	simm.s32 $0xA;
	[sflag:s28] =	ssyncadd.s32 $0xFFFFF800  }
0x355: {  	_ =	swait.ge [sflag:s29], $0x800  }
0x356: {  	[sflag:s29] =	ssyncset.done $0x0  }
0x357: {  	s30 =	simm.s32 $0xB;
	[sflag:s29] =	ssyncadd.s32 $0xFFFFF800  }
0x358: {  	_ =	swait.ge [sflag:s30], $0x800  }
0x359: {  	[sflag:s30] =	ssyncset.done $0x0  }
0x35a: {  	s28 =	simm.s32 $0xC;
	[sflag:s30] =	ssyncadd.s32 $0xFFFFF800  }
0x35b: {  	_ =	swait.ge [sflag:s28], $0x800  }
0x35c: {  	s4 =	sadd.s32 $0x1, s4;
	s31 =	rddreg [dreg:$0x9]  }
0x35d: {  	p0 =	sne.s32 s4, s31  }
.Ltmp19:
0x35e: {  	_ = 	snop;
	(pc) =	sbr.rel @p0 .LBB2_1-.Ltmp19, $3  }
0x35f: {  	_ =	sdelay $0x1  }
0x360: {  	[sflag:s28] =	ssyncset.done $0x0  }
0x361: {  	[sflag:s28] =	ssyncadd.s32 $0xFFFFF800  }
0x362: {  	_ =	sfence.sel $0x180000  }
0x363: {  	[bflag:$0x0] =	sbarrier.arrive $0xFFFF  }
0x364: {  	_ =	strace $0x90000047  }
0x365: {  	s0 =	stileid.u32;
	[bflag:$0x2] =	sbarrier.arrive $0xFFFF  }
0x366: {  	p0 =	sne.s32 s0, $0x0;
	s0 =	rddreg [dreg:$0x2]  }
0x367: {  	s0 =	sadd.s32 @!p0 $0x100000, s0  }
0x368: {  	[sflag:s0] =	ssyncadd.tile.s32 @!p0 $0x1;
	_ =	shalt  }
.Lfunc_end2:
_tile_overlayer_lowered:
.L_overlay_start_2:
0x369: {  	(tag) =	ssettag $0x2  }
0x36a: {  	s0 =	rddreg [dreg:$0x0];
	s2 =	stileid.u32  }
0x36b: {  	s1 =	rddreg [dreg:$0x1];
	p0 =	sne.s32 s2, $0x0  }
0x36c: {  	s3 =	rddreg [dreg:$0x2];
	[bflag:$0x3] =	sbarrier.arrive $0xFFFF;
	s2 =	simm.s32 @!p0 $0x1C0D  }
0x36d: {  	[timem:s3], [sflag:s2] =	dma.local @!p0 [hbm:s0], s1  }
0x36e: {  	s0 =	simm.s32 @!p0 $0xD  }
0x36f: {  	_ =	swait.ge @!p0 [sflag:s0], s1  }
0x370: {  	s1 =	ssub.s32 @!p0 $0x0, s1;
	[sflag:s0] =	ssyncset.done @!p0 $0x0  }
0x371: {  	[sflag:s0] =	ssyncadd.s32 @!p0 s1  }
0x372: {  	[bflag:$0x3] =	sbarrier.arrive $0xFFFF  }
0x373: {  	_ =	shalt  }

// kernel: sparse-core-data-format-call.cloned.1.call-start
scs
called_computation_lowered:
.L_overlay_start_0:
0x0: {  	s2 =	sld [smem:$0x3FD9]  }
0x1: {  	s3 =	sld [smem:$0x3FFE];
	_ =	sdelay $0x1  }
0x2: {  	s1 =	srdreg.scid  }
0x3: {  	s0 =	sand.u32 $0x1, s1  }
0x4: {  	s18 =	sshll.u32 s0, $0xA;
	s2 =	sadd.s32 s3, s2  }
0x5: {  	s2 =	sadd.s32 s2, s18  }
0x6: {  	[smem:$0x3FC6] =	sst s2  }
0x7: {  	_ = 	snop  }
0x8: {  	s2 =	sld [smem:$0x3FD0];
	(tm) =	ssettm $0x1  }
0x9: {  	s19 =	sld [smem:$0x3FFB];
	_ =	sdelay $0x3  }
0xa: {  	_ =	strace s19  }
0xb: {  	s3 =	sld [smem:$0x3FFC];
	_ =	sdelay $0x3  }
0xc: {  	_ =	strace s3  }
0xd: {  	s3 =	sld [smem:$0x3FFD];
	_ =	sdelay $0x3  }
0xe: {  	_ =	strace s3  }
0xf: {  	_ =	strace $0x8FFFFFFF  }
0x10: {  	s20 =	sld [smem:$0x3FDB];
	_ =	sdelay $0x1  }
0x11: {  	s4 =	simm.s32 $_scs_section_size  }
0x12: {  	s5 =	simm.s32 $_size__tile_overlayer_lowered;
	s6 =	simm.s32 $_tile_overlayer_lowered  }
0x13: {  	s23 =	simm.s32 $0x1BFF;
	s22 =	sshll.u32 s6, $0x1;
	s3 =	sadd.s32 s4, s20  }
0x14: {  	s7 =	simm.s32 $0x0;
	s21 =	sshll.u32 s5, $0x1;
	s5 =	sadd.s32 s22, s3  }
0x15: {  	[timem:s7], [sflag:s23] =	dma.local [hbm:s5], s21  }
0x16: {  	_ =	swait.ge [sflag:s23], s21  }
0x17: {  	s4 =	ssub.s32 $0x0, s21;
	[sflag:s23] =	ssyncset.done $0x0  }
0x18: {  	[sflag:s23] =	ssyncadd.s32 s4;
	_ =	sdelay $0x1  }
0x19: {  	s24 =	simm.s32 $0x1B8B  }
0x1a: {  	_ =	swait.ge [sflag:s24], $0x1  }
0x1b: {  	[sflag:s24] =	ssyncset.done $0x0  }
0x1c: {  	s26 =	simm.s32 $0x1B8E;
	s25 =	sld [smem:$0x3FFE];
	[sflag:s24] =	ssyncadd.s32 $0xFFFFFFFF  }
0x1d: {  	s27 =	simm.s32 $execute0_lowered;
	[smem:$0x3FD2] =	sst s26  }
0x1e: {  	s5 =	sshll.u32 s27, $0x1;
	_ =	strace $0x80000049;
	[dreg:$0x1] =	wrdreg $0xFFFFFFFF  }
0x1f: {  	s28 =	simm.s32 $_size_execute0_lowered;
	s3 =	sadd.s32 s3, s5;
	[dreg:$0x0] =	wrdreg $0x0  }
0x20: {  	s5 =	sshll.u32 s28, $0x1;
	[dreg:$0x2] =	wrdreg s3  }
0x21: {  	[dreg:$0x3] =	wrdreg s5  }
0x22: {  	[dreg:$0x4] =	wrdreg $0xC0  }
0x23: {  	_ =	task [dreg:s7], $0x5FFFF  }
0x24: {  	[dreg:$0x1] =	wrdreg $0xFFFFFFFF  }
0x25: {  	[dreg:$0x0] =	wrdreg $0x60  }
0x26: {  	[dreg:$0x2] =	wrdreg s25  }
0x27: {  	[dreg:$0x3] =	wrdreg s2  }
0x28: {  	[dreg:$0x4] =	wrdreg $0x9  }
0x29: {  	_ =	task.clear_ibuf [dreg:s7], $0x5FFFF;
	_ =	strace $0x90000049  }
0x2a: {  	s29 =	simm.s32 $0x9;
	_ =	strace $0x8000004B  }
0x2b: {  	_ =	swait.ge [sflag:s29], $0x1  }
0x2c: {  	[sflag:s29] =	ssyncadd.s32 $0xFFFFFFFF  }
0x2d: {  	_ =	strace $0x9000004B  }
0x2e: {  	_ =	sfence  }
0x2f: {  	s30 =	sld [smem:$0x0];
	_ =	sdelay $0x2  }
0x30: {  	s31 =	sshll.u32 s1, $0xD;
	s1 =	sshrl.u32 s1, $0x2  }
0x31: {  	s3 =	sand.u32 $0x4000, s31;
	s1 =	sadd.s32 s1, s30  }
0x32: {  	s0 =	sor.u32 s3, s0;
	s1 =	sshll.u32 s1, $0x11  }
0x33: {  	s0 =	sor.u32 s1, s0  }
0x34: {  	s0 =	sadd.s32 $0x8F2B, s0  }
0x35: {  	[sflag:s0] =	ssyncadd.remote.s32 $0x1  }
0x36: {  	_ =	sfence.sel $0xFFFF  }
0x37: {  	[dreg:$0x0] =	wrdreg $0xFFFFFFFF;
	(pc) =	sbr.abs _section_cstart, $3  }
0x38: {  	[dreg:$0x1] =	wrdreg $0xFFFFFFFF  }
0x39: {  	_ =	task.clear_ibuf [dreg:s7], $0x2FFFF;
	_ =	strace $0x9FFFFFFF  }
0x3a: {  	(tm) =	ssettm $0x7FFFFFFF  }
0x3b: {  	_ =	shalt  }
tec
execute0_lowered:
.L_overlay_start_1:
0x0: {  	(tag) =	ssettag $0x1  }
0x1: {  	s0 =	srdreg.scid  }
0x2: {  	s1 =	sshll.u32 s0, $0x4  }
0x3: {  	s0 =	stileid.u32;
	s1 =	sand.u32 $0x10, s1  }
0x4: {  	s1 =	sor.u32 s0, s1  }
0x5: {  	s6 =	rddreg [dreg:$0x0];
	s4 =	simm.s32 $0x1;
	s2 =	sshll.u32 s1, $0x7  }
0x6: {  	s7 =	simm.s32 $0x2;
	s12 =	simm.s32 $0x0;
	s1 =	ssub.s32 $0x4000, s2  }
0x7: {  	s8 =	simm.s32 $0x20000;
	s13 =	simm.s32 $0x0;
	s3 =	sand.u32 $0xF80, s1  }
0x8: {  	s9 =	simm.s32 $0x0;
	s5 =	sshrl.u32 s1, $0xC;
	p0 =	sne.s32 s3, $0x0  }
.Ltmp0:
0x9: {  	s1 =	rddreg [dreg:$0x2];
	s4 =	simm.s32 @!p0 $0x0;
	(pc) =	sbr.rel .LBB1_1-.Ltmp0, $4  }
0xa: {  	s11 =	simm.s32 $0x0;
	s3 =	rddreg [dreg:$0x1];
	s5 =	sadd.s32 s4, s5  }
0xb: {  	_ =	strace $0x8000004A;
	s4 =	simm.s32 $0x1;
	s5 =	smul.u32 $0xC8, s5  }
0xc: {  	s6 =	sadd.s32 $0x800, s6;
	s10 =	smov.u32 s2;
	[sflag:s4] =	ssyncpa.u1 $0x0  }
0xd: {  	p0 =	por $0x0, $0x0;
	[sflag:s7] =	ssyncpa.u1 $0x0;
	s7 =	sor.u32 $0x1, s5  }
.LBB1_4:
0xe: {  	s16 =	sshll.u32 s13, $0x3;
	s17 =	sand.u32 $0x78, s13  }
0xf: {  	s30 =	sand.u32 $0x7800, s13;
	s12 =	sshll.u32 s12, $0xF;
	s16 =	sand.u32 $0x3C00, s16  }
0x10: {  	s31 =	sand.u32 $0x7, s13;
	s16 =	sor.u32 s17, s16;
	s17 =	sadd.s32 s3, s30  }
0x11: {  	s13 =	sshll.u32 s31, $0x12;
	s16 =	sshrl.u32 s16, $0x3;
	s12 =	sadd.s32 s12, s17  }
0x12: {  	[tilespmem:s15+$0x0 ss:$0x81] =	vst.msk $0xffff, v1;
	s13 =	sor.u32 $0x400, s13;
	s12 =	sadd.s32 s16, s12  }
0x13: {  	[hbm4b:s12+s13] =	stream.strided.scatter [tilespmem:s14], [sflag:$0x2], $0x800, s8, s13, $0x20;
	[tilespmem:$0x2020] =	vst v63  }
.LBB1_5:
0x14: {  	s14 =	sadd.s32 $0x1, s9  }
0x15: {  	s12 =	sadd.s32 $0x1000, s10;
	s16 =	smov.u32 s10;
	p2 =	sgt.s32 s14, $0xC7  }
0x16: {  	s16 =	smov.u32 @p2 s12  }
0x17: {  	s14 =	simm.s32 @p2 $0x0;
	p2 =	sgt.s32 s16, $0x3FFF  }
0x18: {  	s16 =	smov.u32 @p2 s2;
	p2 =	sne.s32 s11, s7  }
.Ltmp1:
0x19: {  	p1 =	slt.u32 s11, $0x2;
	(pc) =	sbr.rel @!p2 .LBB1_6-.Ltmp1, $4  }
0x1a: {  	s15 =	simm.s32 @!p1 $0x2  }
0x1b: {  	s13 =	smov.u32 s10;
	p0 =	por !p0, !p0;
	_ =	swait.ge @!p1 [sflag:s15], $0x800  }
0x1c: {  	s12 =	smov.u32 s9;
	[sflag:s15] =	ssyncset.done @!p1 $0x0;
	s9 =	smov.u32 s14  }
0x1d: {  	s11 =	sadd.s32 $0x1, s11;
	[sflag:s15] =	ssyncadd.s32 @!p1 $0xFFFFF800;
	s10 =	smov.u32 s16  }
.LBB1_1:
0x1e: {  	p1 =	sge.u32 s11, s5  }
0x1f: {  	s14 =	sand.u32 @!p1 $0x1FFFFFF, s9  }
0x20: {  	s15 =	smulhi.u32 @!p1 $0x147AE15, s14;
	_ =	sdelay $0x1  }
0x21: {  	s15 =	smul.u32 @!p1 $0xC8, s15  }
0x22: {  	s16 =	sxor.u32 @!p1 $0xFFFFFFFF, s11;
	s17 =	smul.u32 @!p1 $0xC80, s10  }
0x23: {  	s31 =	sadd.s32 $0xFFFFFFFF, s11;
	s16 =	sshll.u32 @!p1 s16, $0xB;
	s14 =	ssub.s32 @!p1 s14, s15  }
0x24: {  	s15 =	sand.u32 @!p1 $0x800, s16;
	s16 =	sadd.s32 @!p1 s6, s17;
	s14 =	sshll.u32 @!p1 s14, $0x4  }
0x25: {  	s17 =	simm.s32 @!p1 $0x6400;
	s14 =	sadd.s32 @!p1 s14, s16;
	s16 =	simm.s32 @!p1 $0x10  }
0x26: {  	[tilespmem:s15], [sflag:$0x1] =	stream.strided.gather @!p1 [hbm4b:s14+s16], $0x800, s17, s16, $0x38;
	[tilespmem:$0x2020] =	vst v63  }
0x27: {  	p1 =	sge.u32 s31, s5  }
.Ltmp2:
0x28: {  	_ = 	snop;
	(pc) =	sbr.rel @p1 .LBB1_5-.Ltmp2, $1  }
0x29: {  	_ =	sdelay $0x3  }
0x2a: {  	s14 =	simm.s32 $0x1  }
0x2b: {  	s14 =	simm.s32 @!p0 $0x0  }
0x2c: {  	s15 =	sshll.u32 s14, $0xB  }
0x2d: {  	v0 =	vmov s15;
	_ =	sdelay $0x1  }
0x2e: {  	_ =	swait.ge [sflag:s4], $0x800  }
0x2f: {  	s31 =	sand.u32 $0x1, s11;
	[sflag:s4] =	ssyncset.done $0x0  }
0x30: {  	s17 =	simm.s32 $0x0;
	s14 =	smul.u32 $0x2040, s14;
	[sflag:s4] =	ssyncadd.s32 $0xFFFFF800  }
0x31: {  	s15 =	smul.u32 $0x2040, s31;
	v1 =	vld.idx.msk [tilespmem:v0+s17+$0x0 ss:$0x1], $0xffff;
	_ =	sdelay $0x1  }
0x32: {  	s14 =	sshrl.u32 s14, $0x2;
	s16 =	sshrl.u32 s15, $0x2  }
0x33: {  	s15 =	sor.u32 $0x1000, s14;
	s14 =	sor.u32 $0x1000, s16;
	s16 =	simm.s32 $0x40  }
.LBB1_3:
0x34: {  	s17 =	sshra.s32 s16, $0x2;
	p1 =	sne.s32 s16, $0x1FC0;
	s16 =	sadd.s32 $0x40, s16  }
.Ltmp3:
0x35: {  	[tilespmem:s15+$0x0 ss:$0x81] =	vst.msk $0xffff, v1;
	v1 =	vld.idx.msk [tilespmem:v0+s17+$0x0 ss:$0x1], $0xffff;
	(pc) =	sbr.rel @p1 .LBB1_3-.Ltmp3, $2  }
0x36: {  	_ =	sdelay $0x2  }
0x37: {  	s15 =	sadd.s32 $0x1, s15  }
.Ltmp4:
0x38: {  	_ = 	snop;
	(pc) =	sbr.rel .LBB1_4-.Ltmp4, $1  }
0x39: {  	_ =	sdelay $0x3  }
.LBB1_6:
0x3a: {  	_ =	sfence.sel $0x180000  }
0x3b: {  	s2 =	simm.s32 $0x1;
	[bflag:$0x0] =	sbarrier.arrive $0xFFFF  }
0x3c: {  	s31 =	simm.s32 $0x2;
	[sflag:s2] =	ssyncpa.u1 $0x1  }
0x3d: {  	[sflag:s31] =	ssyncpa.u1 $0x1  }
0x3e: {  	p0 =	sne.s32 s0, $0x0;
	_ =	strace $0x9000004A  }
0x3f: {  	s0 =	sadd.s32 @!p0 $0x100000, s1;
	[bflag:$0x2] =	sbarrier.arrive $0xFFFF  }
0x40: {  	[sflag:s0] =	ssyncadd.tile.s32 @!p0 $0x1;
	_ =	shalt  }
.Lfunc_end1:
_tile_overlayer_lowered:
.L_overlay_start_2:
0x41: {  	(tag) =	ssettag $0x2  }
0x42: {  	s0 =	rddreg [dreg:$0x0];
	s2 =	stileid.u32  }
0x43: {  	s1 =	rddreg [dreg:$0x1];
	p0 =	sne.s32 s2, $0x0  }
0x44: {  	s3 =	rddreg [dreg:$0x2];
	[bflag:$0x3] =	sbarrier.arrive $0xFFFF;
	s2 =	simm.s32 @!p0 $0x1C01  }
0x45: {  	[timem:s3], [sflag:s2] =	dma.local @!p0 [hbm:s0], s1  }
0x46: {  	s0 =	simm.s32 @!p0 $0x1  }
0x47: {  	_ =	swait.ge @!p0 [sflag:s0], s1  }
0x48: {  	s1 =	ssub.s32 @!p0 $0x0, s1;
	[sflag:s0] =	ssyncset.done @!p0 $0x0  }
0x49: {  	[sflag:s0] =	ssyncadd.s32 @!p0 s1  }
0x4a: {  	[bflag:$0x3] =	sbarrier.arrive $0xFFFF  }
0x4b: {  	_ =	shalt  }

</sc_bundles>
